<compile_context>
chip_gen: v7x
topology: tpu7x:2x2x1
jax: 0.10.2.dev20260603
libtpu: 0.0.44.dev20260713+nightly
codegen_flags: <defaults>
</compile_context>

<pallas_src>
import functools

import jax
import jax.numpy as jnp
from jax import lax
from jax.experimental import pallas as pl
from jax.experimental.pallas import tpu as pltpu
from jax.experimental.pallas import tpu_sc as plsc

_B, _T, _D, _V = 64, 2048, 512, 32000
_NC, _NS = 2, 16
_NW = _NC * _NS
_TPW = _T // _NW
_L = 16
_HB = _TPW // 2
_NB = 4
_NSTEP = 2 * _B


def _build():
    mesh = plsc.VectorSubcoreMesh(core_axis_name="c", subcore_axis_name="s")

    @functools.partial(
        pl.kernel,
        mesh=mesh,
        out_type=jax.ShapeDtypeStruct((_B * _T, _D), jnp.float32),
        scratch_types=[
            pltpu.VMEM((_B * _TPW,), jnp.int32),
            pltpu.VMEM((_TPW, _D), jnp.float32),
            pltpu.VMEM((_HB, _D), jnp.float32),
            pltpu.VMEM((_HB, _D), jnp.float32),
            pltpu.VMEM((_HB, _D), jnp.float32),
            pltpu.VMEM((_HB, _D), jnp.float32),
            pltpu.SemaphoreType.DMA,
            pltpu.SemaphoreType.DMA,
            pltpu.SemaphoreType.DMA,
            pltpu.SemaphoreType.DMA,
            pltpu.SemaphoreType.DMA,
            pltpu.SemaphoreType.DMA,
            pltpu.SemaphoreType.DMA,
            pltpu.SemaphoreType.DMA,
            pltpu.SemaphoreType.DMA,
        ],
    )
    def enc(ids_hbm, emb_hbm, pe_hbm, out_hbm, idx_v, pe_v,
            r0, r1, r2, r3, isem, g0, g1, g2, g3, s0, s1, s2, s3):
        bufs, gs, ss = (r0, r1, r2, r3), (g0, g1, g2, g3), (s0, s1, s2, s3)
        wid = lax.axis_index("s") * _NC + lax.axis_index("c")
        t0 = wid * _TPW

        def stage_idx(b, c):
            pltpu.async_copy(ids_hbm.at[pl.ds(b * _T + t0, _TPW)],
                             idx_v.at[pl.ds(b * _TPW, _TPW)], isem)
            return c

        lax.fori_loop(0, _B, stage_idx, 0)
        pe_copy = pltpu.make_async_copy(pe_hbm.at[pl.ds(t0, _TPW), :],
                                        pe_v, s3)
        pe_copy.start()
        pltpu.make_async_copy(ids_hbm.at[pl.ds(0, _B * _TPW)], idx_v,
                              isem).wait()

        def start_g(s, i):
            off = (s >> 1) * _TPW + (s & 1) * _HB
            pltpu.async_copy(emb_hbm.at[idx_v.at[pl.ds(off, _HB)]],
                             bufs[i], gs[i])

        def wait_g(i):
            pltpu.make_async_copy(emb_hbm.at[pl.ds(0, _HB), :], bufs[i],
                                  gs[i]).wait()

        def start_s(s, i):
            row0 = (s >> 1) * _T + t0 + (s & 1) * _HB
            pltpu.async_copy(bufs[i], out_hbm.at[pl.ds(row0, _HB), :], ss[i])

        def wait_s(i):
            pltpu.make_async_copy(bufs[i], out_hbm.at[pl.ds(0, _HB), :],
                                  ss[i]).wait()

        def add_pe(s, i):
            buf = bufs[i]
            hbase = (s & 1) * _HB

            def rloop(r, c):
                for j in range(_D // _L):
                    sl = pl.ds(j * _L, _L)
                    plsc.addupdate(buf.at[r, sl], pe_v[hbase + r, sl])
                return c

            lax.fori_loop(0, _HB, rloop, 0)

        start_g(0, 0)
        start_g(1, 1)
        pe_copy.wait()

        def body(g, carry):
            for k in range(_NB):
                s = _NB * g + k
                wait_g(k)
                nxt = (k + 2) % _NB

                @pl.when(s >= 2)
                def _():
                    wait_s(nxt)

                @pl.when(s + 2 < _NSTEP)
                def _():
                    start_g(s + 2, nxt)

                add_pe(s, k)
                start_s(s, k)
            return carry

        lax.fori_loop(0, _NSTEP // _NB, body, 0)
        wait_s(2)
        wait_s(3)

    return enc


def kernel(text_ids, embedding, pe):
    ids_flat = text_ids.astype(jnp.int32).reshape(-1)
    pe2 = pe.reshape(pe.shape[1], pe.shape[2])[:_T]
    out = _build()(ids_flat, embedding, pe2)
    return out.reshape(_B, _T, _D)

# --- scband reference (transcript-rebuilt; emitter-appended) ---
"""Pipeline reference for scband-text-encoder-38062000177380 (READ-ONLY COPY).

The authoritative reference and input builder live on the scoring server;
editing this copy changes nothing except your own understanding.
"""

import math
import jax, jax.numpy as jnp
import numpy as np

VOCAB = 32000
DIM = 512
MAX_LEN = 2048
B, T = 64, 2048


def _make_pe(max_len, dim):
    pe = np.zeros((max_len, dim), dtype=np.float32)
    position = np.arange(0, max_len, dtype=np.float32)[:, None]
    div_term = np.exp(np.arange(0, dim, 2).astype(np.float32) * (-math.log(10000.0) / dim))
    pe[:, 0::2] = np.sin(position * div_term)
    pe[:, 1::2] = np.cos(position * div_term)
    return jnp.asarray(pe)[None, :, :]  # [1, max_len, dim]


def setup_inputs(seed: int = 0) -> dict:
    key = jax.random.key(seed)
    k1, k2 = jax.random.split(key)
    text_ids = jax.random.randint(k1, (B, T), 0, VOCAB, dtype=jnp.int64 if jax.config.jax_enable_x64 else jnp.int32)
    embedding = jax.random.normal(k2, (VOCAB, DIM), dtype=jnp.float32)
    pe = _make_pe(MAX_LEN, DIM)
    return {"text_ids": text_ids, "embedding": embedding, "pe": pe}


def reference(text_ids, embedding, pe):
    # x = self.embedding(text_ids)
    x = jnp.take(embedding, text_ids, axis=0)  # [B, T, dim]
    # x = x + self.pe[:, :x.shape[1], :]
    x = x + pe[:, : x.shape[1], :]
    return x

if __name__ == "__main__":
    import jax
    _d = setup_inputs()
    print(jax.jit(kernel)(*tuple(_d.values())))

</pallas_src>

<mosaic_0001>
#map = affine_map<(d0, d1) -> (0)>
#map1 = affine_map<(d0, d1) -> (0, 0)>
module attributes {stable_mosaic.version = 14 : i64} {
  func.func @enc(%arg0: i32, %arg1: i32, %arg2: memref<131072xi32, #tpu.memory_space<hbm>>, %arg3: memref<32000x512xf32, #tpu.memory_space<hbm>>, %arg4: memref<2048x512xf32, #tpu.memory_space<hbm>>, %arg5: memref<131072x512xf32, #tpu.memory_space<hbm>>, %arg6: memref<4096xi32, #tpu.memory_space<vmem>>, %arg7: memref<64x512xf32, #tpu.memory_space<vmem>>, %arg8: memref<32x512xf32, #tpu.memory_space<vmem>>, %arg9: memref<32x512xf32, #tpu.memory_space<vmem>>, %arg10: memref<32x512xf32, #tpu.memory_space<vmem>>, %arg11: memref<32x512xf32, #tpu.memory_space<vmem>>, %arg12: memref<!tpu.dma_semaphore, #tpu.memory_space<semaphore_mem>>, %arg13: memref<!tpu.dma_semaphore, #tpu.memory_space<semaphore_mem>>, %arg14: memref<!tpu.dma_semaphore, #tpu.memory_space<semaphore_mem>>, %arg15: memref<!tpu.dma_semaphore, #tpu.memory_space<semaphore_mem>>, %arg16: memref<!tpu.dma_semaphore, #tpu.memory_space<semaphore_mem>>, %arg17: memref<!tpu.dma_semaphore, #tpu.memory_space<semaphore_mem>>, %arg18: memref<!tpu.dma_semaphore, #tpu.memory_space<semaphore_mem>>, %arg19: memref<!tpu.dma_semaphore, #tpu.memory_space<semaphore_mem>>, %arg20: memref<!tpu.dma_semaphore, #tpu.memory_space<semaphore_mem>>) attributes {dimension_semantics = [#tpu.dimension_semantics<core_parallel>, #tpu.dimension_semantics<subcore_parallel>], iteration_bounds = array<i64: 2, 16>, scalar_prefetch = 0 : i64, scratch_operands = 15 : i64, tpu.core_type = #tpu.core_type<sc_vector_subcore>, window_params = [{transform_indices = #map}, {transform_indices = #map1}, {transform_indices = #map1}, {transform_indices = #map1}]} {
    %mul3A = arith.constant 2 : i32
    %mul3A_0 = arith.muli %arg1, %mul3A : i32
    %add3A = arith.addi %mul3A_0, %arg0 : i32
    %mul3A_1 = arith.constant 64 : i32
    %mul3A_2 = arith.muli %add3A, %mul3A_1 : i32
    %scan3A = arith.constant 0 : i32
    %scan3A_3 = arith.constant 0 : i32
    %scan3A_4 = arith.constant 64 : i32
    %scan3A_5 = arith.addi %scan3A_3, %scan3A_4 : i32
    %scan3A_6 = arith.constant 1 : i32
    scf.for %scan3A_46 = %scan3A_3 to %scan3A_5 step %scan3A_6  : i32 {
      %mul3A_47 = arith.constant 2048 : i32
      %mul3A_48 = arith.muli %scan3A_46, %mul3A_47 : i32
      %add3A_49 = arith.addi %mul3A_48, %mul3A_2 : i32
      %mul3A_50 = arith.constant 64 : i32
      %mul3A_51 = arith.muli %scan3A_46, %mul3A_50 : i32
      %dma_start3A_52 = tpu.memref_slice %arg6[%mul3A_51] : memref<4096xi32, #tpu.memory_space<vmem>> -> memref<64xi32, #tpu.memory_space<vmem>>
      %dma_start3A_53 = tpu.memref_slice %arg2[%add3A_49] : memref<131072xi32, #tpu.memory_space<hbm>> -> memref<64xi32, #tpu.memory_space<hbm>>
      %dma_start3A_54 = tpu.memref_slice %arg6[%mul3A_51] : memref<4096xi32, #tpu.memory_space<vmem>> -> memref<64xi32, #tpu.memory_space<vmem>>
      %dma_start3A_55 = tpu.memref_slice %arg2[%add3A_49] : memref<131072xi32, #tpu.memory_space<hbm>> -> memref<64xi32, #tpu.memory_space<hbm>>
      tpu.enqueue_dma source(%dma_start3A_55 : memref<64xi32, #tpu.memory_space<hbm>>) target(%dma_start3A_54 : memref<64xi32, #tpu.memory_space<vmem>>) target_semaphore(%arg12 : memref<!tpu.dma_semaphore, #tpu.memory_space<semaphore_mem>>)
    }
    %scan3A_7 = arith.constant 64 : i32
    %dma_start3A = arith.constant 0 : i32
    %dma_start3A_8 = tpu.memref_slice %arg4[%mul3A_2, %dma_start3A] : memref<2048x512xf32, #tpu.memory_space<hbm>> -> memref<64x512xf32, #tpu.memory_space<hbm>>
    %dma_start3A_9 = arith.constant 0 : i32
    %dma_start3A_10 = tpu.memref_slice %arg4[%mul3A_2, %dma_start3A_9] : memref<2048x512xf32, #tpu.memory_space<hbm>> -> memref<64x512xf32, #tpu.memory_space<hbm>>
    tpu.enqueue_dma source(%dma_start3A_10 : memref<64x512xf32, #tpu.memory_space<hbm>>) target(%arg7 : memref<64x512xf32, #tpu.memory_space<vmem>>) target_semaphore(%arg20 : memref<!tpu.dma_semaphore, #tpu.memory_space<semaphore_mem>>)
    %dma_wait3A = arith.constant 0 : i32
    %dma_wait3A_11 = tpu.memref_slice %arg2[%dma_wait3A] : memref<131072xi32, #tpu.memory_space<hbm>> -> memref<4096xi32, #tpu.memory_space<hbm>>
    %dma_wait3A_12 = arith.constant 0 : i32
    %dma_wait3A_13 = tpu.memref_slice %arg2[%dma_wait3A_12] : memref<131072xi32, #tpu.memory_space<hbm>> -> memref<4096xi32, #tpu.memory_space<hbm>>
    tpu.wait_dma2 semaphore(%arg12 : memref<!tpu.dma_semaphore, #tpu.memory_space<semaphore_mem>>) src(%dma_wait3A_13 : memref<4096xi32, #tpu.memory_space<hbm>>) dst(%arg6 : memref<4096xi32, #tpu.memory_space<vmem>>)
    %dma_start3A_14 = arith.constant 0 : i32
    %dma_start3A_15 = tpu.memref_slice %arg6[%dma_start3A_14] : memref<4096xi32, #tpu.memory_space<vmem>> -> memref<32xi32, #tpu.memory_space<vmem>>
    %dma_start3A_16 = arith.constant 0 : i32
    %dma_start3A_17 = arith.constant 0 : i32
    %dma_start3A_18 = tpu.memref_slice %arg3[%dma_start3A_16, %dma_start3A_17] : memref<32000x512xf32, #tpu.memory_space<hbm>> -> memref<32000x512xf32, #tpu.memory_space<hbm>>
    tpu.enqueue_indirect_dma source(%dma_start3A_18 : memref<32000x512xf32, #tpu.memory_space<hbm>>) target(%arg8 : memref<32x512xf32, #tpu.memory_space<vmem>>) offsets(%dma_start3A_15 : memref<32xi32, #tpu.memory_space<vmem>>) semaphore(%arg13 : memref<!tpu.dma_semaphore, #tpu.memory_space<semaphore_mem>>)
    %dma_start3A_19 = arith.constant 32 : i32
    %dma_start3A_20 = tpu.memref_slice %arg6[%dma_start3A_19] : memref<4096xi32, #tpu.memory_space<vmem>> -> memref<32xi32, #tpu.memory_space<vmem>>
    %dma_start3A_21 = arith.constant 0 : i32
    %dma_start3A_22 = arith.constant 0 : i32
    %dma_start3A_23 = tpu.memref_slice %arg3[%dma_start3A_21, %dma_start3A_22] : memref<32000x512xf32, #tpu.memory_space<hbm>> -> memref<32000x512xf32, #tpu.memory_space<hbm>>
    tpu.enqueue_indirect_dma source(%dma_start3A_23 : memref<32000x512xf32, #tpu.memory_space<hbm>>) target(%arg9 : memref<32x512xf32, #tpu.memory_space<vmem>>) offsets(%dma_start3A_20 : memref<32xi32, #tpu.memory_space<vmem>>) semaphore(%arg14 : memref<!tpu.dma_semaphore, #tpu.memory_space<semaphore_mem>>)
    %dma_wait3A_24 = arith.constant 0 : i32
    %dma_wait3A_25 = tpu.memref_slice %arg4[%mul3A_2, %dma_wait3A_24] : memref<2048x512xf32, #tpu.memory_space<hbm>> -> memref<64x512xf32, #tpu.memory_space<hbm>>
    %dma_wait3A_26 = arith.constant 0 : i32
    %dma_wait3A_27 = tpu.memref_slice %arg4[%mul3A_2, %dma_wait3A_26] : memref<2048x512xf32, #tpu.memory_space<hbm>> -> memref<64x512xf32, #tpu.memory_space<hbm>>
    tpu.wait_dma2 semaphore(%arg20 : memref<!tpu.dma_semaphore, #tpu.memory_space<semaphore_mem>>) src(%dma_wait3A_27 : memref<64x512xf32, #tpu.memory_space<hbm>>) dst(%arg7 : memref<64x512xf32, #tpu.memory_space<vmem>>)
    %scan3A_28 = arith.constant 0 : i32
    %scan3A_29 = arith.constant 0 : i32
    %scan3A_30 = arith.constant 32 : i32
    %scan3A_31 = arith.addi %scan3A_29, %scan3A_30 : i32
    %scan3A_32 = arith.constant 1 : i32
    scf.for %scan3A_46 = %scan3A_29 to %scan3A_31 step %scan3A_32  : i32 {
      %mul3A_47 = arith.constant 4 : i32
      %mul3A_48 = arith.muli %mul3A_47, %scan3A_46 : i32
      %add3A_49 = arith.constant 0 : i32
      %add3A_50 = arith.addi %mul3A_48, %add3A_49 : i32
      %dma_wait3A_51 = arith.constant 0 : i32
      %dma_wait3A_52 = arith.constant 0 : i32
      %dma_wait3A_53 = tpu.memref_slice %arg3[%dma_wait3A_51, %dma_wait3A_52] : memref<32000x512xf32, #tpu.memory_space<hbm>> -> memref<32x512xf32, #tpu.memory_space<hbm>>
      %dma_wait3A_54 = arith.constant 0 : i32
      %dma_wait3A_55 = arith.constant 0 : i32
      %dma_wait3A_56 = tpu.memref_slice %arg3[%dma_wait3A_54, %dma_wait3A_55] : memref<32000x512xf32, #tpu.memory_space<hbm>> -> memref<32x512xf32, #tpu.memory_space<hbm>>
      tpu.wait_dma2 semaphore(%arg13 : memref<!tpu.dma_semaphore, #tpu.memory_space<semaphore_mem>>) src(%dma_wait3A_56 : memref<32x512xf32, #tpu.memory_space<hbm>>) dst(%arg8 : memref<32x512xf32, #tpu.memory_space<vmem>>)
      %ge3A = arith.constant 2 : i32
      %ge3A_57 = arith.cmpi sge, %add3A_50, %ge3A : i32
      %convert_element_type3A = arith.extui %ge3A_57 : i1 to i32
      %cond3A = arith.constant 0 : i32
      %cond3A_58 = arith.cmpi ne, %convert_element_type3A, %cond3A : i32
      scf.if %cond3A_58 {
        %dma_wait3A_225 = arith.constant 0 : i32
        %dma_wait3A_226 = arith.constant 0 : i32
        %dma_wait3A_227 = tpu.memref_slice %arg5[%dma_wait3A_225, %dma_wait3A_226] : memref<131072x512xf32, #tpu.memory_space<hbm>> -> memref<32x512xf32, #tpu.memory_space<hbm>>
        %dma_wait3A_228 = arith.constant 0 : i32
        %dma_wait3A_229 = arith.constant 0 : i32
        %dma_wait3A_230 = tpu.memref_slice %arg5[%dma_wait3A_228, %dma_wait3A_229] : memref<131072x512xf32, #tpu.memory_space<hbm>> -> memref<32x512xf32, #tpu.memory_space<hbm>>
        tpu.wait_dma2 semaphore(%arg19 : memref<!tpu.dma_semaphore, #tpu.memory_space<semaphore_mem>>) src(%arg10 : memref<32x512xf32, #tpu.memory_space<vmem>>) dst(%dma_wait3A_230 : memref<32x512xf32, #tpu.memory_space<hbm>>)
      } else {
      }
      %add3A_59 = arith.constant 2 : i32
      %add3A_60 = arith.addi %add3A_50, %add3A_59 : i32
      %lt3A = arith.constant 128 : i32
      %lt3A_61 = arith.cmpi slt, %add3A_60, %lt3A : i32
      %convert_element_type3A_62 = arith.extui %lt3A_61 : i1 to i32
      %cond3A_63 = arith.constant 0 : i32
      %cond3A_64 = arith.cmpi ne, %convert_element_type3A_62, %cond3A_63 : i32
      scf.if %cond3A_64 {
        %add3A_225 = arith.constant 2 : i32
        %add3A_226 = arith.addi %add3A_50, %add3A_225 : i32
        %shift_right_arithmetic3A_227 = arith.constant 1 : i32
        %shift_right_arithmetic3A_228 = arith.shrsi %add3A_226, %shift_right_arithmetic3A_227 : i32
        %mul3A_229 = arith.constant 64 : i32
        %mul3A_230 = arith.muli %shift_right_arithmetic3A_228, %mul3A_229 : i32
        %and3A_231 = arith.constant 1 : i32
        %and3A_232 = arith.andi %add3A_226, %and3A_231 : i32
        %mul3A_233 = arith.constant 32 : i32
        %mul3A_234 = arith.muli %and3A_232, %mul3A_233 : i32
        %add3A_235 = arith.addi %mul3A_230, %mul3A_234 : i32
        %dma_start3A_236 = tpu.memref_slice %arg6[%add3A_235] : memref<4096xi32, #tpu.memory_space<vmem>> -> memref<32xi32, #tpu.memory_space<vmem>>
        %dma_start3A_237 = arith.constant 0 : i32
        %dma_start3A_238 = arith.constant 0 : i32
        %dma_start3A_239 = tpu.memref_slice %arg3[%dma_start3A_237, %dma_start3A_238] : memref<32000x512xf32, #tpu.memory_space<hbm>> -> memref<32000x512xf32, #tpu.memory_space<hbm>>
        tpu.enqueue_indirect_dma source(%dma_start3A_239 : memref<32000x512xf32, #tpu.memory_space<hbm>>) target(%arg10 : memref<32x512xf32, #tpu.memory_space<vmem>>) offsets(%dma_start3A_236 : memref<32xi32, #tpu.memory_space<vmem>>) semaphore(%arg15 : memref<!tpu.dma_semaphore, #tpu.memory_space<semaphore_mem>>)
      } else {
      }
      %and3A = arith.constant 1 : i32
      %and3A_65 = arith.andi %add3A_50, %and3A : i32
      %mul3A_66 = arith.constant 32 : i32
      %mul3A_67 = arith.muli %and3A_65, %mul3A_66 : i32
      %scan3A_68 = arith.constant 0 : i32
      %scan3A_69 = arith.constant 0 : i32
      %scan3A_70 = arith.constant 32 : i32
      %scan3A_71 = arith.addi %scan3A_69, %scan3A_70 : i32
      %scan3A_72 = arith.constant 1 : i32
      scf.for %scan3A_225 = %scan3A_69 to %scan3A_71 step %scan3A_72  : i32 {
        %add3A_226 = arith.addi %mul3A_67, %scan3A_225 : i32
        %get3A = arith.index_cast %add3A_226 : i32 to index
        %get3A_227 = arith.constant 0 : index
        %get3A_228 = tpu.vector_load %arg7[%get3A, %get3A_227] {strides = array<i32>} : memref<64x512xf32, #tpu.memory_space<vmem>>, vector<1x16xf32>,
        %get3A_229 = vector.shape_cast %get3A_228 : vector<1x16xf32> to vector<16xf32>
        %swap3A = arith.index_cast %scan3A_225 : i32 to index
        %swap3A_230 = arith.constant 0 : index
        %swap3A_231 = tpu.vector_load %arg8[%swap3A, %swap3A_230] {strides = array<i32>} : memref<32x512xf32, #tpu.memory_space<vmem>>, vector<1x16xf32>,
        %swap3A_232 = vector.shape_cast %swap3A_231 : vector<1x16xf32> to vector<16xf32>
        %swap3A_233 = vector.shape_cast %get3A_229 : vector<16xf32> to vector<1x16xf32>
        tpu.vector_store %arg8[%swap3A, %swap3A_230], %swap3A_233 {add = true, strides = array<i32>} : memref<32x512xf32, #tpu.memory_space<vmem>>, vector<1x16xf32>,
        %add3A_234 = arith.addi %mul3A_67, %scan3A_225 : i32
        %get3A_235 = arith.index_cast %add3A_234 : i32 to index
        %get3A_236 = arith.constant 16 : index
        %get3A_237 = tpu.vector_load %arg7[%get3A_235, %get3A_236] {strides = array<i32>} : memref<64x512xf32, #tpu.memory_space<vmem>>, vector<1x16xf32>,
        %get3A_238 = vector.shape_cast %get3A_237 : vector<1x16xf32> to vector<16xf32>
        %swap3A_239 = arith.index_cast %scan3A_225 : i32 to index
        %swap3A_240 = arith.constant 16 : index
        %swap3A_241 = tpu.vector_load %arg8[%swap3A_239, %swap3A_240] {strides = array<i32>} : memref<32x512xf32, #tpu.memory_space<vmem>>, vector<1x16xf32>,
        %swap3A_242 = vector.shape_cast %swap3A_241 : vector<1x16xf32> to vector<16xf32>
        %swap3A_243 = vector.shape_cast %get3A_238 : vector<16xf32> to vector<1x16xf32>
        tpu.vector_store %arg8[%swap3A_239, %swap3A_240], %swap3A_243 {add = true, strides = array<i32>} : memref<32x512xf32, #tpu.memory_space<vmem>>, vector<1x16xf32>,
        %add3A_244 = arith.addi %mul3A_67, %scan3A_225 : i32
        %get3A_245 = arith.index_cast %add3A_244 : i32 to index
        %get3A_246 = arith.constant 32 : index
        %get3A_247 = tpu.vector_load %arg7[%get3A_245, %get3A_246] {strides = array<i32>} : memref<64x512xf32, #tpu.memory_space<vmem>>, vector<1x16xf32>,
        %get3A_248 = vector.shape_cast %get3A_247 : vector<1x16xf32> to vector<16xf32>
        %swap3A_249 = arith.index_cast %scan3A_225 : i32 to index
        %swap3A_250 = arith.constant 32 : index
        %swap3A_251 = tpu.vector_load %arg8[%swap3A_249, %swap3A_250] {strides = array<i32>} : memref<32x512xf32, #tpu.memory_space<vmem>>, vector<1x16xf32>,
        %swap3A_252 = vector.shape_cast %swap3A_251 : vector<1x16xf32> to vector<16xf32>
        %swap3A_253 = vector.shape_cast %get3A_248 : vector<16xf32> to vector<1x16xf32>
        tpu.vector_store %arg8[%swap3A_249, %swap3A_250], %swap3A_253 {add = true, strides = array<i32>} : memref<32x512xf32, #tpu.memory_space<vmem>>, vector<1x16xf32>,
        %add3A_254 = arith.addi %mul3A_67, %scan3A_225 : i32
        %get3A_255 = arith.index_cast %add3A_254 : i32 to index
        %get3A_256 = arith.constant 48 : index
        %get3A_257 = tpu.vector_load %arg7[%get3A_255, %get3A_256] {strides = array<i32>} : memref<64x512xf32, #tpu.memory_space<vmem>>, vector<1x16xf32>,
        %get3A_258 = vector.shape_cast %get3A_257 : vector<1x16xf32> to vector<16xf32>
        %swap3A_259 = arith.index_cast %scan3A_225 : i32 to index
        %swap3A_260 = arith.constant 48 : index
        %swap3A_261 = tpu.vector_load %arg8[%swap3A_259, %swap3A_260] {strides = array<i32>} : memref<32x512xf32, #tpu.memory_space<vmem>>, vector<1x16xf32>,
        %swap3A_262 = vector.shape_cast %swap3A_261 : vector<1x16xf32> to vector<16xf32>
        %swap3A_263 = vector.shape_cast %get3A_258 : vector<16xf32> to vector<1x16xf32>
        tpu.vector_store %arg8[%swap3A_259, %swap3A_260], %swap3A_263 {add = true, strides = array<i32>} : memref<32x512xf32, #tpu.memory_space<vmem>>, vector<1x16xf32>,
        %add3A_264 = arith.addi %mul3A_67, %scan3A_225 : i32
        %get3A_265 = arith.index_cast %add3A_264 : i32 to index
        %get3A_266 = arith.constant 64 : index
        %get3A_267 = tpu.vector_load %arg7[%get3A_265, %get3A_266] {strides = array<i32>} : memref<64x512xf32, #tpu.memory_space<vmem>>, vector<1x16xf32>,
        %get3A_268 = vector.shape_cast %get3A_267 : vector<1x16xf32> to vector<16xf32>
        %swap3A_269 = arith.index_cast %scan3A_225 : i32 to index
        %swap3A_270 = arith.constant 64 : index
        %swap3A_271 = tpu.vector_load %arg8[%swap3A_269, %swap3A_270] {strides = array<i32>} : memref<32x512xf32, #tpu.memory_space<vmem>>, vector<1x16xf32>,
        %swap3A_272 = vector.shape_cast %swap3A_271 : vector<1x16xf32> to vector<16xf32>
        %swap3A_273 = vector.shape_cast %get3A_268 : vector<16xf32> to vector<1x16xf32>
        tpu.vector_store %arg8[%swap3A_269, %swap3A_270], %swap3A_273 {add = true, strides = array<i32>} : memref<32x512xf32, #tpu.memory_space<vmem>>, vector<1x16xf32>,
        %add3A_274 = arith.addi %mul3A_67, %scan3A_225 : i32
        %get3A_275 = arith.index_cast %add3A_274 : i32 to index
        %get3A_276 = arith.constant 80 : index
        %get3A_277 = tpu.vector_load %arg7[%get3A_275, %get3A_276] {strides = array<i32>} : memref<64x512xf32, #tpu.memory_space<vmem>>, vector<1x16xf32>,
        %get3A_278 = vector.shape_cast %get3A_277 : vector<1x16xf32> to vector<16xf32>
        %swap3A_279 = arith.index_cast %scan3A_225 : i32 to index
        %swap3A_280 = arith.constant 80 : index
        %swap3A_281 = tpu.vector_load %arg8[%swap3A_279, %swap3A_280] {strides = array<i32>} : memref<32x512xf32, #tpu.memory_space<vmem>>, vector<1x16xf32>,
        %swap3A_282 = vector.shape_cast %swap3A_281 : vector<1x16xf32> to vector<16xf32>
        %swap3A_283 = vector.shape_cast %get3A_278 : vector<16xf32> to vector<1x16xf32>
        tpu.vector_store %arg8[%swap3A_279, %swap3A_280], %swap3A_283 {add = true, strides = array<i32>} : memref<32x512xf32, #tpu.memory_space<vmem>>, vector<1x16xf32>,
        %add3A_284 = arith.addi %mul3A_67, %scan3A_225 : i32
        %get3A_285 = arith.index_cast %add3A_284 : i32 to index
        %get3A_286 = arith.constant 96 : index
        %get3A_287 = tpu.vector_load %arg7[%get3A_285, %get3A_286] {strides = array<i32>} : memref<64x512xf32, #tpu.memory_space<vmem>>, vector<1x16xf32>,
        %get3A_288 = vector.shape_cast %get3A_287 : vector<1x16xf32> to vector<16xf32>
        %swap3A_289 = arith.index_cast %scan3A_225 : i32 to index
        %swap3A_290 = arith.constant 96 : index
        %swap3A_291 = tpu.vector_load %arg8[%swap3A_289, %swap3A_290] {strides = array<i32>} : memref<32x512xf32, #tpu.memory_space<vmem>>, vector<1x16xf32>,
        %swap3A_292 = vector.shape_cast %swap3A_291 : vector<1x16xf32> to vector<16xf32>
        %swap3A_293 = vector.shape_cast %get3A_288 : vector<16xf32> to vector<1x16xf32>
        tpu.vector_store %arg8[%swap3A_289, %swap3A_290], %swap3A_293 {add = true, strides = array<i32>} : memref<32x512xf32, #tpu.memory_space<vmem>>, vector<1x16xf32>,
        %add3A_294 = arith.addi %mul3A_67, %scan3A_225 : i32
        %get3A_295 = arith.index_cast %add3A_294 : i32 to index
        %get3A_296 = arith.constant 112 : index
        %get3A_297 = tpu.vector_load %arg7[%get3A_295, %get3A_296] {strides = array<i32>} : memref<64x512xf32, #tpu.memory_space<vmem>>, vector<1x16xf32>,
        %get3A_298 = vector.shape_cast %get3A_297 : vector<1x16xf32> to vector<16xf32>
        %swap3A_299 = arith.index_cast %scan3A_225 : i32 to index
        %swap3A_300 = arith.constant 112 : index
        %swap3A_301 = tpu.vector_load %arg8[%swap3A_299, %swap3A_300] {strides = array<i32>} : memref<32x512xf32, #tpu.memory_space<vmem>>, vector<1x16xf32>,
        %swap3A_302 = vector.shape_cast %swap3A_301 : vector<1x16xf32> to vector<16xf32>
        %swap3A_303 = vector.shape_cast %get3A_298 : vector<16xf32> to vector<1x16xf32>
        tpu.vector_store %arg8[%swap3A_299, %swap3A_300], %swap3A_303 {add = true, strides = array<i32>} : memref<32x512xf32, #tpu.memory_space<vmem>>, vector<1x16xf32>,
        %add3A_304 = arith.addi %mul3A_67, %scan3A_225 : i32
        %get3A_305 = arith.index_cast %add3A_304 : i32 to index
        %get3A_306 = arith.constant 128 : index
        %get3A_307 = tpu.vector_load %arg7[%get3A_305, %get3A_306] {strides = array<i32>} : memref<64x512xf32, #tpu.memory_space<vmem>>, vector<1x16xf32>,
        %get3A_308 = vector.shape_cast %get3A_307 : vector<1x16xf32> to vector<16xf32>
        %swap3A_309 = arith.index_cast %scan3A_225 : i32 to index
        %swap3A_310 = arith.constant 128 : index
        %swap3A_311 = tpu.vector_load %arg8[%swap3A_309, %swap3A_310] {strides = array<i32>} : memref<32x512xf32, #tpu.memory_space<vmem>>, vector<1x16xf32>,
        %swap3A_312 = vector.shape_cast %swap3A_311 : vector<1x16xf32> to vector<16xf32>
        %swap3A_313 = vector.shape_cast %get3A_308 : vector<16xf32> to vector<1x16xf32>
        tpu.vector_store %arg8[%swap3A_309, %swap3A_310], %swap3A_313 {add = true, strides = array<i32>} : memref<32x512xf32, #tpu.memory_space<vmem>>, vector<1x16xf32>,
        %add3A_314 = arith.addi %mul3A_67, %scan3A_225 : i32
        %get3A_315 = arith.index_cast %add3A_314 : i32 to index
        %get3A_316 = arith.constant 144 : index
        %get3A_317 = tpu.vector_load %arg7[%get3A_315, %get3A_316] {strides = array<i32>} : memref<64x512xf32, #tpu.memory_space<vmem>>, vector<1x16xf32>,
        %get3A_318 = vector.shape_cast %get3A_317 : vector<1x16xf32> to vector<16xf32>
        %swap3A_319 = arith.index_cast %scan3A_225 : i32 to index
        %swap3A_320 = arith.constant 144 : index
        %swap3A_321 = tpu.vector_load %arg8[%swap3A_319, %swap3A_320] {strides = array<i32>} : memref<32x512xf32, #tpu.memory_space<vmem>>, vector<1x16xf32>,
        %swap3A_322 = vector.shape_cast %swap3A_321 : vector<1x16xf32> to vector<16xf32>
        %swap3A_323 = vector.shape_cast %get3A_318 : vector<16xf32> to vector<1x16xf32>
        tpu.vector_store %arg8[%swap3A_319, %swap3A_320], %swap3A_323 {add = true, strides = array<i32>} : memref<32x512xf32, #tpu.memory_space<vmem>>, vector<1x16xf32>,
        %add3A_324 = arith.addi %mul3A_67, %scan3A_225 : i32
        %get3A_325 = arith.index_cast %add3A_324 : i32 to index
        %get3A_326 = arith.constant 160 : index
        %get3A_327 = tpu.vector_load %arg7[%get3A_325, %get3A_326] {strides = array<i32>} : memref<64x512xf32, #tpu.memory_space<vmem>>, vector<1x16xf32>,
        %get3A_328 = vector.shape_cast %get3A_327 : vector<1x16xf32> to vector<16xf32>
        %swap3A_329 = arith.index_cast %scan3A_225 : i32 to index
        %swap3A_330 = arith.constant 160 : index
        %swap3A_331 = tpu.vector_load %arg8[%swap3A_329, %swap3A_330] {strides = array<i32>} : memref<32x512xf32, #tpu.memory_space<vmem>>, vector<1x16xf32>,
        %swap3A_332 = vector.shape_cast %swap3A_331 : vector<1x16xf32> to vector<16xf32>
        %swap3A_333 = vector.shape_cast %get3A_328 : vector<16xf32> to vector<1x16xf32>
        tpu.vector_store %arg8[%swap3A_329, %swap3A_330], %swap3A_333 {add = true, strides = array<i32>} : memref<32x512xf32, #tpu.memory_space<vmem>>, vector<1x16xf32>,
        %add3A_334 = arith.addi %mul3A_67, %scan3A_225 : i32
        %get3A_335 = arith.index_cast %add3A_334 : i32 to index
        %get3A_336 = arith.constant 176 : index
        %get3A_337 = tpu.vector_load %arg7[%get3A_335, %get3A_336] {strides = array<i32>} : memref<64x512xf32, #tpu.memory_space<vmem>>, vector<1x16xf32>,
        %get3A_338 = vector.shape_cast %get3A_337 : vector<1x16xf32> to vector<16xf32>
        %swap3A_339 = arith.index_cast %scan3A_225 : i32 to index
        %swap3A_340 = arith.constant 176 : index
        %swap3A_341 = tpu.vector_load %arg8[%swap3A_339, %swap3A_340] {strides = array<i32>} : memref<32x512xf32, #tpu.memory_space<vmem>>, vector<1x16xf32>,
        %swap3A_342 = vector.shape_cast %swap3A_341 : vector<1x16xf32> to vector<16xf32>
        %swap3A_343 = vector.shape_cast %get3A_338 : vector<16xf32> to vector<1x16xf32>
        tpu.vector_store %arg8[%swap3A_339, %swap3A_340], %swap3A_343 {add = true, strides = array<i32>} : memref<32x512xf32, #tpu.memory_space<vmem>>, vector<1x16xf32>,
        %add3A_344 = arith.addi %mul3A_67, %scan3A_225 : i32
        %get3A_345 = arith.index_cast %add3A_344 : i32 to index
        %get3A_346 = arith.constant 192 : index
        %get3A_347 = tpu.vector_load %arg7[%get3A_345, %get3A_346] {strides = array<i32>} : memref<64x512xf32, #tpu.memory_space<vmem>>, vector<1x16xf32>,
        %get3A_348 = vector.shape_cast %get3A_347 : vector<1x16xf32> to vector<16xf32>
        %swap3A_349 = arith.index_cast %scan3A_225 : i32 to index
        %swap3A_350 = arith.constant 192 : index
        %swap3A_351 = tpu.vector_load %arg8[%swap3A_349, %swap3A_350] {strides = array<i32>} : memref<32x512xf32, #tpu.memory_space<vmem>>, vector<1x16xf32>,
        %swap3A_352 = vector.shape_cast %swap3A_351 : vector<1x16xf32> to vector<16xf32>
        %swap3A_353 = vector.shape_cast %get3A_348 : vector<16xf32> to vector<1x16xf32>
        tpu.vector_store %arg8[%swap3A_349, %swap3A_350], %swap3A_353 {add = true, strides = array<i32>} : memref<32x512xf32, #tpu.memory_space<vmem>>, vector<1x16xf32>,
        %add3A_354 = arith.addi %mul3A_67, %scan3A_225 : i32
        %get3A_355 = arith.index_cast %add3A_354 : i32 to index
        %get3A_356 = arith.constant 208 : index
        %get3A_357 = tpu.vector_load %arg7[%get3A_355, %get3A_356] {strides = array<i32>} : memref<64x512xf32, #tpu.memory_space<vmem>>, vector<1x16xf32>,
        %get3A_358 = vector.shape_cast %get3A_357 : vector<1x16xf32> to vector<16xf32>
        %swap3A_359 = arith.index_cast %scan3A_225 : i32 to index
        %swap3A_360 = arith.constant 208 : index
        %swap3A_361 = tpu.vector_load %arg8[%swap3A_359, %swap3A_360] {strides = array<i32>} : memref<32x512xf32, #tpu.memory_space<vmem>>, vector<1x16xf32>,
        %swap3A_362 = vector.shape_cast %swap3A_361 : vector<1x16xf32> to vector<16xf32>
        %swap3A_363 = vector.shape_cast %get3A_358 : vector<16xf32> to vector<1x16xf32>
        tpu.vector_store %arg8[%swap3A_359, %swap3A_360], %swap3A_363 {add = true, strides = array<i32>} : memref<32x512xf32, #tpu.memory_space<vmem>>, vector<1x16xf32>,
        %add3A_364 = arith.addi %mul3A_67, %scan3A_225 : i32
        %get3A_365 = arith.index_cast %add3A_364 : i32 to index
        %get3A_366 = arith.constant 224 : index
        %get3A_367 = tpu.vector_load %arg7[%get3A_365, %get3A_366] {strides = array<i32>} : memref<64x512xf32, #tpu.memory_space<vmem>>, vector<1x16xf32>,
        %get3A_368 = vector.shape_cast %get3A_367 : vector<1x16xf32> to vector<16xf32>
        %swap3A_369 = arith.index_cast %scan3A_225 : i32 to index
        %swap3A_370 = arith.constant 224 : index
        %swap3A_371 = tpu.vector_load %arg8[%swap3A_369, %swap3A_370] {strides = array<i32>} : memref<32x512xf32, #tpu.memory_space<vmem>>, vector<1x16xf32>,
        %swap3A_372 = vector.shape_cast %swap3A_371 : vector<1x16xf32> to vector<16xf32>
        %swap3A_373 = vector.shape_cast %get3A_368 : vector<16xf32> to vector<1x16xf32>
        tpu.vector_store %arg8[%swap3A_369, %swap3A_370], %swap3A_373 {add = true, strides = array<i32>} : memref<32x512xf32, #tpu.memory_space<vmem>>, vector<1x16xf32>,
        %add3A_374 = arith.addi %mul3A_67, %scan3A_225 : i32
        %get3A_375 = arith.index_cast %add3A_374 : i32 to index
        %get3A_376 = arith.constant 240 : index
        %get3A_377 = tpu.vector_load %arg7[%get3A_375, %get3A_376] {strides = array<i32>} : memref<64x512xf32, #tpu.memory_space<vmem>>, vector<1x16xf32>,
        %get3A_378 = vector.shape_cast %get3A_377 : vector<1x16xf32> to vector<16xf32>
        %swap3A_379 = arith.index_cast %scan3A_225 : i32 to index
        %swap3A_380 = arith.constant 240 : index
        %swap3A_381 = tpu.vector_load %arg8[%swap3A_379, %swap3A_380] {strides = array<i32>} : memref<32x512xf32, #tpu.memory_space<vmem>>, vector<1x16xf32>,
        %swap3A_382 = vector.shape_cast %swap3A_381 : vector<1x16xf32> to vector<16xf32>
        %swap3A_383 = vector.shape_cast %get3A_378 : vector<16xf32> to vector<1x16xf32>
        tpu.vector_store %arg8[%swap3A_379, %swap3A_380], %swap3A_383 {add = true, strides = array<i32>} : memref<32x512xf32, #tpu.memory_space<vmem>>, vector<1x16xf32>,
        %add3A_384 = arith.addi %mul3A_67, %scan3A_225 : i32
        %get3A_385 = arith.index_cast %add3A_384 : i32 to index
        %get3A_386 = arith.constant 256 : index
        %get3A_387 = tpu.vector_load %arg7[%get3A_385, %get3A_386] {strides = array<i32>} : memref<64x512xf32, #tpu.memory_space<vmem>>, vector<1x16xf32>,
        %get3A_388 = vector.shape_cast %get3A_387 : vector<1x16xf32> to vector<16xf32>
        %swap3A_389 = arith.index_cast %scan3A_225 : i32 to index
        %swap3A_390 = arith.constant 256 : index
        %swap3A_391 = tpu.vector_load %arg8[%swap3A_389, %swap3A_390] {strides = array<i32>} : memref<32x512xf32, #tpu.memory_space<vmem>>, vector<1x16xf32>,
        %swap3A_392 = vector.shape_cast %swap3A_391 : vector<1x16xf32> to vector<16xf32>
        %swap3A_393 = vector.shape_cast %get3A_388 : vector<16xf32> to vector<1x16xf32>
        tpu.vector_store %arg8[%swap3A_389, %swap3A_390], %swap3A_393 {add = true, strides = array<i32>} : memref<32x512xf32, #tpu.memory_space<vmem>>, vector<1x16xf32>,
        %add3A_394 = arith.addi %mul3A_67, %scan3A_225 : i32
        %get3A_395 = arith.index_cast %add3A_394 : i32 to index
        %get3A_396 = arith.constant 272 : index
        %get3A_397 = tpu.vector_load %arg7[%get3A_395, %get3A_396] {strides = array<i32>} : memref<64x512xf32, #tpu.memory_space<vmem>>, vector<1x16xf32>,
        %get3A_398 = vector.shape_cast %get3A_397 : vector<1x16xf32> to vector<16xf32>
        %swap3A_399 = arith.index_cast %scan3A_225 : i32 to index
        %swap3A_400 = arith.constant 272 : index
        %swap3A_401 = tpu.vector_load %arg8[%swap3A_399, %swap3A_400] {strides = array<i32>} : memref<32x512xf32, #tpu.memory_space<vmem>>, vector<1x16xf32>,
        %swap3A_402 = vector.shape_cast %swap3A_401 : vector<1x16xf32> to vector<16xf32>
        %swap3A_403 = vector.shape_cast %get3A_398 : vector<16xf32> to vector<1x16xf32>
        tpu.vector_store %arg8[%swap3A_399, %swap3A_400], %swap3A_403 {add = true, strides = array<i32>} : memref<32x512xf32, #tpu.memory_space<vmem>>, vector<1x16xf32>,
        %add3A_404 = arith.addi %mul3A_67, %scan3A_225 : i32
        %get3A_405 = arith.index_cast %add3A_404 : i32 to index
        %get3A_406 = arith.constant 288 : index
        %get3A_407 = tpu.vector_load %arg7[%get3A_405, %get3A_406] {strides = array<i32>} : memref<64x512xf32, #tpu.memory_space<vmem>>, vector<1x16xf32>,
        %get3A_408 = vector.shape_cast %get3A_407 : vector<1x16xf32> to vector<16xf32>
        %swap3A_409 = arith.index_cast %scan3A_225 : i32 to index
        %swap3A_410 = arith.constant 288 : index
        %swap3A_411 = tpu.vector_load %arg8[%swap3A_409, %swap3A_410] {strides = array<i32>} : memref<32x512xf32, #tpu.memory_space<vmem>>, vector<1x16xf32>,
        %swap3A_412 = vector.shape_cast %swap3A_411 : vector<1x16xf32> to vector<16xf32>
        %swap3A_413 = vector.shape_cast %get3A_408 : vector<16xf32> to vector<1x16xf32>
        tpu.vector_store %arg8[%swap3A_409, %swap3A_410], %swap3A_413 {add = true, strides = array<i32>} : memref<32x512xf32, #tpu.memory_space<vmem>>, vector<1x16xf32>,
        %add3A_414 = arith.addi %mul3A_67, %scan3A_225 : i32
        %get3A_415 = arith.index_cast %add3A_414 : i32 to index
        %get3A_416 = arith.constant 304 : index
        %get3A_417 = tpu.vector_load %arg7[%get3A_415, %get3A_416] {strides = array<i32>} : memref<64x512xf32, #tpu.memory_space<vmem>>, vector<1x16xf32>,
        %get3A_418 = vector.shape_cast %get3A_417 : vector<1x16xf32> to vector<16xf32>
        %swap3A_419 = arith.index_cast %scan3A_225 : i32 to index
        %swap3A_420 = arith.constant 304 : index
        %swap3A_421 = tpu.vector_load %arg8[%swap3A_419, %swap3A_420] {strides = array<i32>} : memref<32x512xf32, #tpu.memory_space<vmem>>, vector<1x16xf32>,
        %swap3A_422 = vector.shape_cast %swap3A_421 : vector<1x16xf32> to vector<16xf32>
        %swap3A_423 = vector.shape_cast %get3A_418 : vector<16xf32> to vector<1x16xf32>
        tpu.vector_store %arg8[%swap3A_419, %swap3A_420], %swap3A_423 {add = true, strides = array<i32>} : memref<32x512xf32, #tpu.memory_space<vmem>>, vector<1x16xf32>,
        %add3A_424 = arith.addi %mul3A_67, %scan3A_225 : i32
        %get3A_425 = arith.index_cast %add3A_424 : i32 to index
        %get3A_426 = arith.constant 320 : index
        %get3A_427 = tpu.vector_load %arg7[%get3A_425, %get3A_426] {strides = array<i32>} : memref<64x512xf32, #tpu.memory_space<vmem>>, vector<1x16xf32>,
        %get3A_428 = vector.shape_cast %get3A_427 : vector<1x16xf32> to vector<16xf32>
        %swap3A_429 = arith.index_cast %scan3A_225 : i32 to index
        %swap3A_430 = arith.constant 320 : index
        %swap3A_431 = tpu.vector_load %arg8[%swap3A_429, %swap3A_430] {strides = array<i32>} : memref<32x512xf32, #tpu.memory_space<vmem>>, vector<1x16xf32>,
        %swap3A_432 = vector.shape_cast %swap3A_431 : vector<1x16xf32> to vector<16xf32>
        %swap3A_433 = vector.shape_cast %get3A_428 : vector<16xf32> to vector<1x16xf32>
        tpu.vector_store %arg8[%swap3A_429, %swap3A_430], %swap3A_433 {add = true, strides = array<i32>} : memref<32x512xf32, #tpu.memory_space<vmem>>, vector<1x16xf32>,
        %add3A_434 = arith.addi %mul3A_67, %scan3A_225 : i32
        %get3A_435 = arith.index_cast %add3A_434 : i32 to index
        %get3A_436 = arith.constant 336 : index
        %get3A_437 = tpu.vector_load %arg7[%get3A_435, %get3A_436] {strides = array<i32>} : memref<64x512xf32, #tpu.memory_space<vmem>>, vector<1x16xf32>,
        %get3A_438 = vector.shape_cast %get3A_437 : vector<1x16xf32> to vector<16xf32>
        %swap3A_439 = arith.index_cast %scan3A_225 : i32 to index
        %swap3A_440 = arith.constant 336 : index
        %swap3A_441 = tpu.vector_load %arg8[%swap3A_439, %swap3A_440] {strides = array<i32>} : memref<32x512xf32, #tpu.memory_space<vmem>>, vector<1x16xf32>,
        %swap3A_442 = vector.shape_cast %swap3A_441 : vector<1x16xf32> to vector<16xf32>
        %swap3A_443 = vector.shape_cast %get3A_438 : vector<16xf32> to vector<1x16xf32>
        tpu.vector_store %arg8[%swap3A_439, %swap3A_440], %swap3A_443 {add = true, strides = array<i32>} : memref<32x512xf32, #tpu.memory_space<vmem>>, vector<1x16xf32>,
        %add3A_444 = arith.addi %mul3A_67, %scan3A_225 : i32
        %get3A_445 = arith.index_cast %add3A_444 : i32 to index
        %get3A_446 = arith.constant 352 : index
        %get3A_447 = tpu.vector_load %arg7[%get3A_445, %get3A_446] {strides = array<i32>} : memref<64x512xf32, #tpu.memory_space<vmem>>, vector<1x16xf32>,
        %get3A_448 = vector.shape_cast %get3A_447 : vector<1x16xf32> to vector<16xf32>
        %swap3A_449 = arith.index_cast %scan3A_225 : i32 to index
        %swap3A_450 = arith.constant 352 : index
        %swap3A_451 = tpu.vector_load %arg8[%swap3A_449, %swap3A_450] {strides = array<i32>} : memref<32x512xf32, #tpu.memory_space<vmem>>, vector<1x16xf32>,
        %swap3A_452 = vector.shape_cast %swap3A_451 : vector<1x16xf32> to vector<16xf32>
        %swap3A_453 = vector.shape_cast %get3A_448 : vector<16xf32> to vector<1x16xf32>
        tpu.vector_store %arg8[%swap3A_449, %swap3A_450], %swap3A_453 {add = true, strides = array<i32>} : memref<32x512xf32, #tpu.memory_space<vmem>>, vector<1x16xf32>,
        %add3A_454 = arith.addi %mul3A_67, %scan3A_225 : i32
        %get3A_455 = arith.index_cast %add3A_454 : i32 to index
        %get3A_456 = arith.constant 368 : index
        %get3A_457 = tpu.vector_load %arg7[%get3A_455, %get3A_456] {strides = array<i32>} : memref<64x512xf32, #tpu.memory_space<vmem>>, vector<1x16xf32>,
        %get3A_458 = vector.shape_cast %get3A_457 : vector<1x16xf32> to vector<16xf32>
        %swap3A_459 = arith.index_cast %scan3A_225 : i32 to index
        %swap3A_460 = arith.constant 368 : index
        %swap3A_461 = tpu.vector_load %arg8[%swap3A_459, %swap3A_460] {strides = array<i32>} : memref<32x512xf32, #tpu.memory_space<vmem>>, vector<1x16xf32>,
        %swap3A_462 = vector.shape_cast %swap3A_461 : vector<1x16xf32> to vector<16xf32>
        %swap3A_463 = vector.shape_cast %get3A_458 : vector<16xf32> to vector<1x16xf32>
        tpu.vector_store %arg8[%swap3A_459, %swap3A_460], %swap3A_463 {add = true, strides = array<i32>} : memref<32x512xf32, #tpu.memory_space<vmem>>, vector<1x16xf32>,
        %add3A_464 = arith.addi %mul3A_67, %scan3A_225 : i32
        %get3A_465 = arith.index_cast %add3A_464 : i32 to index
        %get3A_466 = arith.constant 384 : index
        %get3A_467 = tpu.vector_load %arg7[%get3A_465, %get3A_466] {strides = array<i32>} : memref<64x512xf32, #tpu.memory_space<vmem>>, vector<1x16xf32>,
        %get3A_468 = vector.shape_cast %get3A_467 : vector<1x16xf32> to vector<16xf32>
        %swap3A_469 = arith.index_cast %scan3A_225 : i32 to index
        %swap3A_470 = arith.constant 384 : index
        %swap3A_471 = tpu.vector_load %arg8[%swap3A_469, %swap3A_470] {strides = array<i32>} : memref<32x512xf32, #tpu.memory_space<vmem>>, vector<1x16xf32>,
        %swap3A_472 = vector.shape_cast %swap3A_471 : vector<1x16xf32> to vector<16xf32>
        %swap3A_473 = vector.shape_cast %get3A_468 : vector<16xf32> to vector<1x16xf32>
        tpu.vector_store %arg8[%swap3A_469, %swap3A_470], %swap3A_473 {add = true, strides = array<i32>} : memref<32x512xf32, #tpu.memory_space<vmem>>, vector<1x16xf32>,
        %add3A_474 = arith.addi %mul3A_67, %scan3A_225 : i32
        %get3A_475 = arith.index_cast %add3A_474 : i32 to index
        %get3A_476 = arith.constant 400 : index
        %get3A_477 = tpu.vector_load %arg7[%get3A_475, %get3A_476] {strides = array<i32>} : memref<64x512xf32, #tpu.memory_space<vmem>>, vector<1x16xf32>,
        %get3A_478 = vector.shape_cast %get3A_477 : vector<1x16xf32> to vector<16xf32>
        %swap3A_479 = arith.index_cast %scan3A_225 : i32 to index
        %swap3A_480 = arith.constant 400 : index
        %swap3A_481 = tpu.vector_load %arg8[%swap3A_479, %swap3A_480] {strides = array<i32>} : memref<32x512xf32, #tpu.memory_space<vmem>>, vector<1x16xf32>,
        %swap3A_482 = vector.shape_cast %swap3A_481 : vector<1x16xf32> to vector<16xf32>
        %swap3A_483 = vector.shape_cast %get3A_478 : vector<16xf32> to vector<1x16xf32>
        tpu.vector_store %arg8[%swap3A_479, %swap3A_480], %swap3A_483 {add = true, strides = array<i32>} : memref<32x512xf32, #tpu.memory_space<vmem>>, vector<1x16xf32>,
        %add3A_484 = arith.addi %mul3A_67, %scan3A_225 : i32
        %get3A_485 = arith.index_cast %add3A_484 : i32 to index
        %get3A_486 = arith.constant 416 : index
        %get3A_487 = tpu.vector_load %arg7[%get3A_485, %get3A_486] {strides = array<i32>} : memref<64x512xf32, #tpu.memory_space<vmem>>, vector<1x16xf32>,
        %get3A_488 = vector.shape_cast %get3A_487 : vector<1x16xf32> to vector<16xf32>
        %swap3A_489 = arith.index_cast %scan3A_225 : i32 to index
        %swap3A_490 = arith.constant 416 : index
        %swap3A_491 = tpu.vector_load %arg8[%swap3A_489, %swap3A_490] {strides = array<i32>} : memref<32x512xf32, #tpu.memory_space<vmem>>, vector<1x16xf32>,
        %swap3A_492 = vector.shape_cast %swap3A_491 : vector<1x16xf32> to vector<16xf32>
        %swap3A_493 = vector.shape_cast %get3A_488 : vector<16xf32> to vector<1x16xf32>
        tpu.vector_store %arg8[%swap3A_489, %swap3A_490], %swap3A_493 {add = true, strides = array<i32>} : memref<32x512xf32, #tpu.memory_space<vmem>>, vector<1x16xf32>,
        %add3A_494 = arith.addi %mul3A_67, %scan3A_225 : i32
        %get3A_495 = arith.index_cast %add3A_494 : i32 to index
        %get3A_496 = arith.constant 432 : index
        %get3A_497 = tpu.vector_load %arg7[%get3A_495, %get3A_496] {strides = array<i32>} : memref<64x512xf32, #tpu.memory_space<vmem>>, vector<1x16xf32>,
        %get3A_498 = vector.shape_cast %get3A_497 : vector<1x16xf32> to vector<16xf32>
        %swap3A_499 = arith.index_cast %scan3A_225 : i32 to index
        %swap3A_500 = arith.constant 432 : index
        %swap3A_501 = tpu.vector_load %arg8[%swap3A_499, %swap3A_500] {strides = array<i32>} : memref<32x512xf32, #tpu.memory_space<vmem>>, vector<1x16xf32>,
        %swap3A_502 = vector.shape_cast %swap3A_501 : vector<1x16xf32> to vector<16xf32>
        %swap3A_503 = vector.shape_cast %get3A_498 : vector<16xf32> to vector<1x16xf32>
        tpu.vector_store %arg8[%swap3A_499, %swap3A_500], %swap3A_503 {add = true, strides = array<i32>} : memref<32x512xf32, #tpu.memory_space<vmem>>, vector<1x16xf32>,
        %add3A_504 = arith.addi %mul3A_67, %scan3A_225 : i32
        %get3A_505 = arith.index_cast %add3A_504 : i32 to index
        %get3A_506 = arith.constant 448 : index
        %get3A_507 = tpu.vector_load %arg7[%get3A_505, %get3A_506] {strides = array<i32>} : memref<64x512xf32, #tpu.memory_space<vmem>>, vector<1x16xf32>,
        %get3A_508 = vector.shape_cast %get3A_507 : vector<1x16xf32> to vector<16xf32>
        %swap3A_509 = arith.index_cast %scan3A_225 : i32 to index
        %swap3A_510 = arith.constant 448 : index
        %swap3A_511 = tpu.vector_load %arg8[%swap3A_509, %swap3A_510] {strides = array<i32>} : memref<32x512xf32, #tpu.memory_space<vmem>>, vector<1x16xf32>,
        %swap3A_512 = vector.shape_cast %swap3A_511 : vector<1x16xf32> to vector<16xf32>
        %swap3A_513 = vector.shape_cast %get3A_508 : vector<16xf32> to vector<1x16xf32>
        tpu.vector_store %arg8[%swap3A_509, %swap3A_510], %swap3A_513 {add = true, strides = array<i32>} : memref<32x512xf32, #tpu.memory_space<vmem>>, vector<1x16xf32>,
        %add3A_514 = arith.addi %mul3A_67, %scan3A_225 : i32
        %get3A_515 = arith.index_cast %add3A_514 : i32 to index
        %get3A_516 = arith.constant 464 : index
        %get3A_517 = tpu.vector_load %arg7[%get3A_515, %get3A_516] {strides = array<i32>} : memref<64x512xf32, #tpu.memory_space<vmem>>, vector<1x16xf32>,
        %get3A_518 = vector.shape_cast %get3A_517 : vector<1x16xf32> to vector<16xf32>
        %swap3A_519 = arith.index_cast %scan3A_225 : i32 to index
        %swap3A_520 = arith.constant 464 : index
        %swap3A_521 = tpu.vector_load %arg8[%swap3A_519, %swap3A_520] {strides = array<i32>} : memref<32x512xf32, #tpu.memory_space<vmem>>, vector<1x16xf32>,
        %swap3A_522 = vector.shape_cast %swap3A_521 : vector<1x16xf32> to vector<16xf32>
        %swap3A_523 = vector.shape_cast %get3A_518 : vector<16xf32> to vector<1x16xf32>
        tpu.vector_store %arg8[%swap3A_519, %swap3A_520], %swap3A_523 {add = true, strides = array<i32>} : memref<32x512xf32, #tpu.memory_space<vmem>>, vector<1x16xf32>,
        %add3A_524 = arith.addi %mul3A_67, %scan3A_225 : i32
        %get3A_525 = arith.index_cast %add3A_524 : i32 to index
        %get3A_526 = arith.constant 480 : index
        %get3A_527 = tpu.vector_load %arg7[%get3A_525, %get3A_526] {strides = array<i32>} : memref<64x512xf32, #tpu.memory_space<vmem>>, vector<1x16xf32>,
        %get3A_528 = vector.shape_cast %get3A_527 : vector<1x16xf32> to vector<16xf32>
        %swap3A_529 = arith.index_cast %scan3A_225 : i32 to index
        %swap3A_530 = arith.constant 480 : index
        %swap3A_531 = tpu.vector_load %arg8[%swap3A_529, %swap3A_530] {strides = array<i32>} : memref<32x512xf32, #tpu.memory_space<vmem>>, vector<1x16xf32>,
        %swap3A_532 = vector.shape_cast %swap3A_531 : vector<1x16xf32> to vector<16xf32>
        %swap3A_533 = vector.shape_cast %get3A_528 : vector<16xf32> to vector<1x16xf32>
        tpu.vector_store %arg8[%swap3A_529, %swap3A_530], %swap3A_533 {add = true, strides = array<i32>} : memref<32x512xf32, #tpu.memory_space<vmem>>, vector<1x16xf32>,
        %add3A_534 = arith.addi %mul3A_67, %scan3A_225 : i32
        %get3A_535 = arith.index_cast %add3A_534 : i32 to index
        %get3A_536 = arith.constant 496 : index
        %get3A_537 = tpu.vector_load %arg7[%get3A_535, %get3A_536] {strides = array<i32>} : memref<64x512xf32, #tpu.memory_space<vmem>>, vector<1x16xf32>,
        %get3A_538 = vector.shape_cast %get3A_537 : vector<1x16xf32> to vector<16xf32>
        %swap3A_539 = arith.index_cast %scan3A_225 : i32 to index
        %swap3A_540 = arith.constant 496 : index
        %swap3A_541 = tpu.vector_load %arg8[%swap3A_539, %swap3A_540] {strides = array<i32>} : memref<32x512xf32, #tpu.memory_space<vmem>>, vector<1x16xf32>,
        %swap3A_542 = vector.shape_cast %swap3A_541 : vector<1x16xf32> to vector<16xf32>
        %swap3A_543 = vector.shape_cast %get3A_538 : vector<16xf32> to vector<1x16xf32>
        tpu.vector_store %arg8[%swap3A_539, %swap3A_540], %swap3A_543 {add = true, strides = array<i32>} : memref<32x512xf32, #tpu.memory_space<vmem>>, vector<1x16xf32>,
      }
      %scan3A_73 = arith.constant 32 : i32
      %shift_right_arithmetic3A = arith.constant 1 : i32
      %shift_right_arithmetic3A_74 = arith.shrsi %add3A_50, %shift_right_arithmetic3A : i32
      %mul3A_75 = arith.constant 2048 : i32
      %mul3A_76 = arith.muli %shift_right_arithmetic3A_74, %mul3A_75 : i32
      %add3A_77 = arith.addi %mul3A_76, %mul3A_2 : i32
      %and3A_78 = arith.constant 1 : i32
      %and3A_79 = arith.andi %add3A_50, %and3A_78 : i32
      %mul3A_80 = arith.constant 32 : i32
      %mul3A_81 = arith.muli %and3A_79, %mul3A_80 : i32
      %add3A_82 = arith.addi %add3A_77, %mul3A_81 : i32
      %dma_start3A_83 = arith.constant 0 : i32
      %dma_start3A_84 = tpu.memref_slice %arg5[%add3A_82, %dma_start3A_83] : memref<131072x512xf32, #tpu.memory_space<hbm>> -> memref<32x512xf32, #tpu.memory_space<hbm>>
      %dma_start3A_85 = arith.constant 0 : i32
      %dma_start3A_86 = tpu.memref_slice %arg5[%add3A_82, %dma_start3A_85] : memref<131072x512xf32, #tpu.memory_space<hbm>> -> memref<32x512xf32, #tpu.memory_space<hbm>>
      tpu.enqueue_dma source(%arg8 : memref<32x512xf32, #tpu.memory_space<vmem>>) target(%dma_start3A_86 : memref<32x512xf32, #tpu.memory_space<hbm>>) target_semaphore(%arg17 : memref<!tpu.dma_semaphore, #tpu.memory_space<semaphore_mem>>)
      %mul3A_87 = arith.constant 4 : i32
      %mul3A_88 = arith.muli %mul3A_87, %scan3A_46 : i32
      %add3A_89 = arith.constant 1 : i32
      %add3A_90 = arith.addi %mul3A_88, %add3A_89 : i32
      %dma_wait3A_91 = arith.constant 0 : i32
      %dma_wait3A_92 = arith.constant 0 : i32
      %dma_wait3A_93 = tpu.memref_slice %arg3[%dma_wait3A_91, %dma_wait3A_92] : memref<32000x512xf32, #tpu.memory_space<hbm>> -> memref<32x512xf32, #tpu.memory_space<hbm>>
      %dma_wait3A_94 = arith.constant 0 : i32
      %dma_wait3A_95 = arith.constant 0 : i32
      %dma_wait3A_96 = tpu.memref_slice %arg3[%dma_wait3A_94, %dma_wait3A_95] : memref<32000x512xf32, #tpu.memory_space<hbm>> -> memref<32x512xf32, #tpu.memory_space<hbm>>
      tpu.wait_dma2 semaphore(%arg14 : memref<!tpu.dma_semaphore, #tpu.memory_space<semaphore_mem>>) src(%dma_wait3A_96 : memref<32x512xf32, #tpu.memory_space<hbm>>) dst(%arg9 : memref<32x512xf32, #tpu.memory_space<vmem>>)
      %ge3A_97 = arith.constant 2 : i32
      %ge3A_98 = arith.cmpi sge, %add3A_90, %ge3A_97 : i32
      %convert_element_type3A_99 = arith.extui %ge3A_98 : i1 to i32
      %cond3A_100 = arith.constant 0 : i32
      %cond3A_101 = arith.cmpi ne, %convert_element_type3A_99, %cond3A_100 : i32
      scf.if %cond3A_101 {
        %dma_wait3A_225 = arith.constant 0 : i32
        %dma_wait3A_226 = arith.constant 0 : i32
        %dma_wait3A_227 = tpu.memref_slice %arg5[%dma_wait3A_225, %dma_wait3A_226] : memref<131072x512xf32, #tpu.memory_space<hbm>> -> memref<32x512xf32, #tpu.memory_space<hbm>>
        %dma_wait3A_228 = arith.constant 0 : i32
        %dma_wait3A_229 = arith.constant 0 : i32
        %dma_wait3A_230 = tpu.memref_slice %arg5[%dma_wait3A_228, %dma_wait3A_229] : memref<131072x512xf32, #tpu.memory_space<hbm>> -> memref<32x512xf32, #tpu.memory_space<hbm>>
        tpu.wait_dma2 semaphore(%arg20 : memref<!tpu.dma_semaphore, #tpu.memory_space<semaphore_mem>>) src(%arg11 : memref<32x512xf32, #tpu.memory_space<vmem>>) dst(%dma_wait3A_230 : memref<32x512xf32, #tpu.memory_space<hbm>>)
      } else {
      }
      %add3A_102 = arith.constant 2 : i32
      %add3A_103 = arith.addi %add3A_90, %add3A_102 : i32
      %lt3A_104 = arith.constant 128 : i32
      %lt3A_105 = arith.cmpi slt, %add3A_103, %lt3A_104 : i32
      %convert_element_type3A_106 = arith.extui %lt3A_105 : i1 to i32
      %cond3A_107 = arith.constant 0 : i32
      %cond3A_108 = arith.cmpi ne, %convert_element_type3A_106, %cond3A_107 : i32
      scf.if %cond3A_108 {
        %add3A_225 = arith.constant 2 : i32
        %add3A_226 = arith.addi %add3A_90, %add3A_225 : i32
        %shift_right_arithmetic3A_227 = arith.constant 1 : i32
        %shift_right_arithmetic3A_228 = arith.shrsi %add3A_226, %shift_right_arithmetic3A_227 : i32
        %mul3A_229 = arith.constant 64 : i32
        %mul3A_230 = arith.muli %shift_right_arithmetic3A_228, %mul3A_229 : i32
        %and3A_231 = arith.constant 1 : i32
        %and3A_232 = arith.andi %add3A_226, %and3A_231 : i32
        %mul3A_233 = arith.constant 32 : i32
        %mul3A_234 = arith.muli %and3A_232, %mul3A_233 : i32
        %add3A_235 = arith.addi %mul3A_230, %mul3A_234 : i32
        %dma_start3A_236 = tpu.memref_slice %arg6[%add3A_235] : memref<4096xi32, #tpu.memory_space<vmem>> -> memref<32xi32, #tpu.memory_space<vmem>>
        %dma_start3A_237 = arith.constant 0 : i32
        %dma_start3A_238 = arith.constant 0 : i32
        %dma_start3A_239 = tpu.memref_slice %arg3[%dma_start3A_237, %dma_start3A_238] : memref<32000x512xf32, #tpu.memory_space<hbm>> -> memref<32000x512xf32, #tpu.memory_space<hbm>>
        tpu.enqueue_indirect_dma source(%dma_start3A_239 : memref<32000x512xf32, #tpu.memory_space<hbm>>) target(%arg11 : memref<32x512xf32, #tpu.memory_space<vmem>>) offsets(%dma_start3A_236 : memref<32xi32, #tpu.memory_space<vmem>>) semaphore(%arg16 : memref<!tpu.dma_semaphore, #tpu.memory_space<semaphore_mem>>)
      } else {
      }
      %and3A_109 = arith.constant 1 : i32
      %and3A_110 = arith.andi %add3A_90, %and3A_109 : i32
      %mul3A_111 = arith.constant 32 : i32
      %mul3A_112 = arith.muli %and3A_110, %mul3A_111 : i32
      %scan3A_113 = arith.constant 0 : i32
      %scan3A_114 = arith.constant 0 : i32
      %scan3A_115 = arith.constant 32 : i32
      %scan3A_116 = arith.addi %scan3A_114, %scan3A_115 : i32
      %scan3A_117 = arith.constant 1 : i32
      scf.for %scan3A_225 = %scan3A_114 to %scan3A_116 step %scan3A_117  : i32 {
        %add3A_226 = arith.addi %mul3A_112, %scan3A_225 : i32
        %get3A = arith.index_cast %add3A_226 : i32 to index
        %get3A_227 = arith.constant 0 : index
        %get3A_228 = tpu.vector_load %arg7[%get3A, %get3A_227] {strides = array<i32>} : memref<64x512xf32, #tpu.memory_space<vmem>>, vector<1x16xf32>,
        %get3A_229 = vector.shape_cast %get3A_228 : vector<1x16xf32> to vector<16xf32>
        %swap3A = arith.index_cast %scan3A_225 : i32 to index
        %swap3A_230 = arith.constant 0 : index
        %swap3A_231 = tpu.vector_load %arg9[%swap3A, %swap3A_230] {strides = array<i32>} : memref<32x512xf32, #tpu.memory_space<vmem>>, vector<1x16xf32>,
        %swap3A_232 = vector.shape_cast %swap3A_231 : vector<1x16xf32> to vector<16xf32>
        %swap3A_233 = vector.shape_cast %get3A_229 : vector<16xf32> to vector<1x16xf32>
        tpu.vector_store %arg9[%swap3A, %swap3A_230], %swap3A_233 {add = true, strides = array<i32>} : memref<32x512xf32, #tpu.memory_space<vmem>>, vector<1x16xf32>,
        %add3A_234 = arith.addi %mul3A_112, %scan3A_225 : i32
        %get3A_235 = arith.index_cast %add3A_234 : i32 to index
        %get3A_236 = arith.constant 16 : index
        %get3A_237 = tpu.vector_load %arg7[%get3A_235, %get3A_236] {strides = array<i32>} : memref<64x512xf32, #tpu.memory_space<vmem>>, vector<1x16xf32>,
        %get3A_238 = vector.shape_cast %get3A_237 : vector<1x16xf32> to vector<16xf32>
        %swap3A_239 = arith.index_cast %scan3A_225 : i32 to index
        %swap3A_240 = arith.constant 16 : index
        %swap3A_241 = tpu.vector_load %arg9[%swap3A_239, %swap3A_240] {strides = array<i32>} : memref<32x512xf32, #tpu.memory_space<vmem>>, vector<1x16xf32>,
        %swap3A_242 = vector.shape_cast %swap3A_241 : vector<1x16xf32> to vector<16xf32>
        %swap3A_243 = vector.shape_cast %get3A_238 : vector<16xf32> to vector<1x16xf32>
        tpu.vector_store %arg9[%swap3A_239, %swap3A_240], %swap3A_243 {add = true, strides = array<i32>} : memref<32x512xf32, #tpu.memory_space<vmem>>, vector<1x16xf32>,
        %add3A_244 = arith.addi %mul3A_112, %scan3A_225 : i32
        %get3A_245 = arith.index_cast %add3A_244 : i32 to index
        %get3A_246 = arith.constant 32 : index
        %get3A_247 = tpu.vector_load %arg7[%get3A_245, %get3A_246] {strides = array<i32>} : memref<64x512xf32, #tpu.memory_space<vmem>>, vector<1x16xf32>,
        %get3A_248 = vector.shape_cast %get3A_247 : vector<1x16xf32> to vector<16xf32>
        %swap3A_249 = arith.index_cast %scan3A_225 : i32 to index
        %swap3A_250 = arith.constant 32 : index
        %swap3A_251 = tpu.vector_load %arg9[%swap3A_249, %swap3A_250] {strides = array<i32>} : memref<32x512xf32, #tpu.memory_space<vmem>>, vector<1x16xf32>,
        %swap3A_252 = vector.shape_cast %swap3A_251 : vector<1x16xf32> to vector<16xf32>
        %swap3A_253 = vector.shape_cast %get3A_248 : vector<16xf32> to vector<1x16xf32>
        tpu.vector_store %arg9[%swap3A_249, %swap3A_250], %swap3A_253 {add = true, strides = array<i32>} : memref<32x512xf32, #tpu.memory_space<vmem>>, vector<1x16xf32>,
        %add3A_254 = arith.addi %mul3A_112, %scan3A_225 : i32
        %get3A_255 = arith.index_cast %add3A_254 : i32 to index
        %get3A_256 = arith.constant 48 : index
        %get3A_257 = tpu.vector_load %arg7[%get3A_255, %get3A_256] {strides = array<i32>} : memref<64x512xf32, #tpu.memory_space<vmem>>, vector<1x16xf32>,
        %get3A_258 = vector.shape_cast %get3A_257 : vector<1x16xf32> to vector<16xf32>
        %swap3A_259 = arith.index_cast %scan3A_225 : i32 to index
        %swap3A_260 = arith.constant 48 : index
        %swap3A_261 = tpu.vector_load %arg9[%swap3A_259, %swap3A_260] {strides = array<i32>} : memref<32x512xf32, #tpu.memory_space<vmem>>, vector<1x16xf32>,
        %swap3A_262 = vector.shape_cast %swap3A_261 : vector<1x16xf32> to vector<16xf32>
        %swap3A_263 = vector.shape_cast %get3A_258 : vector<16xf32> to vector<1x16xf32>
        tpu.vector_store %arg9[%swap3A_259, %swap3A_260], %swap3A_263 {add = true, strides = array<i32>} : memref<32x512xf32, #tpu.memory_space<vmem>>, vector<1x16xf32>,
        %add3A_264 = arith.addi %mul3A_112, %scan3A_225 : i32
        %get3A_265 = arith.index_cast %add3A_264 : i32 to index
        %get3A_266 = arith.constant 64 : index
        %get3A_267 = tpu.vector_load %arg7[%get3A_265, %get3A_266] {strides = array<i32>} : memref<64x512xf32, #tpu.memory_space<vmem>>, vector<1x16xf32>,
        %get3A_268 = vector.shape_cast %get3A_267 : vector<1x16xf32> to vector<16xf32>
        %swap3A_269 = arith.index_cast %scan3A_225 : i32 to index
        %swap3A_270 = arith.constant 64 : index
        %swap3A_271 = tpu.vector_load %arg9[%swap3A_269, %swap3A_270] {strides = array<i32>} : memref<32x512xf32, #tpu.memory_space<vmem>>, vector<1x16xf32>,
        %swap3A_272 = vector.shape_cast %swap3A_271 : vector<1x16xf32> to vector<16xf32>
        %swap3A_273 = vector.shape_cast %get3A_268 : vector<16xf32> to vector<1x16xf32>
        tpu.vector_store %arg9[%swap3A_269, %swap3A_270], %swap3A_273 {add = true, strides = array<i32>} : memref<32x512xf32, #tpu.memory_space<vmem>>, vector<1x16xf32>,
        %add3A_274 = arith.addi %mul3A_112, %scan3A_225 : i32
        %get3A_275 = arith.index_cast %add3A_274 : i32 to index
        %get3A_276 = arith.constant 80 : index
        %get3A_277 = tpu.vector_load %arg7[%get3A_275, %get3A_276] {strides = array<i32>} : memref<64x512xf32, #tpu.memory_space<vmem>>, vector<1x16xf32>,
        %get3A_278 = vector.shape_cast %get3A_277 : vector<1x16xf32> to vector<16xf32>
        %swap3A_279 = arith.index_cast %scan3A_225 : i32 to index
        %swap3A_280 = arith.constant 80 : index
        %swap3A_281 = tpu.vector_load %arg9[%swap3A_279, %swap3A_280] {strides = array<i32>} : memref<32x512xf32, #tpu.memory_space<vmem>>, vector<1x16xf32>,
        %swap3A_282 = vector.shape_cast %swap3A_281 : vector<1x16xf32> to vector<16xf32>
        %swap3A_283 = vector.shape_cast %get3A_278 : vector<16xf32> to vector<1x16xf32>
        tpu.vector_store %arg9[%swap3A_279, %swap3A_280], %swap3A_283 {add = true, strides = array<i32>} : memref<32x512xf32, #tpu.memory_space<vmem>>, vector<1x16xf32>,
        %add3A_284 = arith.addi %mul3A_112, %scan3A_225 : i32
        %get3A_285 = arith.index_cast %add3A_284 : i32 to index
        %get3A_286 = arith.constant 96 : index
        %get3A_287 = tpu.vector_load %arg7[%get3A_285, %get3A_286] {strides = array<i32>} : memref<64x512xf32, #tpu.memory_space<vmem>>, vector<1x16xf32>,
        %get3A_288 = vector.shape_cast %get3A_287 : vector<1x16xf32> to vector<16xf32>
        %swap3A_289 = arith.index_cast %scan3A_225 : i32 to index
        %swap3A_290 = arith.constant 96 : index
        %swap3A_291 = tpu.vector_load %arg9[%swap3A_289, %swap3A_290] {strides = array<i32>} : memref<32x512xf32, #tpu.memory_space<vmem>>, vector<1x16xf32>,
        %swap3A_292 = vector.shape_cast %swap3A_291 : vector<1x16xf32> to vector<16xf32>
        %swap3A_293 = vector.shape_cast %get3A_288 : vector<16xf32> to vector<1x16xf32>
        tpu.vector_store %arg9[%swap3A_289, %swap3A_290], %swap3A_293 {add = true, strides = array<i32>} : memref<32x512xf32, #tpu.memory_space<vmem>>, vector<1x16xf32>,
        %add3A_294 = arith.addi %mul3A_112, %scan3A_225 : i32
        %get3A_295 = arith.index_cast %add3A_294 : i32 to index
        %get3A_296 = arith.constant 112 : index
        %get3A_297 = tpu.vector_load %arg7[%get3A_295, %get3A_296] {strides = array<i32>} : memref<64x512xf32, #tpu.memory_space<vmem>>, vector<1x16xf32>,
        %get3A_298 = vector.shape_cast %get3A_297 : vector<1x16xf32> to vector<16xf32>
        %swap3A_299 = arith.index_cast %scan3A_225 : i32 to index
        %swap3A_300 = arith.constant 112 : index
        %swap3A_301 = tpu.vector_load %arg9[%swap3A_299, %swap3A_300] {strides = array<i32>} : memref<32x512xf32, #tpu.memory_space<vmem>>, vector<1x16xf32>,
        %swap3A_302 = vector.shape_cast %swap3A_301 : vector<1x16xf32> to vector<16xf32>
        %swap3A_303 = vector.shape_cast %get3A_298 : vector<16xf32> to vector<1x16xf32>
        tpu.vector_store %arg9[%swap3A_299, %swap3A_300], %swap3A_303 {add = true, strides = array<i32>} : memref<32x512xf32, #tpu.memory_space<vmem>>, vector<1x16xf32>,
        %add3A_304 = arith.addi %mul3A_112, %scan3A_225 : i32
        %get3A_305 = arith.index_cast %add3A_304 : i32 to index
        %get3A_306 = arith.constant 128 : index
        %get3A_307 = tpu.vector_load %arg7[%get3A_305, %get3A_306] {strides = array<i32>} : memref<64x512xf32, #tpu.memory_space<vmem>>, vector<1x16xf32>,
        %get3A_308 = vector.shape_cast %get3A_307 : vector<1x16xf32> to vector<16xf32>
        %swap3A_309 = arith.index_cast %scan3A_225 : i32 to index
        %swap3A_310 = arith.constant 128 : index
        %swap3A_311 = tpu.vector_load %arg9[%swap3A_309, %swap3A_310] {strides = array<i32>} : memref<32x512xf32, #tpu.memory_space<vmem>>, vector<1x16xf32>,
        %swap3A_312 = vector.shape_cast %swap3A_311 : vector<1x16xf32> to vector<16xf32>
        %swap3A_313 = vector.shape_cast %get3A_308 : vector<16xf32> to vector<1x16xf32>
        tpu.vector_store %arg9[%swap3A_309, %swap3A_310], %swap3A_313 {add = true, strides = array<i32>} : memref<32x512xf32, #tpu.memory_space<vmem>>, vector<1x16xf32>,
        %add3A_314 = arith.addi %mul3A_112, %scan3A_225 : i32
        %get3A_315 = arith.index_cast %add3A_314 : i32 to index
        %get3A_316 = arith.constant 144 : index
        %get3A_317 = tpu.vector_load %arg7[%get3A_315, %get3A_316] {strides = array<i32>} : memref<64x512xf32, #tpu.memory_space<vmem>>, vector<1x16xf32>,
        %get3A_318 = vector.shape_cast %get3A_317 : vector<1x16xf32> to vector<16xf32>
        %swap3A_319 = arith.index_cast %scan3A_225 : i32 to index
        %swap3A_320 = arith.constant 144 : index
        %swap3A_321 = tpu.vector_load %arg9[%swap3A_319, %swap3A_320] {strides = array<i32>} : memref<32x512xf32, #tpu.memory_space<vmem>>, vector<1x16xf32>,
        %swap3A_322 = vector.shape_cast %swap3A_321 : vector<1x16xf32> to vector<16xf32>
        %swap3A_323 = vector.shape_cast %get3A_318 : vector<16xf32> to vector<1x16xf32>
        tpu.vector_store %arg9[%swap3A_319, %swap3A_320], %swap3A_323 {add = true, strides = array<i32>} : memref<32x512xf32, #tpu.memory_space<vmem>>, vector<1x16xf32>,
        %add3A_324 = arith.addi %mul3A_112, %scan3A_225 : i32
        %get3A_325 = arith.index_cast %add3A_324 : i32 to index
        %get3A_326 = arith.constant 160 : index
        %get3A_327 = tpu.vector_load %arg7[%get3A_325, %get3A_326] {strides = array<i32>} : memref<64x512xf32, #tpu.memory_space<vmem>>, vector<1x16xf32>,
        %get3A_328 = vector.shape_cast %get3A_327 : vector<1x16xf32> to vector<16xf32>
        %swap3A_329 = arith.index_cast %scan3A_225 : i32 to index
        %swap3A_330 = arith.constant 160 : index
        %swap3A_331 = tpu.vector_load %arg9[%swap3A_329, %swap3A_330] {strides = array<i32>} : memref<32x512xf32, #tpu.memory_space<vmem>>, vector<1x16xf32>,
        %swap3A_332 = vector.shape_cast %swap3A_331 : vector<1x16xf32> to vector<16xf32>
        %swap3A_333 = vector.shape_cast %get3A_328 : vector<16xf32> to vector<1x16xf32>
        tpu.vector_store %arg9[%swap3A_329, %swap3A_330], %swap3A_333 {add = true, strides = array<i32>} : memref<32x512xf32, #tpu.memory_space<vmem>>, vector<1x16xf32>,
        %add3A_334 = arith.addi %mul3A_112, %scan3A_225 : i32
        %get3A_335 = arith.index_cast %add3A_334 : i32 to index
        %get3A_336 = arith.constant 176 : index
        %get3A_337 = tpu.vector_load %arg7[%get3A_335, %get3A_336] {strides = array<i32>} : memref<64x512xf32, #tpu.memory_space<vmem>>, vector<1x16xf32>,
        %get3A_338 = vector.shape_cast %get3A_337 : vector<1x16xf32> to vector<16xf32>
        %swap3A_339 = arith.index_cast %scan3A_225 : i32 to index
        %swap3A_340 = arith.constant 176 : index
        %swap3A_341 = tpu.vector_load %arg9[%swap3A_339, %swap3A_340] {strides = array<i32>} : memref<32x512xf32, #tpu.memory_space<vmem>>, vector<1x16xf32>,
        %swap3A_342 = vector.shape_cast %swap3A_341 : vector<1x16xf32> to vector<16xf32>
        %swap3A_343 = vector.shape_cast %get3A_338 : vector<16xf32> to vector<1x16xf32>
        tpu.vector_store %arg9[%swap3A_339, %swap3A_340], %swap3A_343 {add = true, strides = array<i32>} : memref<32x512xf32, #tpu.memory_space<vmem>>, vector<1x16xf32>,
        %add3A_344 = arith.addi %mul3A_112, %scan3A_225 : i32
        %get3A_345 = arith.index_cast %add3A_344 : i32 to index
        %get3A_346 = arith.constant 192 : index
        %get3A_347 = tpu.vector_load %arg7[%get3A_345, %get3A_346] {strides = array<i32>} : memref<64x512xf32, #tpu.memory_space<vmem>>, vector<1x16xf32>,
        %get3A_348 = vector.shape_cast %get3A_347 : vector<1x16xf32> to vector<16xf32>
        %swap3A_349 = arith.index_cast %scan3A_225 : i32 to index
        %swap3A_350 = arith.constant 192 : index
        %swap3A_351 = tpu.vector_load %arg9[%swap3A_349, %swap3A_350] {strides = array<i32>} : memref<32x512xf32, #tpu.memory_space<vmem>>, vector<1x16xf32>,
        %swap3A_352 = vector.shape_cast %swap3A_351 : vector<1x16xf32> to vector<16xf32>
        %swap3A_353 = vector.shape_cast %get3A_348 : vector<16xf32> to vector<1x16xf32>
        tpu.vector_store %arg9[%swap3A_349, %swap3A_350], %swap3A_353 {add = true, strides = array<i32>} : memref<32x512xf32, #tpu.memory_space<vmem>>, vector<1x16xf32>,
        %add3A_354 = arith.addi %mul3A_112, %scan3A_225 : i32
        %get3A_355 = arith.index_cast %add3A_354 : i32 to index
        %get3A_356 = arith.constant 208 : index
        %get3A_357 = tpu.vector_load %arg7[%get3A_355, %get3A_356] {strides = array<i32>} : memref<64x512xf32, #tpu.memory_space<vmem>>, vector<1x16xf32>,
        %get3A_358 = vector.shape_cast %get3A_357 : vector<1x16xf32> to vector<16xf32>
        %swap3A_359 = arith.index_cast %scan3A_225 : i32 to index
        %swap3A_360 = arith.constant 208 : index
        %swap3A_361 = tpu.vector_load %arg9[%swap3A_359, %swap3A_360] {strides = array<i32>} : memref<32x512xf32, #tpu.memory_space<vmem>>, vector<1x16xf32>,
        %swap3A_362 = vector.shape_cast %swap3A_361 : vector<1x16xf32> to vector<16xf32>
        %swap3A_363 = vector.shape_cast %get3A_358 : vector<16xf32> to vector<1x16xf32>
        tpu.vector_store %arg9[%swap3A_359, %swap3A_360], %swap3A_363 {add = true, strides = array<i32>} : memref<32x512xf32, #tpu.memory_space<vmem>>, vector<1x16xf32>,
        %add3A_364 = arith.addi %mul3A_112, %scan3A_225 : i32
        %get3A_365 = arith.index_cast %add3A_364 : i32 to index
        %get3A_366 = arith.constant 224 : index
        %get3A_367 = tpu.vector_load %arg7[%get3A_365, %get3A_366] {strides = array<i32>} : memref<64x512xf32, #tpu.memory_space<vmem>>, vector<1x16xf32>,
        %get3A_368 = vector.shape_cast %get3A_367 : vector<1x16xf32> to vector<16xf32>
        %swap3A_369 = arith.index_cast %scan3A_225 : i32 to index
        %swap3A_370 = arith.constant 224 : index
        %swap3A_371 = tpu.vector_load %arg9[%swap3A_369, %swap3A_370] {strides = array<i32>} : memref<32x512xf32, #tpu.memory_space<vmem>>, vector<1x16xf32>,
        %swap3A_372 = vector.shape_cast %swap3A_371 : vector<1x16xf32> to vector<16xf32>
        %swap3A_373 = vector.shape_cast %get3A_368 : vector<16xf32> to vector<1x16xf32>
        tpu.vector_store %arg9[%swap3A_369, %swap3A_370], %swap3A_373 {add = true, strides = array<i32>} : memref<32x512xf32, #tpu.memory_space<vmem>>, vector<1x16xf32>,
        %add3A_374 = arith.addi %mul3A_112, %scan3A_225 : i32
        %get3A_375 = arith.index_cast %add3A_374 : i32 to index
        %get3A_376 = arith.constant 240 : index
        %get3A_377 = tpu.vector_load %arg7[%get3A_375, %get3A_376] {strides = array<i32>} : memref<64x512xf32, #tpu.memory_space<vmem>>, vector<1x16xf32>,
        %get3A_378 = vector.shape_cast %get3A_377 : vector<1x16xf32> to vector<16xf32>
        %swap3A_379 = arith.index_cast %scan3A_225 : i32 to index
        %swap3A_380 = arith.constant 240 : index
        %swap3A_381 = tpu.vector_load %arg9[%swap3A_379, %swap3A_380] {strides = array<i32>} : memref<32x512xf32, #tpu.memory_space<vmem>>, vector<1x16xf32>,
        %swap3A_382 = vector.shape_cast %swap3A_381 : vector<1x16xf32> to vector<16xf32>
        %swap3A_383 = vector.shape_cast %get3A_378 : vector<16xf32> to vector<1x16xf32>
        tpu.vector_store %arg9[%swap3A_379, %swap3A_380], %swap3A_383 {add = true, strides = array<i32>} : memref<32x512xf32, #tpu.memory_space<vmem>>, vector<1x16xf32>,
        %add3A_384 = arith.addi %mul3A_112, %scan3A_225 : i32
        %get3A_385 = arith.index_cast %add3A_384 : i32 to index
        %get3A_386 = arith.constant 256 : index
        %get3A_387 = tpu.vector_load %arg7[%get3A_385, %get3A_386] {strides = array<i32>} : memref<64x512xf32, #tpu.memory_space<vmem>>, vector<1x16xf32>,
        %get3A_388 = vector.shape_cast %get3A_387 : vector<1x16xf32> to vector<16xf32>
        %swap3A_389 = arith.index_cast %scan3A_225 : i32 to index
        %swap3A_390 = arith.constant 256 : index
        %swap3A_391 = tpu.vector_load %arg9[%swap3A_389, %swap3A_390] {strides = array<i32>} : memref<32x512xf32, #tpu.memory_space<vmem>>, vector<1x16xf32>,
        %swap3A_392 = vector.shape_cast %swap3A_391 : vector<1x16xf32> to vector<16xf32>
        %swap3A_393 = vector.shape_cast %get3A_388 : vector<16xf32> to vector<1x16xf32>
        tpu.vector_store %arg9[%swap3A_389, %swap3A_390], %swap3A_393 {add = true, strides = array<i32>} : memref<32x512xf32, #tpu.memory_space<vmem>>, vector<1x16xf32>,
        %add3A_394 = arith.addi %mul3A_112, %scan3A_225 : i32
        %get3A_395 = arith.index_cast %add3A_394 : i32 to index
        %get3A_396 = arith.constant 272 : index
        %get3A_397 = tpu.vector_load %arg7[%get3A_395, %get3A_396] {strides = array<i32>} : memref<64x512xf32, #tpu.memory_space<vmem>>, vector<1x16xf32>,
        %get3A_398 = vector.shape_cast %get3A_397 : vector<1x16xf32> to vector<16xf32>
        %swap3A_399 = arith.index_cast %scan3A_225 : i32 to index
        %swap3A_400 = arith.constant 272 : index
        %swap3A_401 = tpu.vector_load %arg9[%swap3A_399, %swap3A_400] {strides = array<i32>} : memref<32x512xf32, #tpu.memory_space<vmem>>, vector<1x16xf32>,
        %swap3A_402 = vector.shape_cast %swap3A_401 : vector<1x16xf32> to vector<16xf32>
        %swap3A_403 = vector.shape_cast %get3A_398 : vector<16xf32> to vector<1x16xf32>
        tpu.vector_store %arg9[%swap3A_399, %swap3A_400], %swap3A_403 {add = true, strides = array<i32>} : memref<32x512xf32, #tpu.memory_space<vmem>>, vector<1x16xf32>,
        %add3A_404 = arith.addi %mul3A_112, %scan3A_225 : i32
        %get3A_405 = arith.index_cast %add3A_404 : i32 to index
        %get3A_406 = arith.constant 288 : index
        %get3A_407 = tpu.vector_load %arg7[%get3A_405, %get3A_406] {strides = array<i32>} : memref<64x512xf32, #tpu.memory_space<vmem>>, vector<1x16xf32>,
        %get3A_408 = vector.shape_cast %get3A_407 : vector<1x16xf32> to vector<16xf32>
        %swap3A_409 = arith.index_cast %scan3A_225 : i32 to index
        %swap3A_410 = arith.constant 288 : index
        %swap3A_411 = tpu.vector_load %arg9[%swap3A_409, %swap3A_410] {strides = array<i32>} : memref<32x512xf32, #tpu.memory_space<vmem>>, vector<1x16xf32>,
        %swap3A_412 = vector.shape_cast %swap3A_411 : vector<1x16xf32> to vector<16xf32>
        %swap3A_413 = vector.shape_cast %get3A_408 : vector<16xf32> to vector<1x16xf32>
        tpu.vector_store %arg9[%swap3A_409, %swap3A_410], %swap3A_413 {add = true, strides = array<i32>} : memref<32x512xf32, #tpu.memory_space<vmem>>, vector<1x16xf32>,
        %add3A_414 = arith.addi %mul3A_112, %scan3A_225 : i32
        %get3A_415 = arith.index_cast %add3A_414 : i32 to index
        %get3A_416 = arith.constant 304 : index
        %get3A_417 = tpu.vector_load %arg7[%get3A_415, %get3A_416] {strides = array<i32>} : memref<64x512xf32, #tpu.memory_space<vmem>>, vector<1x16xf32>,
        %get3A_418 = vector.shape_cast %get3A_417 : vector<1x16xf32> to vector<16xf32>
        %swap3A_419 = arith.index_cast %scan3A_225 : i32 to index
        %swap3A_420 = arith.constant 304 : index
        %swap3A_421 = tpu.vector_load %arg9[%swap3A_419, %swap3A_420] {strides = array<i32>} : memref<32x512xf32, #tpu.memory_space<vmem>>, vector<1x16xf32>,
        %swap3A_422 = vector.shape_cast %swap3A_421 : vector<1x16xf32> to vector<16xf32>
        %swap3A_423 = vector.shape_cast %get3A_418 : vector<16xf32> to vector<1x16xf32>
        tpu.vector_store %arg9[%swap3A_419, %swap3A_420], %swap3A_423 {add = true, strides = array<i32>} : memref<32x512xf32, #tpu.memory_space<vmem>>, vector<1x16xf32>,
        %add3A_424 = arith.addi %mul3A_112, %scan3A_225 : i32
        %get3A_425 = arith.index_cast %add3A_424 : i32 to index
        %get3A_426 = arith.constant 320 : index
        %get3A_427 = tpu.vector_load %arg7[%get3A_425, %get3A_426] {strides = array<i32>} : memref<64x512xf32, #tpu.memory_space<vmem>>, vector<1x16xf32>,
        %get3A_428 = vector.shape_cast %get3A_427 : vector<1x16xf32> to vector<16xf32>
        %swap3A_429 = arith.index_cast %scan3A_225 : i32 to index
        %swap3A_430 = arith.constant 320 : index
        %swap3A_431 = tpu.vector_load %arg9[%swap3A_429, %swap3A_430] {strides = array<i32>} : memref<32x512xf32, #tpu.memory_space<vmem>>, vector<1x16xf32>,
        %swap3A_432 = vector.shape_cast %swap3A_431 : vector<1x16xf32> to vector<16xf32>
        %swap3A_433 = vector.shape_cast %get3A_428 : vector<16xf32> to vector<1x16xf32>
        tpu.vector_store %arg9[%swap3A_429, %swap3A_430], %swap3A_433 {add = true, strides = array<i32>} : memref<32x512xf32, #tpu.memory_space<vmem>>, vector<1x16xf32>,
        %add3A_434 = arith.addi %mul3A_112, %scan3A_225 : i32
        %get3A_435 = arith.index_cast %add3A_434 : i32 to index
        %get3A_436 = arith.constant 336 : index
        %get3A_437 = tpu.vector_load %arg7[%get3A_435, %get3A_436] {strides = array<i32>} : memref<64x512xf32, #tpu.memory_space<vmem>>, vector<1x16xf32>,
        %get3A_438 = vector.shape_cast %get3A_437 : vector<1x16xf32> to vector<16xf32>
        %swap3A_439 = arith.index_cast %scan3A_225 : i32 to index
        %swap3A_440 = arith.constant 336 : index
        %swap3A_441 = tpu.vector_load %arg9[%swap3A_439, %swap3A_440] {strides = array<i32>} : memref<32x512xf32, #tpu.memory_space<vmem>>, vector<1x16xf32>,
        %swap3A_442 = vector.shape_cast %swap3A_441 : vector<1x16xf32> to vector<16xf32>
        %swap3A_443 = vector.shape_cast %get3A_438 : vector<16xf32> to vector<1x16xf32>
        tpu.vector_store %arg9[%swap3A_439, %swap3A_440], %swap3A_443 {add = true, strides = array<i32>} : memref<32x512xf32, #tpu.memory_space<vmem>>, vector<1x16xf32>,
        %add3A_444 = arith.addi %mul3A_112, %scan3A_225 : i32
        %get3A_445 = arith.index_cast %add3A_444 : i32 to index
        %get3A_446 = arith.constant 352 : index
        %get3A_447 = tpu.vector_load %arg7[%get3A_445, %get3A_446] {strides = array<i32>} : memref<64x512xf32, #tpu.memory_space<vmem>>, vector<1x16xf32>,
        %get3A_448 = vector.shape_cast %get3A_447 : vector<1x16xf32> to vector<16xf32>
        %swap3A_449 = arith.index_cast %scan3A_225 : i32 to index
        %swap3A_450 = arith.constant 352 : index
        %swap3A_451 = tpu.vector_load %arg9[%swap3A_449, %swap3A_450] {strides = array<i32>} : memref<32x512xf32, #tpu.memory_space<vmem>>, vector<1x16xf32>,
        %swap3A_452 = vector.shape_cast %swap3A_451 : vector<1x16xf32> to vector<16xf32>
        %swap3A_453 = vector.shape_cast %get3A_448 : vector<16xf32> to vector<1x16xf32>
        tpu.vector_store %arg9[%swap3A_449, %swap3A_450], %swap3A_453 {add = true, strides = array<i32>} : memref<32x512xf32, #tpu.memory_space<vmem>>, vector<1x16xf32>,
        %add3A_454 = arith.addi %mul3A_112, %scan3A_225 : i32
        %get3A_455 = arith.index_cast %add3A_454 : i32 to index
        %get3A_456 = arith.constant 368 : index
        %get3A_457 = tpu.vector_load %arg7[%get3A_455, %get3A_456] {strides = array<i32>} : memref<64x512xf32, #tpu.memory_space<vmem>>, vector<1x16xf32>,
        %get3A_458 = vector.shape_cast %get3A_457 : vector<1x16xf32> to vector<16xf32>
        %swap3A_459 = arith.index_cast %scan3A_225 : i32 to index
        %swap3A_460 = arith.constant 368 : index
        %swap3A_461 = tpu.vector_load %arg9[%swap3A_459, %swap3A_460] {strides = array<i32>} : memref<32x512xf32, #tpu.memory_space<vmem>>, vector<1x16xf32>,
        %swap3A_462 = vector.shape_cast %swap3A_461 : vector<1x16xf32> to vector<16xf32>
        %swap3A_463 = vector.shape_cast %get3A_458 : vector<16xf32> to vector<1x16xf32>
        tpu.vector_store %arg9[%swap3A_459, %swap3A_460], %swap3A_463 {add = true, strides = array<i32>} : memref<32x512xf32, #tpu.memory_space<vmem>>, vector<1x16xf32>,
        %add3A_464 = arith.addi %mul3A_112, %scan3A_225 : i32
        %get3A_465 = arith.index_cast %add3A_464 : i32 to index
        %get3A_466 = arith.constant 384 : index
        %get3A_467 = tpu.vector_load %arg7[%get3A_465, %get3A_466] {strides = array<i32>} : memref<64x512xf32, #tpu.memory_space<vmem>>, vector<1x16xf32>,
        %get3A_468 = vector.shape_cast %get3A_467 : vector<1x16xf32> to vector<16xf32>
        %swap3A_469 = arith.index_cast %scan3A_225 : i32 to index
        %swap3A_470 = arith.constant 384 : index
        %swap3A_471 = tpu.vector_load %arg9[%swap3A_469, %swap3A_470] {strides = array<i32>} : memref<32x512xf32, #tpu.memory_space<vmem>>, vector<1x16xf32>,
        %swap3A_472 = vector.shape_cast %swap3A_471 : vector<1x16xf32> to vector<16xf32>
        %swap3A_473 = vector.shape_cast %get3A_468 : vector<16xf32> to vector<1x16xf32>
        tpu.vector_store %arg9[%swap3A_469, %swap3A_470], %swap3A_473 {add = true, strides = array<i32>} : memref<32x512xf32, #tpu.memory_space<vmem>>, vector<1x16xf32>,
        %add3A_474 = arith.addi %mul3A_112, %scan3A_225 : i32
        %get3A_475 = arith.index_cast %add3A_474 : i32 to index
        %get3A_476 = arith.constant 400 : index
        %get3A_477 = tpu.vector_load %arg7[%get3A_475, %get3A_476] {strides = array<i32>} : memref<64x512xf32, #tpu.memory_space<vmem>>, vector<1x16xf32>,
        %get3A_478 = vector.shape_cast %get3A_477 : vector<1x16xf32> to vector<16xf32>
        %swap3A_479 = arith.index_cast %scan3A_225 : i32 to index
        %swap3A_480 = arith.constant 400 : index
        %swap3A_481 = tpu.vector_load %arg9[%swap3A_479, %swap3A_480] {strides = array<i32>} : memref<32x512xf32, #tpu.memory_space<vmem>>, vector<1x16xf32>,
        %swap3A_482 = vector.shape_cast %swap3A_481 : vector<1x16xf32> to vector<16xf32>
        %swap3A_483 = vector.shape_cast %get3A_478 : vector<16xf32> to vector<1x16xf32>
        tpu.vector_store %arg9[%swap3A_479, %swap3A_480], %swap3A_483 {add = true, strides = array<i32>} : memref<32x512xf32, #tpu.memory_space<vmem>>, vector<1x16xf32>,
        %add3A_484 = arith.addi %mul3A_112, %scan3A_225 : i32
        %get3A_485 = arith.index_cast %add3A_484 : i32 to index
        %get3A_486 = arith.constant 416 : index
        %get3A_487 = tpu.vector_load %arg7[%get3A_485, %get3A_486] {strides = array<i32>} : memref<64x512xf32, #tpu.memory_space<vmem>>, vector<1x16xf32>,
        %get3A_488 = vector.shape_cast %get3A_487 : vector<1x16xf32> to vector<16xf32>
        %swap3A_489 = arith.index_cast %scan3A_225 : i32 to index
        %swap3A_490 = arith.constant 416 : index
        %swap3A_491 = tpu.vector_load %arg9[%swap3A_489, %swap3A_490] {strides = array<i32>} : memref<32x512xf32, #tpu.memory_space<vmem>>, vector<1x16xf32>,
        %swap3A_492 = vector.shape_cast %swap3A_491 : vector<1x16xf32> to vector<16xf32>
        %swap3A_493 = vector.shape_cast %get3A_488 : vector<16xf32> to vector<1x16xf32>
        tpu.vector_store %arg9[%swap3A_489, %swap3A_490], %swap3A_493 {add = true, strides = array<i32>} : memref<32x512xf32, #tpu.memory_space<vmem>>, vector<1x16xf32>,
        %add3A_494 = arith.addi %mul3A_112, %scan3A_225 : i32
        %get3A_495 = arith.index_cast %add3A_494 : i32 to index
        %get3A_496 = arith.constant 432 : index
        %get3A_497 = tpu.vector_load %arg7[%get3A_495, %get3A_496] {strides = array<i32>} : memref<64x512xf32, #tpu.memory_space<vmem>>, vector<1x16xf32>,
        %get3A_498 = vector.shape_cast %get3A_497 : vector<1x16xf32> to vector<16xf32>
        %swap3A_499 = arith.index_cast %scan3A_225 : i32 to index
        %swap3A_500 = arith.constant 432 : index
        %swap3A_501 = tpu.vector_load %arg9[%swap3A_499, %swap3A_500] {strides = array<i32>} : memref<32x512xf32, #tpu.memory_space<vmem>>, vector<1x16xf32>,
        %swap3A_502 = vector.shape_cast %swap3A_501 : vector<1x16xf32> to vector<16xf32>
        %swap3A_503 = vector.shape_cast %get3A_498 : vector<16xf32> to vector<1x16xf32>
        tpu.vector_store %arg9[%swap3A_499, %swap3A_500], %swap3A_503 {add = true, strides = array<i32>} : memref<32x512xf32, #tpu.memory_space<vmem>>, vector<1x16xf32>,
        %add3A_504 = arith.addi %mul3A_112, %scan3A_225 : i32
        %get3A_505 = arith.index_cast %add3A_504 : i32 to index
        %get3A_506 = arith.constant 448 : index
        %get3A_507 = tpu.vector_load %arg7[%get3A_505, %get3A_506] {strides = array<i32>} : memref<64x512xf32, #tpu.memory_space<vmem>>, vector<1x16xf32>,
        %get3A_508 = vector.shape_cast %get3A_507 : vector<1x16xf32> to vector<16xf32>
        %swap3A_509 = arith.index_cast %scan3A_225 : i32 to index
        %swap3A_510 = arith.constant 448 : index
        %swap3A_511 = tpu.vector_load %arg9[%swap3A_509, %swap3A_510] {strides = array<i32>} : memref<32x512xf32, #tpu.memory_space<vmem>>, vector<1x16xf32>,
        %swap3A_512 = vector.shape_cast %swap3A_511 : vector<1x16xf32> to vector<16xf32>
        %swap3A_513 = vector.shape_cast %get3A_508 : vector<16xf32> to vector<1x16xf32>
        tpu.vector_store %arg9[%swap3A_509, %swap3A_510], %swap3A_513 {add = true, strides = array<i32>} : memref<32x512xf32, #tpu.memory_space<vmem>>, vector<1x16xf32>,
        %add3A_514 = arith.addi %mul3A_112, %scan3A_225 : i32
        %get3A_515 = arith.index_cast %add3A_514 : i32 to index
        %get3A_516 = arith.constant 464 : index
        %get3A_517 = tpu.vector_load %arg7[%get3A_515, %get3A_516] {strides = array<i32>} : memref<64x512xf32, #tpu.memory_space<vmem>>, vector<1x16xf32>,
        %get3A_518 = vector.shape_cast %get3A_517 : vector<1x16xf32> to vector<16xf32>
        %swap3A_519 = arith.index_cast %scan3A_225 : i32 to index
        %swap3A_520 = arith.constant 464 : index
        %swap3A_521 = tpu.vector_load %arg9[%swap3A_519, %swap3A_520] {strides = array<i32>} : memref<32x512xf32, #tpu.memory_space<vmem>>, vector<1x16xf32>,
        %swap3A_522 = vector.shape_cast %swap3A_521 : vector<1x16xf32> to vector<16xf32>
        %swap3A_523 = vector.shape_cast %get3A_518 : vector<16xf32> to vector<1x16xf32>
        tpu.vector_store %arg9[%swap3A_519, %swap3A_520], %swap3A_523 {add = true, strides = array<i32>} : memref<32x512xf32, #tpu.memory_space<vmem>>, vector<1x16xf32>,
        %add3A_524 = arith.addi %mul3A_112, %scan3A_225 : i32
        %get3A_525 = arith.index_cast %add3A_524 : i32 to index
        %get3A_526 = arith.constant 480 : index
        %get3A_527 = tpu.vector_load %arg7[%get3A_525, %get3A_526] {strides = array<i32>} : memref<64x512xf32, #tpu.memory_space<vmem>>, vector<1x16xf32>,
        %get3A_528 = vector.shape_cast %get3A_527 : vector<1x16xf32> to vector<16xf32>
        %swap3A_529 = arith.index_cast %scan3A_225 : i32 to index
        %swap3A_530 = arith.constant 480 : index
        %swap3A_531 = tpu.vector_load %arg9[%swap3A_529, %swap3A_530] {strides = array<i32>} : memref<32x512xf32, #tpu.memory_space<vmem>>, vector<1x16xf32>,
        %swap3A_532 = vector.shape_cast %swap3A_531 : vector<1x16xf32> to vector<16xf32>
        %swap3A_533 = vector.shape_cast %get3A_528 : vector<16xf32> to vector<1x16xf32>
        tpu.vector_store %arg9[%swap3A_529, %swap3A_530], %swap3A_533 {add = true, strides = array<i32>} : memref<32x512xf32, #tpu.memory_space<vmem>>, vector<1x16xf32>,
        %add3A_534 = arith.addi %mul3A_112, %scan3A_225 : i32
        %get3A_535 = arith.index_cast %add3A_534 : i32 to index
        %get3A_536 = arith.constant 496 : index
        %get3A_537 = tpu.vector_load %arg7[%get3A_535, %get3A_536] {strides = array<i32>} : memref<64x512xf32, #tpu.memory_space<vmem>>, vector<1x16xf32>,
        %get3A_538 = vector.shape_cast %get3A_537 : vector<1x16xf32> to vector<16xf32>
        %swap3A_539 = arith.index_cast %scan3A_225 : i32 to index
        %swap3A_540 = arith.constant 496 : index
        %swap3A_541 = tpu.vector_load %arg9[%swap3A_539, %swap3A_540] {strides = array<i32>} : memref<32x512xf32, #tpu.memory_space<vmem>>, vector<1x16xf32>,
        %swap3A_542 = vector.shape_cast %swap3A_541 : vector<1x16xf32> to vector<16xf32>
        %swap3A_543 = vector.shape_cast %get3A_538 : vector<16xf32> to vector<1x16xf32>
        tpu.vector_store %arg9[%swap3A_539, %swap3A_540], %swap3A_543 {add = true, strides = array<i32>} : memref<32x512xf32, #tpu.memory_space<vmem>>, vector<1x16xf32>,
      }
      %scan3A_118 = arith.constant 32 : i32
      %shift_right_arithmetic3A_119 = arith.constant 1 : i32
      %shift_right_arithmetic3A_120 = arith.shrsi %add3A_90, %shift_right_arithmetic3A_119 : i32
      %mul3A_121 = arith.constant 2048 : i32
      %mul3A_122 = arith.muli %shift_right_arithmetic3A_120, %mul3A_121 : i32
      %add3A_123 = arith.addi %mul3A_122, %mul3A_2 : i32
      %and3A_124 = arith.constant 1 : i32
      %and3A_125 = arith.andi %add3A_90, %and3A_124 : i32
      %mul3A_126 = arith.constant 32 : i32
      %mul3A_127 = arith.muli %and3A_125, %mul3A_126 : i32
      %add3A_128 = arith.addi %add3A_123, %mul3A_127 : i32
      %dma_start3A_129 = arith.constant 0 : i32
      %dma_start3A_130 = tpu.memref_slice %arg5[%add3A_128, %dma_start3A_129] : memref<131072x512xf32, #tpu.memory_space<hbm>> -> memref<32x512xf32, #tpu.memory_space<hbm>>
      %dma_start3A_131 = arith.constant 0 : i32
      %dma_start3A_132 = tpu.memref_slice %arg5[%add3A_128, %dma_start3A_131] : memref<131072x512xf32, #tpu.memory_space<hbm>> -> memref<32x512xf32, #tpu.memory_space<hbm>>
      tpu.enqueue_dma source(%arg9 : memref<32x512xf32, #tpu.memory_space<vmem>>) target(%dma_start3A_132 : memref<32x512xf32, #tpu.memory_space<hbm>>) target_semaphore(%arg18 : memref<!tpu.dma_semaphore, #tpu.memory_space<semaphore_mem>>)
      %mul3A_133 = arith.constant 4 : i32
      %mul3A_134 = arith.muli %mul3A_133, %scan3A_46 : i32
      %add3A_135 = arith.constant 2 : i32
      %add3A_136 = arith.addi %mul3A_134, %add3A_135 : i32
      %dma_wait3A_137 = arith.constant 0 : i32
      %dma_wait3A_138 = arith.constant 0 : i32
      %dma_wait3A_139 = tpu.memref_slice %arg3[%dma_wait3A_137, %dma_wait3A_138] : memref<32000x512xf32, #tpu.memory_space<hbm>> -> memref<32x512xf32, #tpu.memory_space<hbm>>
      %dma_wait3A_140 = arith.constant 0 : i32
      %dma_wait3A_141 = arith.constant 0 : i32
      %dma_wait3A_142 = tpu.memref_slice %arg3[%dma_wait3A_140, %dma_wait3A_141] : memref<32000x512xf32, #tpu.memory_space<hbm>> -> memref<32x512xf32, #tpu.memory_space<hbm>>
      tpu.wait_dma2 semaphore(%arg15 : memref<!tpu.dma_semaphore, #tpu.memory_space<semaphore_mem>>) src(%dma_wait3A_142 : memref<32x512xf32, #tpu.memory_space<hbm>>) dst(%arg10 : memref<32x512xf32, #tpu.memory_space<vmem>>)
      %ge3A_143 = arith.constant 2 : i32
      %ge3A_144 = arith.cmpi sge, %add3A_136, %ge3A_143 : i32
      %convert_element_type3A_145 = arith.extui %ge3A_144 : i1 to i32
      %cond3A_146 = arith.constant 0 : i32
      %cond3A_147 = arith.cmpi ne, %convert_element_type3A_145, %cond3A_146 : i32
      scf.if %cond3A_147 {
        %dma_wait3A_225 = arith.constant 0 : i32
        %dma_wait3A_226 = arith.constant 0 : i32
        %dma_wait3A_227 = tpu.memref_slice %arg5[%dma_wait3A_225, %dma_wait3A_226] : memref<131072x512xf32, #tpu.memory_space<hbm>> -> memref<32x512xf32, #tpu.memory_space<hbm>>
        %dma_wait3A_228 = arith.constant 0 : i32
        %dma_wait3A_229 = arith.constant 0 : i32
        %dma_wait3A_230 = tpu.memref_slice %arg5[%dma_wait3A_228, %dma_wait3A_229] : memref<131072x512xf32, #tpu.memory_space<hbm>> -> memref<32x512xf32, #tpu.memory_space<hbm>>
        tpu.wait_dma2 semaphore(%arg17 : memref<!tpu.dma_semaphore, #tpu.memory_space<semaphore_mem>>) src(%arg8 : memref<32x512xf32, #tpu.memory_space<vmem>>) dst(%dma_wait3A_230 : memref<32x512xf32, #tpu.memory_space<hbm>>)
      } else {
      }
      %add3A_148 = arith.constant 2 : i32
      %add3A_149 = arith.addi %add3A_136, %add3A_148 : i32
      %lt3A_150 = arith.constant 128 : i32
      %lt3A_151 = arith.cmpi slt, %add3A_149, %lt3A_150 : i32
      %convert_element_type3A_152 = arith.extui %lt3A_151 : i1 to i32
      %cond3A_153 = arith.constant 0 : i32
      %cond3A_154 = arith.cmpi ne, %convert_element_type3A_152, %cond3A_153 : i32
      scf.if %cond3A_154 {
        %add3A_225 = arith.constant 2 : i32
        %add3A_226 = arith.addi %add3A_136, %add3A_225 : i32
        %shift_right_arithmetic3A_227 = arith.constant 1 : i32
        %shift_right_arithmetic3A_228 = arith.shrsi %add3A_226, %shift_right_arithmetic3A_227 : i32
        %mul3A_229 = arith.constant 64 : i32
        %mul3A_230 = arith.muli %shift_right_arithmetic3A_228, %mul3A_229 : i32
        %and3A_231 = arith.constant 1 : i32
        %and3A_232 = arith.andi %add3A_226, %and3A_231 : i32
        %mul3A_233 = arith.constant 32 : i32
        %mul3A_234 = arith.muli %and3A_232, %mul3A_233 : i32
        %add3A_235 = arith.addi %mul3A_230, %mul3A_234 : i32
        %dma_start3A_236 = tpu.memref_slice %arg6[%add3A_235] : memref<4096xi32, #tpu.memory_space<vmem>> -> memref<32xi32, #tpu.memory_space<vmem>>
        %dma_start3A_237 = arith.constant 0 : i32
        %dma_start3A_238 = arith.constant 0 : i32
        %dma_start3A_239 = tpu.memref_slice %arg3[%dma_start3A_237, %dma_start3A_238] : memref<32000x512xf32, #tpu.memory_space<hbm>> -> memref<32000x512xf32, #tpu.memory_space<hbm>>
        tpu.enqueue_indirect_dma source(%dma_start3A_239 : memref<32000x512xf32, #tpu.memory_space<hbm>>) target(%arg8 : memref<32x512xf32, #tpu.memory_space<vmem>>) offsets(%dma_start3A_236 : memref<32xi32, #tpu.memory_space<vmem>>) semaphore(%arg13 : memref<!tpu.dma_semaphore, #tpu.memory_space<semaphore_mem>>)
      } else {
      }
      %and3A_155 = arith.constant 1 : i32
      %and3A_156 = arith.andi %add3A_136, %and3A_155 : i32
      %mul3A_157 = arith.constant 32 : i32
      %mul3A_158 = arith.muli %and3A_156, %mul3A_157 : i32
      %scan3A_159 = arith.constant 0 : i32
      %scan3A_160 = arith.constant 0 : i32
      %scan3A_161 = arith.constant 32 : i32
      %scan3A_162 = arith.addi %scan3A_160, %scan3A_161 : i32
      %scan3A_163 = arith.constant 1 : i32
      scf.for %scan3A_225 = %scan3A_160 to %scan3A_162 step %scan3A_163  : i32 {
        %add3A_226 = arith.addi %mul3A_158, %scan3A_225 : i32
        %get3A = arith.index_cast %add3A_226 : i32 to index
        %get3A_227 = arith.constant 0 : index
        %get3A_228 = tpu.vector_load %arg7[%get3A, %get3A_227] {strides = array<i32>} : memref<64x512xf32, #tpu.memory_space<vmem>>, vector<1x16xf32>,
        %get3A_229 = vector.shape_cast %get3A_228 : vector<1x16xf32> to vector<16xf32>
        %swap3A = arith.index_cast %scan3A_225 : i32 to index
        %swap3A_230 = arith.constant 0 : index
        %swap3A_231 = tpu.vector_load %arg10[%swap3A, %swap3A_230] {strides = array<i32>} : memref<32x512xf32, #tpu.memory_space<vmem>>, vector<1x16xf32>,
        %swap3A_232 = vector.shape_cast %swap3A_231 : vector<1x16xf32> to vector<16xf32>
        %swap3A_233 = vector.shape_cast %get3A_229 : vector<16xf32> to vector<1x16xf32>
        tpu.vector_store %arg10[%swap3A, %swap3A_230], %swap3A_233 {add = true, strides = array<i32>} : memref<32x512xf32, #tpu.memory_space<vmem>>, vector<1x16xf32>,
        %add3A_234 = arith.addi %mul3A_158, %scan3A_225 : i32
        %get3A_235 = arith.index_cast %add3A_234 : i32 to index
        %get3A_236 = arith.constant 16 : index
        %get3A_237 = tpu.vector_load %arg7[%get3A_235, %get3A_236] {strides = array<i32>} : memref<64x512xf32, #tpu.memory_space<vmem>>, vector<1x16xf32>,
        %get3A_238 = vector.shape_cast %get3A_237 : vector<1x16xf32> to vector<16xf32>
        %swap3A_239 = arith.index_cast %scan3A_225 : i32 to index
        %swap3A_240 = arith.constant 16 : index
        %swap3A_241 = tpu.vector_load %arg10[%swap3A_239, %swap3A_240] {strides = array<i32>} : memref<32x512xf32, #tpu.memory_space<vmem>>, vector<1x16xf32>,
        %swap3A_242 = vector.shape_cast %swap3A_241 : vector<1x16xf32> to vector<16xf32>
        %swap3A_243 = vector.shape_cast %get3A_238 : vector<16xf32> to vector<1x16xf32>
        tpu.vector_store %arg10[%swap3A_239, %swap3A_240], %swap3A_243 {add = true, strides = array<i32>} : memref<32x512xf32, #tpu.memory_space<vmem>>, vector<1x16xf32>,
        %add3A_244 = arith.addi %mul3A_158, %scan3A_225 : i32
        %get3A_245 = arith.index_cast %add3A_244 : i32 to index
        %get3A_246 = arith.constant 32 : index
        %get3A_247 = tpu.vector_load %arg7[%get3A_245, %get3A_246] {strides = array<i32>} : memref<64x512xf32, #tpu.memory_space<vmem>>, vector<1x16xf32>,
        %get3A_248 = vector.shape_cast %get3A_247 : vector<1x16xf32> to vector<16xf32>
        %swap3A_249 = arith.index_cast %scan3A_225 : i32 to index
        %swap3A_250 = arith.constant 32 : index
        %swap3A_251 = tpu.vector_load %arg10[%swap3A_249, %swap3A_250] {strides = array<i32>} : memref<32x512xf32, #tpu.memory_space<vmem>>, vector<1x16xf32>,
        %swap3A_252 = vector.shape_cast %swap3A_251 : vector<1x16xf32> to vector<16xf32>
        %swap3A_253 = vector.shape_cast %get3A_248 : vector<16xf32> to vector<1x16xf32>
        tpu.vector_store %arg10[%swap3A_249, %swap3A_250], %swap3A_253 {add = true, strides = array<i32>} : memref<32x512xf32, #tpu.memory_space<vmem>>, vector<1x16xf32>,
        %add3A_254 = arith.addi %mul3A_158, %scan3A_225 : i32
        %get3A_255 = arith.index_cast %add3A_254 : i32 to index
        %get3A_256 = arith.constant 48 : index
        %get3A_257 = tpu.vector_load %arg7[%get3A_255, %get3A_256] {strides = array<i32>} : memref<64x512xf32, #tpu.memory_space<vmem>>, vector<1x16xf32>,
        %get3A_258 = vector.shape_cast %get3A_257 : vector<1x16xf32> to vector<16xf32>
        %swap3A_259 = arith.index_cast %scan3A_225 : i32 to index
        %swap3A_260 = arith.constant 48 : index
        %swap3A_261 = tpu.vector_load %arg10[%swap3A_259, %swap3A_260] {strides = array<i32>} : memref<32x512xf32, #tpu.memory_space<vmem>>, vector<1x16xf32>,
        %swap3A_262 = vector.shape_cast %swap3A_261 : vector<1x16xf32> to vector<16xf32>
        %swap3A_263 = vector.shape_cast %get3A_258 : vector<16xf32> to vector<1x16xf32>
        tpu.vector_store %arg10[%swap3A_259, %swap3A_260], %swap3A_263 {add = true, strides = array<i32>} : memref<32x512xf32, #tpu.memory_space<vmem>>, vector<1x16xf32>,
        %add3A_264 = arith.addi %mul3A_158, %scan3A_225 : i32
        %get3A_265 = arith.index_cast %add3A_264 : i32 to index
        %get3A_266 = arith.constant 64 : index
        %get3A_267 = tpu.vector_load %arg7[%get3A_265, %get3A_266] {strides = array<i32>} : memref<64x512xf32, #tpu.memory_space<vmem>>, vector<1x16xf32>,
        %get3A_268 = vector.shape_cast %get3A_267 : vector<1x16xf32> to vector<16xf32>
        %swap3A_269 = arith.index_cast %scan3A_225 : i32 to index
        %swap3A_270 = arith.constant 64 : index
        %swap3A_271 = tpu.vector_load %arg10[%swap3A_269, %swap3A_270] {strides = array<i32>} : memref<32x512xf32, #tpu.memory_space<vmem>>, vector<1x16xf32>,
        %swap3A_272 = vector.shape_cast %swap3A_271 : vector<1x16xf32> to vector<16xf32>
        %swap3A_273 = vector.shape_cast %get3A_268 : vector<16xf32> to vector<1x16xf32>
        tpu.vector_store %arg10[%swap3A_269, %swap3A_270], %swap3A_273 {add = true, strides = array<i32>} : memref<32x512xf32, #tpu.memory_space<vmem>>, vector<1x16xf32>,
        %add3A_274 = arith.addi %mul3A_158, %scan3A_225 : i32
        %get3A_275 = arith.index_cast %add3A_274 : i32 to index
        %get3A_276 = arith.constant 80 : index
        %get3A_277 = tpu.vector_load %arg7[%get3A_275, %get3A_276] {strides = array<i32>} : memref<64x512xf32, #tpu.memory_space<vmem>>, vector<1x16xf32>,
        %get3A_278 = vector.shape_cast %get3A_277 : vector<1x16xf32> to vector<16xf32>
        %swap3A_279 = arith.index_cast %scan3A_225 : i32 to index
        %swap3A_280 = arith.constant 80 : index
        %swap3A_281 = tpu.vector_load %arg10[%swap3A_279, %swap3A_280] {strides = array<i32>} : memref<32x512xf32, #tpu.memory_space<vmem>>, vector<1x16xf32>,
        %swap3A_282 = vector.shape_cast %swap3A_281 : vector<1x16xf32> to vector<16xf32>
        %swap3A_283 = vector.shape_cast %get3A_278 : vector<16xf32> to vector<1x16xf32>
        tpu.vector_store %arg10[%swap3A_279, %swap3A_280], %swap3A_283 {add = true, strides = array<i32>} : memref<32x512xf32, #tpu.memory_space<vmem>>, vector<1x16xf32>,
        %add3A_284 = arith.addi %mul3A_158, %scan3A_225 : i32
        %get3A_285 = arith.index_cast %add3A_284 : i32 to index
        %get3A_286 = arith.constant 96 : index
        %get3A_287 = tpu.vector_load %arg7[%get3A_285, %get3A_286] {strides = array<i32>} : memref<64x512xf32, #tpu.memory_space<vmem>>, vector<1x16xf32>,
        %get3A_288 = vector.shape_cast %get3A_287 : vector<1x16xf32> to vector<16xf32>
        %swap3A_289 = arith.index_cast %scan3A_225 : i32 to index
        %swap3A_290 = arith.constant 96 : index
        %swap3A_291 = tpu.vector_load %arg10[%swap3A_289, %swap3A_290] {strides = array<i32>} : memref<32x512xf32, #tpu.memory_space<vmem>>, vector<1x16xf32>,
        %swap3A_292 = vector.shape_cast %swap3A_291 : vector<1x16xf32> to vector<16xf32>
        %swap3A_293 = vector.shape_cast %get3A_288 : vector<16xf32> to vector<1x16xf32>
        tpu.vector_store %arg10[%swap3A_289, %swap3A_290], %swap3A_293 {add = true, strides = array<i32>} : memref<32x512xf32, #tpu.memory_space<vmem>>, vector<1x16xf32>,
        %add3A_294 = arith.addi %mul3A_158, %scan3A_225 : i32
        %get3A_295 = arith.index_cast %add3A_294 : i32 to index
        %get3A_296 = arith.constant 112 : index
        %get3A_297 = tpu.vector_load %arg7[%get3A_295, %get3A_296] {strides = array<i32>} : memref<64x512xf32, #tpu.memory_space<vmem>>, vector<1x16xf32>,
        %get3A_298 = vector.shape_cast %get3A_297 : vector<1x16xf32> to vector<16xf32>
        %swap3A_299 = arith.index_cast %scan3A_225 : i32 to index
        %swap3A_300 = arith.constant 112 : index
        %swap3A_301 = tpu.vector_load %arg10[%swap3A_299, %swap3A_300] {strides = array<i32>} : memref<32x512xf32, #tpu.memory_space<vmem>>, vector<1x16xf32>,
        %swap3A_302 = vector.shape_cast %swap3A_301 : vector<1x16xf32> to vector<16xf32>
        %swap3A_303 = vector.shape_cast %get3A_298 : vector<16xf32> to vector<1x16xf32>
        tpu.vector_store %arg10[%swap3A_299, %swap3A_300], %swap3A_303 {add = true, strides = array<i32>} : memref<32x512xf32, #tpu.memory_space<vmem>>, vector<1x16xf32>,
        %add3A_304 = arith.addi %mul3A_158, %scan3A_225 : i32
        %get3A_305 = arith.index_cast %add3A_304 : i32 to index
        %get3A_306 = arith.constant 128 : index
        %get3A_307 = tpu.vector_load %arg7[%get3A_305, %get3A_306] {strides = array<i32>} : memref<64x512xf32, #tpu.memory_space<vmem>>, vector<1x16xf32>,
        %get3A_308 = vector.shape_cast %get3A_307 : vector<1x16xf32> to vector<16xf32>
        %swap3A_309 = arith.index_cast %scan3A_225 : i32 to index
        %swap3A_310 = arith.constant 128 : index
        %swap3A_311 = tpu.vector_load %arg10[%swap3A_309, %swap3A_310] {strides = array<i32>} : memref<32x512xf32, #tpu.memory_space<vmem>>, vector<1x16xf32>,
        %swap3A_312 = vector.shape_cast %swap3A_311 : vector<1x16xf32> to vector<16xf32>
        %swap3A_313 = vector.shape_cast %get3A_308 : vector<16xf32> to vector<1x16xf32>
        tpu.vector_store %arg10[%swap3A_309, %swap3A_310], %swap3A_313 {add = true, strides = array<i32>} : memref<32x512xf32, #tpu.memory_space<vmem>>, vector<1x16xf32>,
        %add3A_314 = arith.addi %mul3A_158, %scan3A_225 : i32
        %get3A_315 = arith.index_cast %add3A_314 : i32 to index
        %get3A_316 = arith.constant 144 : index
        %get3A_317 = tpu.vector_load %arg7[%get3A_315, %get3A_316] {strides = array<i32>} : memref<64x512xf32, #tpu.memory_space<vmem>>, vector<1x16xf32>,
        %get3A_318 = vector.shape_cast %get3A_317 : vector<1x16xf32> to vector<16xf32>
        %swap3A_319 = arith.index_cast %scan3A_225 : i32 to index
        %swap3A_320 = arith.constant 144 : index
        %swap3A_321 = tpu.vector_load %arg10[%swap3A_319, %swap3A_320] {strides = array<i32>} : memref<32x512xf32, #tpu.memory_space<vmem>>, vector<1x16xf32>,
        %swap3A_322 = vector.shape_cast %swap3A_321 : vector<1x16xf32> to vector<16xf32>
        %swap3A_323 = vector.shape_cast %get3A_318 : vector<16xf32> to vector<1x16xf32>
        tpu.vector_store %arg10[%swap3A_319, %swap3A_320], %swap3A_323 {add = true, strides = array<i32>} : memref<32x512xf32, #tpu.memory_space<vmem>>, vector<1x16xf32>,
        %add3A_324 = arith.addi %mul3A_158, %scan3A_225 : i32
        %get3A_325 = arith.index_cast %add3A_324 : i32 to index
        %get3A_326 = arith.constant 160 : index
        %get3A_327 = tpu.vector_load %arg7[%get3A_325, %get3A_326] {strides = array<i32>} : memref<64x512xf32, #tpu.memory_space<vmem>>, vector<1x16xf32>,
        %get3A_328 = vector.shape_cast %get3A_327 : vector<1x16xf32> to vector<16xf32>
        %swap3A_329 = arith.index_cast %scan3A_225 : i32 to index
        %swap3A_330 = arith.constant 160 : index
        %swap3A_331 = tpu.vector_load %arg10[%swap3A_329, %swap3A_330] {strides = array<i32>} : memref<32x512xf32, #tpu.memory_space<vmem>>, vector<1x16xf32>,
        %swap3A_332 = vector.shape_cast %swap3A_331 : vector<1x16xf32> to vector<16xf32>
        %swap3A_333 = vector.shape_cast %get3A_328 : vector<16xf32> to vector<1x16xf32>
        tpu.vector_store %arg10[%swap3A_329, %swap3A_330], %swap3A_333 {add = true, strides = array<i32>} : memref<32x512xf32, #tpu.memory_space<vmem>>, vector<1x16xf32>,
        %add3A_334 = arith.addi %mul3A_158, %scan3A_225 : i32
        %get3A_335 = arith.index_cast %add3A_334 : i32 to index
        %get3A_336 = arith.constant 176 : index
        %get3A_337 = tpu.vector_load %arg7[%get3A_335, %get3A_336] {strides = array<i32>} : memref<64x512xf32, #tpu.memory_space<vmem>>, vector<1x16xf32>,
        %get3A_338 = vector.shape_cast %get3A_337 : vector<1x16xf32> to vector<16xf32>
        %swap3A_339 = arith.index_cast %scan3A_225 : i32 to index
        %swap3A_340 = arith.constant 176 : index
        %swap3A_341 = tpu.vector_load %arg10[%swap3A_339, %swap3A_340] {strides = array<i32>} : memref<32x512xf32, #tpu.memory_space<vmem>>, vector<1x16xf32>,
        %swap3A_342 = vector.shape_cast %swap3A_341 : vector<1x16xf32> to vector<16xf32>
        %swap3A_343 = vector.shape_cast %get3A_338 : vector<16xf32> to vector<1x16xf32>
        tpu.vector_store %arg10[%swap3A_339, %swap3A_340], %swap3A_343 {add = true, strides = array<i32>} : memref<32x512xf32, #tpu.memory_space<vmem>>, vector<1x16xf32>,
        %add3A_344 = arith.addi %mul3A_158, %scan3A_225 : i32
        %get3A_345 = arith.index_cast %add3A_344 : i32 to index
        %get3A_346 = arith.constant 192 : index
        %get3A_347 = tpu.vector_load %arg7[%get3A_345, %get3A_346] {strides = array<i32>} : memref<64x512xf32, #tpu.memory_space<vmem>>, vector<1x16xf32>,
        %get3A_348 = vector.shape_cast %get3A_347 : vector<1x16xf32> to vector<16xf32>
        %swap3A_349 = arith.index_cast %scan3A_225 : i32 to index
        %swap3A_350 = arith.constant 192 : index
        %swap3A_351 = tpu.vector_load %arg10[%swap3A_349, %swap3A_350] {strides = array<i32>} : memref<32x512xf32, #tpu.memory_space<vmem>>, vector<1x16xf32>,
        %swap3A_352 = vector.shape_cast %swap3A_351 : vector<1x16xf32> to vector<16xf32>
        %swap3A_353 = vector.shape_cast %get3A_348 : vector<16xf32> to vector<1x16xf32>
        tpu.vector_store %arg10[%swap3A_349, %swap3A_350], %swap3A_353 {add = true, strides = array<i32>} : memref<32x512xf32, #tpu.memory_space<vmem>>, vector<1x16xf32>,
        %add3A_354 = arith.addi %mul3A_158, %scan3A_225 : i32
        %get3A_355 = arith.index_cast %add3A_354 : i32 to index
        %get3A_356 = arith.constant 208 : index
        %get3A_357 = tpu.vector_load %arg7[%get3A_355, %get3A_356] {strides = array<i32>} : memref<64x512xf32, #tpu.memory_space<vmem>>, vector<1x16xf32>,
        %get3A_358 = vector.shape_cast %get3A_357 : vector<1x16xf32> to vector<16xf32>
        %swap3A_359 = arith.index_cast %scan3A_225 : i32 to index
        %swap3A_360 = arith.constant 208 : index
        %swap3A_361 = tpu.vector_load %arg10[%swap3A_359, %swap3A_360] {strides = array<i32>} : memref<32x512xf32, #tpu.memory_space<vmem>>, vector<1x16xf32>,
        %swap3A_362 = vector.shape_cast %swap3A_361 : vector<1x16xf32> to vector<16xf32>
        %swap3A_363 = vector.shape_cast %get3A_358 : vector<16xf32> to vector<1x16xf32>
        tpu.vector_store %arg10[%swap3A_359, %swap3A_360], %swap3A_363 {add = true, strides = array<i32>} : memref<32x512xf32, #tpu.memory_space<vmem>>, vector<1x16xf32>,
        %add3A_364 = arith.addi %mul3A_158, %scan3A_225 : i32
        %get3A_365 = arith.index_cast %add3A_364 : i32 to index
        %get3A_366 = arith.constant 224 : index
        %get3A_367 = tpu.vector_load %arg7[%get3A_365, %get3A_366] {strides = array<i32>} : memref<64x512xf32, #tpu.memory_space<vmem>>, vector<1x16xf32>,
        %get3A_368 = vector.shape_cast %get3A_367 : vector<1x16xf32> to vector<16xf32>
        %swap3A_369 = arith.index_cast %scan3A_225 : i32 to index
        %swap3A_370 = arith.constant 224 : index
        %swap3A_371 = tpu.vector_load %arg10[%swap3A_369, %swap3A_370] {strides = array<i32>} : memref<32x512xf32, #tpu.memory_space<vmem>>, vector<1x16xf32>,
        %swap3A_372 = vector.shape_cast %swap3A_371 : vector<1x16xf32> to vector<16xf32>
        %swap3A_373 = vector.shape_cast %get3A_368 : vector<16xf32> to vector<1x16xf32>
        tpu.vector_store %arg10[%swap3A_369, %swap3A_370], %swap3A_373 {add = true, strides = array<i32>} : memref<32x512xf32, #tpu.memory_space<vmem>>, vector<1x16xf32>,
        %add3A_374 = arith.addi %mul3A_158, %scan3A_225 : i32
        %get3A_375 = arith.index_cast %add3A_374 : i32 to index
        %get3A_376 = arith.constant 240 : index
        %get3A_377 = tpu.vector_load %arg7[%get3A_375, %get3A_376] {strides = array<i32>} : memref<64x512xf32, #tpu.memory_space<vmem>>, vector<1x16xf32>,
        %get3A_378 = vector.shape_cast %get3A_377 : vector<1x16xf32> to vector<16xf32>
        %swap3A_379 = arith.index_cast %scan3A_225 : i32 to index
        %swap3A_380 = arith.constant 240 : index
        %swap3A_381 = tpu.vector_load %arg10[%swap3A_379, %swap3A_380] {strides = array<i32>} : memref<32x512xf32, #tpu.memory_space<vmem>>, vector<1x16xf32>,
        %swap3A_382 = vector.shape_cast %swap3A_381 : vector<1x16xf32> to vector<16xf32>
        %swap3A_383 = vector.shape_cast %get3A_378 : vector<16xf32> to vector<1x16xf32>
        tpu.vector_store %arg10[%swap3A_379, %swap3A_380], %swap3A_383 {add = true, strides = array<i32>} : memref<32x512xf32, #tpu.memory_space<vmem>>, vector<1x16xf32>,
        %add3A_384 = arith.addi %mul3A_158, %scan3A_225 : i32
        %get3A_385 = arith.index_cast %add3A_384 : i32 to index
        %get3A_386 = arith.constant 256 : index
        %get3A_387 = tpu.vector_load %arg7[%get3A_385, %get3A_386] {strides = array<i32>} : memref<64x512xf32, #tpu.memory_space<vmem>>, vector<1x16xf32>,
        %get3A_388 = vector.shape_cast %get3A_387 : vector<1x16xf32> to vector<16xf32>
        %swap3A_389 = arith.index_cast %scan3A_225 : i32 to index
        %swap3A_390 = arith.constant 256 : index
        %swap3A_391 = tpu.vector_load %arg10[%swap3A_389, %swap3A_390] {strides = array<i32>} : memref<32x512xf32, #tpu.memory_space<vmem>>, vector<1x16xf32>,
        %swap3A_392 = vector.shape_cast %swap3A_391 : vector<1x16xf32> to vector<16xf32>
        %swap3A_393 = vector.shape_cast %get3A_388 : vector<16xf32> to vector<1x16xf32>
        tpu.vector_store %arg10[%swap3A_389, %swap3A_390], %swap3A_393 {add = true, strides = array<i32>} : memref<32x512xf32, #tpu.memory_space<vmem>>, vector<1x16xf32>,
        %add3A_394 = arith.addi %mul3A_158, %scan3A_225 : i32
        %get3A_395 = arith.index_cast %add3A_394 : i32 to index
        %get3A_396 = arith.constant 272 : index
        %get3A_397 = tpu.vector_load %arg7[%get3A_395, %get3A_396] {strides = array<i32>} : memref<64x512xf32, #tpu.memory_space<vmem>>, vector<1x16xf32>,
        %get3A_398 = vector.shape_cast %get3A_397 : vector<1x16xf32> to vector<16xf32>
        %swap3A_399 = arith.index_cast %scan3A_225 : i32 to index
        %swap3A_400 = arith.constant 272 : index
        %swap3A_401 = tpu.vector_load %arg10[%swap3A_399, %swap3A_400] {strides = array<i32>} : memref<32x512xf32, #tpu.memory_space<vmem>>, vector<1x16xf32>,
        %swap3A_402 = vector.shape_cast %swap3A_401 : vector<1x16xf32> to vector<16xf32>
        %swap3A_403 = vector.shape_cast %get3A_398 : vector<16xf32> to vector<1x16xf32>
        tpu.vector_store %arg10[%swap3A_399, %swap3A_400], %swap3A_403 {add = true, strides = array<i32>} : memref<32x512xf32, #tpu.memory_space<vmem>>, vector<1x16xf32>,
        %add3A_404 = arith.addi %mul3A_158, %scan3A_225 : i32
        %get3A_405 = arith.index_cast %add3A_404 : i32 to index
        %get3A_406 = arith.constant 288 : index
        %get3A_407 = tpu.vector_load %arg7[%get3A_405, %get3A_406] {strides = array<i32>} : memref<64x512xf32, #tpu.memory_space<vmem>>, vector<1x16xf32>,
        %get3A_408 = vector.shape_cast %get3A_407 : vector<1x16xf32> to vector<16xf32>
        %swap3A_409 = arith.index_cast %scan3A_225 : i32 to index
        %swap3A_410 = arith.constant 288 : index
        %swap3A_411 = tpu.vector_load %arg10[%swap3A_409, %swap3A_410] {strides = array<i32>} : memref<32x512xf32, #tpu.memory_space<vmem>>, vector<1x16xf32>,
        %swap3A_412 = vector.shape_cast %swap3A_411 : vector<1x16xf32> to vector<16xf32>
        %swap3A_413 = vector.shape_cast %get3A_408 : vector<16xf32> to vector<1x16xf32>
        tpu.vector_store %arg10[%swap3A_409, %swap3A_410], %swap3A_413 {add = true, strides = array<i32>} : memref<32x512xf32, #tpu.memory_space<vmem>>, vector<1x16xf32>,
        %add3A_414 = arith.addi %mul3A_158, %scan3A_225 : i32
        %get3A_415 = arith.index_cast %add3A_414 : i32 to index
        %get3A_416 = arith.constant 304 : index
        %get3A_417 = tpu.vector_load %arg7[%get3A_415, %get3A_416] {strides = array<i32>} : memref<64x512xf32, #tpu.memory_space<vmem>>, vector<1x16xf32>,
        %get3A_418 = vector.shape_cast %get3A_417 : vector<1x16xf32> to vector<16xf32>
        %swap3A_419 = arith.index_cast %scan3A_225 : i32 to index
        %swap3A_420 = arith.constant 304 : index
        %swap3A_421 = tpu.vector_load %arg10[%swap3A_419, %swap3A_420] {strides = array<i32>} : memref<32x512xf32, #tpu.memory_space<vmem>>, vector<1x16xf32>,
        %swap3A_422 = vector.shape_cast %swap3A_421 : vector<1x16xf32> to vector<16xf32>
        %swap3A_423 = vector.shape_cast %get3A_418 : vector<16xf32> to vector<1x16xf32>
        tpu.vector_store %arg10[%swap3A_419, %swap3A_420], %swap3A_423 {add = true, strides = array<i32>} : memref<32x512xf32, #tpu.memory_space<vmem>>, vector<1x16xf32>,
        %add3A_424 = arith.addi %mul3A_158, %scan3A_225 : i32
        %get3A_425 = arith.index_cast %add3A_424 : i32 to index
        %get3A_426 = arith.constant 320 : index
        %get3A_427 = tpu.vector_load %arg7[%get3A_425, %get3A_426] {strides = array<i32>} : memref<64x512xf32, #tpu.memory_space<vmem>>, vector<1x16xf32>,
        %get3A_428 = vector.shape_cast %get3A_427 : vector<1x16xf32> to vector<16xf32>
        %swap3A_429 = arith.index_cast %scan3A_225 : i32 to index
        %swap3A_430 = arith.constant 320 : index
        %swap3A_431 = tpu.vector_load %arg10[%swap3A_429, %swap3A_430] {strides = array<i32>} : memref<32x512xf32, #tpu.memory_space<vmem>>, vector<1x16xf32>,
        %swap3A_432 = vector.shape_cast %swap3A_431 : vector<1x16xf32> to vector<16xf32>
        %swap3A_433 = vector.shape_cast %get3A_428 : vector<16xf32> to vector<1x16xf32>
        tpu.vector_store %arg10[%swap3A_429, %swap3A_430], %swap3A_433 {add = true, strides = array<i32>} : memref<32x512xf32, #tpu.memory_space<vmem>>, vector<1x16xf32>,
        %add3A_434 = arith.addi %mul3A_158, %scan3A_225 : i32
        %get3A_435 = arith.index_cast %add3A_434 : i32 to index
        %get3A_436 = arith.constant 336 : index
        %get3A_437 = tpu.vector_load %arg7[%get3A_435, %get3A_436] {strides = array<i32>} : memref<64x512xf32, #tpu.memory_space<vmem>>, vector<1x16xf32>,
        %get3A_438 = vector.shape_cast %get3A_437 : vector<1x16xf32> to vector<16xf32>
        %swap3A_439 = arith.index_cast %scan3A_225 : i32 to index
        %swap3A_440 = arith.constant 336 : index
        %swap3A_441 = tpu.vector_load %arg10[%swap3A_439, %swap3A_440] {strides = array<i32>} : memref<32x512xf32, #tpu.memory_space<vmem>>, vector<1x16xf32>,
        %swap3A_442 = vector.shape_cast %swap3A_441 : vector<1x16xf32> to vector<16xf32>
        %swap3A_443 = vector.shape_cast %get3A_438 : vector<16xf32> to vector<1x16xf32>
        tpu.vector_store %arg10[%swap3A_439, %swap3A_440], %swap3A_443 {add = true, strides = array<i32>} : memref<32x512xf32, #tpu.memory_space<vmem>>, vector<1x16xf32>,
        %add3A_444 = arith.addi %mul3A_158, %scan3A_225 : i32
        %get3A_445 = arith.index_cast %add3A_444 : i32 to index
        %get3A_446 = arith.constant 352 : index
        %get3A_447 = tpu.vector_load %arg7[%get3A_445, %get3A_446] {strides = array<i32>} : memref<64x512xf32, #tpu.memory_space<vmem>>, vector<1x16xf32>,
        %get3A_448 = vector.shape_cast %get3A_447 : vector<1x16xf32> to vector<16xf32>
        %swap3A_449 = arith.index_cast %scan3A_225 : i32 to index
        %swap3A_450 = arith.constant 352 : index
        %swap3A_451 = tpu.vector_load %arg10[%swap3A_449, %swap3A_450] {strides = array<i32>} : memref<32x512xf32, #tpu.memory_space<vmem>>, vector<1x16xf32>,
        %swap3A_452 = vector.shape_cast %swap3A_451 : vector<1x16xf32> to vector<16xf32>
        %swap3A_453 = vector.shape_cast %get3A_448 : vector<16xf32> to vector<1x16xf32>
        tpu.vector_store %arg10[%swap3A_449, %swap3A_450], %swap3A_453 {add = true, strides = array<i32>} : memref<32x512xf32, #tpu.memory_space<vmem>>, vector<1x16xf32>,
        %add3A_454 = arith.addi %mul3A_158, %scan3A_225 : i32
        %get3A_455 = arith.index_cast %add3A_454 : i32 to index
        %get3A_456 = arith.constant 368 : index
        %get3A_457 = tpu.vector_load %arg7[%get3A_455, %get3A_456] {strides = array<i32>} : memref<64x512xf32, #tpu.memory_space<vmem>>, vector<1x16xf32>,
        %get3A_458 = vector.shape_cast %get3A_457 : vector<1x16xf32> to vector<16xf32>
        %swap3A_459 = arith.index_cast %scan3A_225 : i32 to index
        %swap3A_460 = arith.constant 368 : index
        %swap3A_461 = tpu.vector_load %arg10[%swap3A_459, %swap3A_460] {strides = array<i32>} : memref<32x512xf32, #tpu.memory_space<vmem>>, vector<1x16xf32>,
        %swap3A_462 = vector.shape_cast %swap3A_461 : vector<1x16xf32> to vector<16xf32>
        %swap3A_463 = vector.shape_cast %get3A_458 : vector<16xf32> to vector<1x16xf32>
        tpu.vector_store %arg10[%swap3A_459, %swap3A_460], %swap3A_463 {add = true, strides = array<i32>} : memref<32x512xf32, #tpu.memory_space<vmem>>, vector<1x16xf32>,
        %add3A_464 = arith.addi %mul3A_158, %scan3A_225 : i32
        %get3A_465 = arith.index_cast %add3A_464 : i32 to index
        %get3A_466 = arith.constant 384 : index
        %get3A_467 = tpu.vector_load %arg7[%get3A_465, %get3A_466] {strides = array<i32>} : memref<64x512xf32, #tpu.memory_space<vmem>>, vector<1x16xf32>,
        %get3A_468 = vector.shape_cast %get3A_467 : vector<1x16xf32> to vector<16xf32>
        %swap3A_469 = arith.index_cast %scan3A_225 : i32 to index
        %swap3A_470 = arith.constant 384 : index
        %swap3A_471 = tpu.vector_load %arg10[%swap3A_469, %swap3A_470] {strides = array<i32>} : memref<32x512xf32, #tpu.memory_space<vmem>>, vector<1x16xf32>,
        %swap3A_472 = vector.shape_cast %swap3A_471 : vector<1x16xf32> to vector<16xf32>
        %swap3A_473 = vector.shape_cast %get3A_468 : vector<16xf32> to vector<1x16xf32>
        tpu.vector_store %arg10[%swap3A_469, %swap3A_470], %swap3A_473 {add = true, strides = array<i32>} : memref<32x512xf32, #tpu.memory_space<vmem>>, vector<1x16xf32>,
        %add3A_474 = arith.addi %mul3A_158, %scan3A_225 : i32
        %get3A_475 = arith.index_cast %add3A_474 : i32 to index
        %get3A_476 = arith.constant 400 : index
        %get3A_477 = tpu.vector_load %arg7[%get3A_475, %get3A_476] {strides = array<i32>} : memref<64x512xf32, #tpu.memory_space<vmem>>, vector<1x16xf32>,
        %get3A_478 = vector.shape_cast %get3A_477 : vector<1x16xf32> to vector<16xf32>
        %swap3A_479 = arith.index_cast %scan3A_225 : i32 to index
        %swap3A_480 = arith.constant 400 : index
        %swap3A_481 = tpu.vector_load %arg10[%swap3A_479, %swap3A_480] {strides = array<i32>} : memref<32x512xf32, #tpu.memory_space<vmem>>, vector<1x16xf32>,
        %swap3A_482 = vector.shape_cast %swap3A_481 : vector<1x16xf32> to vector<16xf32>
        %swap3A_483 = vector.shape_cast %get3A_478 : vector<16xf32> to vector<1x16xf32>
        tpu.vector_store %arg10[%swap3A_479, %swap3A_480], %swap3A_483 {add = true, strides = array<i32>} : memref<32x512xf32, #tpu.memory_space<vmem>>, vector<1x16xf32>,
        %add3A_484 = arith.addi %mul3A_158, %scan3A_225 : i32
        %get3A_485 = arith.index_cast %add3A_484 : i32 to index
        %get3A_486 = arith.constant 416 : index
        %get3A_487 = tpu.vector_load %arg7[%get3A_485, %get3A_486] {strides = array<i32>} : memref<64x512xf32, #tpu.memory_space<vmem>>, vector<1x16xf32>,
        %get3A_488 = vector.shape_cast %get3A_487 : vector<1x16xf32> to vector<16xf32>
        %swap3A_489 = arith.index_cast %scan3A_225 : i32 to index
        %swap3A_490 = arith.constant 416 : index
        %swap3A_491 = tpu.vector_load %arg10[%swap3A_489, %swap3A_490] {strides = array<i32>} : memref<32x512xf32, #tpu.memory_space<vmem>>, vector<1x16xf32>,
        %swap3A_492 = vector.shape_cast %swap3A_491 : vector<1x16xf32> to vector<16xf32>
        %swap3A_493 = vector.shape_cast %get3A_488 : vector<16xf32> to vector<1x16xf32>
        tpu.vector_store %arg10[%swap3A_489, %swap3A_490], %swap3A_493 {add = true, strides = array<i32>} : memref<32x512xf32, #tpu.memory_space<vmem>>, vector<1x16xf32>,
        %add3A_494 = arith.addi %mul3A_158, %scan3A_225 : i32
        %get3A_495 = arith.index_cast %add3A_494 : i32 to index
        %get3A_496 = arith.constant 432 : index
        %get3A_497 = tpu.vector_load %arg7[%get3A_495, %get3A_496] {strides = array<i32>} : memref<64x512xf32, #tpu.memory_space<vmem>>, vector<1x16xf32>,
        %get3A_498 = vector.shape_cast %get3A_497 : vector<1x16xf32> to vector<16xf32>
        %swap3A_499 = arith.index_cast %scan3A_225 : i32 to index
        %swap3A_500 = arith.constant 432 : index
        %swap3A_501 = tpu.vector_load %arg10[%swap3A_499, %swap3A_500] {strides = array<i32>} : memref<32x512xf32, #tpu.memory_space<vmem>>, vector<1x16xf32>,
        %swap3A_502 = vector.shape_cast %swap3A_501 : vector<1x16xf32> to vector<16xf32>
        %swap3A_503 = vector.shape_cast %get3A_498 : vector<16xf32> to vector<1x16xf32>
        tpu.vector_store %arg10[%swap3A_499, %swap3A_500], %swap3A_503 {add = true, strides = array<i32>} : memref<32x512xf32, #tpu.memory_space<vmem>>, vector<1x16xf32>,
        %add3A_504 = arith.addi %mul3A_158, %scan3A_225 : i32
        %get3A_505 = arith.index_cast %add3A_504 : i32 to index
        %get3A_506 = arith.constant 448 : index
        %get3A_507 = tpu.vector_load %arg7[%get3A_505, %get3A_506] {strides = array<i32>} : memref<64x512xf32, #tpu.memory_space<vmem>>, vector<1x16xf32>,
        %get3A_508 = vector.shape_cast %get3A_507 : vector<1x16xf32> to vector<16xf32>
        %swap3A_509 = arith.index_cast %scan3A_225 : i32 to index
        %swap3A_510 = arith.constant 448 : index
        %swap3A_511 = tpu.vector_load %arg10[%swap3A_509, %swap3A_510] {strides = array<i32>} : memref<32x512xf32, #tpu.memory_space<vmem>>, vector<1x16xf32>,
        %swap3A_512 = vector.shape_cast %swap3A_511 : vector<1x16xf32> to vector<16xf32>
        %swap3A_513 = vector.shape_cast %get3A_508 : vector<16xf32> to vector<1x16xf32>
        tpu.vector_store %arg10[%swap3A_509, %swap3A_510], %swap3A_513 {add = true, strides = array<i32>} : memref<32x512xf32, #tpu.memory_space<vmem>>, vector<1x16xf32>,
        %add3A_514 = arith.addi %mul3A_158, %scan3A_225 : i32
        %get3A_515 = arith.index_cast %add3A_514 : i32 to index
        %get3A_516 = arith.constant 464 : index
        %get3A_517 = tpu.vector_load %arg7[%get3A_515, %get3A_516] {strides = array<i32>} : memref<64x512xf32, #tpu.memory_space<vmem>>, vector<1x16xf32>,
        %get3A_518 = vector.shape_cast %get3A_517 : vector<1x16xf32> to vector<16xf32>
        %swap3A_519 = arith.index_cast %scan3A_225 : i32 to index
        %swap3A_520 = arith.constant 464 : index
        %swap3A_521 = tpu.vector_load %arg10[%swap3A_519, %swap3A_520] {strides = array<i32>} : memref<32x512xf32, #tpu.memory_space<vmem>>, vector<1x16xf32>,
        %swap3A_522 = vector.shape_cast %swap3A_521 : vector<1x16xf32> to vector<16xf32>
        %swap3A_523 = vector.shape_cast %get3A_518 : vector<16xf32> to vector<1x16xf32>
        tpu.vector_store %arg10[%swap3A_519, %swap3A_520], %swap3A_523 {add = true, strides = array<i32>} : memref<32x512xf32, #tpu.memory_space<vmem>>, vector<1x16xf32>,
        %add3A_524 = arith.addi %mul3A_158, %scan3A_225 : i32
        %get3A_525 = arith.index_cast %add3A_524 : i32 to index
        %get3A_526 = arith.constant 480 : index
        %get3A_527 = tpu.vector_load %arg7[%get3A_525, %get3A_526] {strides = array<i32>} : memref<64x512xf32, #tpu.memory_space<vmem>>, vector<1x16xf32>,
        %get3A_528 = vector.shape_cast %get3A_527 : vector<1x16xf32> to vector<16xf32>
        %swap3A_529 = arith.index_cast %scan3A_225 : i32 to index
        %swap3A_530 = arith.constant 480 : index
        %swap3A_531 = tpu.vector_load %arg10[%swap3A_529, %swap3A_530] {strides = array<i32>} : memref<32x512xf32, #tpu.memory_space<vmem>>, vector<1x16xf32>,
        %swap3A_532 = vector.shape_cast %swap3A_531 : vector<1x16xf32> to vector<16xf32>
        %swap3A_533 = vector.shape_cast %get3A_528 : vector<16xf32> to vector<1x16xf32>
        tpu.vector_store %arg10[%swap3A_529, %swap3A_530], %swap3A_533 {add = true, strides = array<i32>} : memref<32x512xf32, #tpu.memory_space<vmem>>, vector<1x16xf32>,
        %add3A_534 = arith.addi %mul3A_158, %scan3A_225 : i32
        %get3A_535 = arith.index_cast %add3A_534 : i32 to index
        %get3A_536 = arith.constant 496 : index
        %get3A_537 = tpu.vector_load %arg7[%get3A_535, %get3A_536] {strides = array<i32>} : memref<64x512xf32, #tpu.memory_space<vmem>>, vector<1x16xf32>,
        %get3A_538 = vector.shape_cast %get3A_537 : vector<1x16xf32> to vector<16xf32>
        %swap3A_539 = arith.index_cast %scan3A_225 : i32 to index
        %swap3A_540 = arith.constant 496 : index
        %swap3A_541 = tpu.vector_load %arg10[%swap3A_539, %swap3A_540] {strides = array<i32>} : memref<32x512xf32, #tpu.memory_space<vmem>>, vector<1x16xf32>,
        %swap3A_542 = vector.shape_cast %swap3A_541 : vector<1x16xf32> to vector<16xf32>
        %swap3A_543 = vector.shape_cast %get3A_538 : vector<16xf32> to vector<1x16xf32>
        tpu.vector_store %arg10[%swap3A_539, %swap3A_540], %swap3A_543 {add = true, strides = array<i32>} : memref<32x512xf32, #tpu.memory_space<vmem>>, vector<1x16xf32>,
      }
      %scan3A_164 = arith.constant 32 : i32
      %shift_right_arithmetic3A_165 = arith.constant 1 : i32
      %shift_right_arithmetic3A_166 = arith.shrsi %add3A_136, %shift_right_arithmetic3A_165 : i32
      %mul3A_167 = arith.constant 2048 : i32
      %mul3A_168 = arith.muli %shift_right_arithmetic3A_166, %mul3A_167 : i32
      %add3A_169 = arith.addi %mul3A_168, %mul3A_2 : i32
      %and3A_170 = arith.constant 1 : i32
      %and3A_171 = arith.andi %add3A_136, %and3A_170 : i32
      %mul3A_172 = arith.constant 32 : i32
      %mul3A_173 = arith.muli %and3A_171, %mul3A_172 : i32
      %add3A_174 = arith.addi %add3A_169, %mul3A_173 : i32
      %dma_start3A_175 = arith.constant 0 : i32
      %dma_start3A_176 = tpu.memref_slice %arg5[%add3A_174, %dma_start3A_175] : memref<131072x512xf32, #tpu.memory_space<hbm>> -> memref<32x512xf32, #tpu.memory_space<hbm>>
      %dma_start3A_177 = arith.constant 0 : i32
      %dma_start3A_178 = tpu.memref_slice %arg5[%add3A_174, %dma_start3A_177] : memref<131072x512xf32, #tpu.memory_space<hbm>> -> memref<32x512xf32, #tpu.memory_space<hbm>>
      tpu.enqueue_dma source(%arg10 : memref<32x512xf32, #tpu.memory_space<vmem>>) target(%dma_start3A_178 : memref<32x512xf32, #tpu.memory_space<hbm>>) target_semaphore(%arg19 : memref<!tpu.dma_semaphore, #tpu.memory_space<semaphore_mem>>)
      %mul3A_179 = arith.constant 4 : i32
      %mul3A_180 = arith.muli %mul3A_179, %scan3A_46 : i32
      %add3A_181 = arith.constant 3 : i32
      %add3A_182 = arith.addi %mul3A_180, %add3A_181 : i32
      %dma_wait3A_183 = arith.constant 0 : i32
      %dma_wait3A_184 = arith.constant 0 : i32
      %dma_wait3A_185 = tpu.memref_slice %arg3[%dma_wait3A_183, %dma_wait3A_184] : memref<32000x512xf32, #tpu.memory_space<hbm>> -> memref<32x512xf32, #tpu.memory_space<hbm>>
      %dma_wait3A_186 = arith.constant 0 : i32
      %dma_wait3A_187 = arith.constant 0 : i32
      %dma_wait3A_188 = tpu.memref_slice %arg3[%dma_wait3A_186, %dma_wait3A_187] : memref<32000x512xf32, #tpu.memory_space<hbm>> -> memref<32x512xf32, #tpu.memory_space<hbm>>
      tpu.wait_dma2 semaphore(%arg16 : memref<!tpu.dma_semaphore, #tpu.memory_space<semaphore_mem>>) src(%dma_wait3A_188 : memref<32x512xf32, #tpu.memory_space<hbm>>) dst(%arg11 : memref<32x512xf32, #tpu.memory_space<vmem>>)
      %ge3A_189 = arith.constant 2 : i32
      %ge3A_190 = arith.cmpi sge, %add3A_182, %ge3A_189 : i32
      %convert_element_type3A_191 = arith.extui %ge3A_190 : i1 to i32
      %cond3A_192 = arith.constant 0 : i32
      %cond3A_193 = arith.cmpi ne, %convert_element_type3A_191, %cond3A_192 : i32
      scf.if %cond3A_193 {
        %dma_wait3A_225 = arith.constant 0 : i32
        %dma_wait3A_226 = arith.constant 0 : i32
        %dma_wait3A_227 = tpu.memref_slice %arg5[%dma_wait3A_225, %dma_wait3A_226] : memref<131072x512xf32, #tpu.memory_space<hbm>> -> memref<32x512xf32, #tpu.memory_space<hbm>>
        %dma_wait3A_228 = arith.constant 0 : i32
        %dma_wait3A_229 = arith.constant 0 : i32
        %dma_wait3A_230 = tpu.memref_slice %arg5[%dma_wait3A_228, %dma_wait3A_229] : memref<131072x512xf32, #tpu.memory_space<hbm>> -> memref<32x512xf32, #tpu.memory_space<hbm>>
        tpu.wait_dma2 semaphore(%arg18 : memref<!tpu.dma_semaphore, #tpu.memory_space<semaphore_mem>>) src(%arg9 : memref<32x512xf32, #tpu.memory_space<vmem>>) dst(%dma_wait3A_230 : memref<32x512xf32, #tpu.memory_space<hbm>>)
      } else {
      }
      %add3A_194 = arith.constant 2 : i32
      %add3A_195 = arith.addi %add3A_182, %add3A_194 : i32
      %lt3A_196 = arith.constant 128 : i32
      %lt3A_197 = arith.cmpi slt, %add3A_195, %lt3A_196 : i32
      %convert_element_type3A_198 = arith.extui %lt3A_197 : i1 to i32
      %cond3A_199 = arith.constant 0 : i32
      %cond3A_200 = arith.cmpi ne, %convert_element_type3A_198, %cond3A_199 : i32
      scf.if %cond3A_200 {
        %add3A_225 = arith.constant 2 : i32
        %add3A_226 = arith.addi %add3A_182, %add3A_225 : i32
        %shift_right_arithmetic3A_227 = arith.constant 1 : i32
        %shift_right_arithmetic3A_228 = arith.shrsi %add3A_226, %shift_right_arithmetic3A_227 : i32
        %mul3A_229 = arith.constant 64 : i32
        %mul3A_230 = arith.muli %shift_right_arithmetic3A_228, %mul3A_229 : i32
        %and3A_231 = arith.constant 1 : i32
        %and3A_232 = arith.andi %add3A_226, %and3A_231 : i32
        %mul3A_233 = arith.constant 32 : i32
        %mul3A_234 = arith.muli %and3A_232, %mul3A_233 : i32
        %add3A_235 = arith.addi %mul3A_230, %mul3A_234 : i32
        %dma_start3A_236 = tpu.memref_slice %arg6[%add3A_235] : memref<4096xi32, #tpu.memory_space<vmem>> -> memref<32xi32, #tpu.memory_space<vmem>>
        %dma_start3A_237 = arith.constant 0 : i32
        %dma_start3A_238 = arith.constant 0 : i32
        %dma_start3A_239 = tpu.memref_slice %arg3[%dma_start3A_237, %dma_start3A_238] : memref<32000x512xf32, #tpu.memory_space<hbm>> -> memref<32000x512xf32, #tpu.memory_space<hbm>>
        tpu.enqueue_indirect_dma source(%dma_start3A_239 : memref<32000x512xf32, #tpu.memory_space<hbm>>) target(%arg9 : memref<32x512xf32, #tpu.memory_space<vmem>>) offsets(%dma_start3A_236 : memref<32xi32, #tpu.memory_space<vmem>>) semaphore(%arg14 : memref<!tpu.dma_semaphore, #tpu.memory_space<semaphore_mem>>)
      } else {
      }
      %and3A_201 = arith.constant 1 : i32
      %and3A_202 = arith.andi %add3A_182, %and3A_201 : i32
      %mul3A_203 = arith.constant 32 : i32
      %mul3A_204 = arith.muli %and3A_202, %mul3A_203 : i32
      %scan3A_205 = arith.constant 0 : i32
      %scan3A_206 = arith.constant 0 : i32
      %scan3A_207 = arith.constant 32 : i32
      %scan3A_208 = arith.addi %scan3A_206, %scan3A_207 : i32
      %scan3A_209 = arith.constant 1 : i32
      scf.for %scan3A_225 = %scan3A_206 to %scan3A_208 step %scan3A_209  : i32 {
        %add3A_226 = arith.addi %mul3A_204, %scan3A_225 : i32
        %get3A = arith.index_cast %add3A_226 : i32 to index
        %get3A_227 = arith.constant 0 : index
        %get3A_228 = tpu.vector_load %arg7[%get3A, %get3A_227] {strides = array<i32>} : memref<64x512xf32, #tpu.memory_space<vmem>>, vector<1x16xf32>,
        %get3A_229 = vector.shape_cast %get3A_228 : vector<1x16xf32> to vector<16xf32>
        %swap3A = arith.index_cast %scan3A_225 : i32 to index
        %swap3A_230 = arith.constant 0 : index
        %swap3A_231 = tpu.vector_load %arg11[%swap3A, %swap3A_230] {strides = array<i32>} : memref<32x512xf32, #tpu.memory_space<vmem>>, vector<1x16xf32>,
        %swap3A_232 = vector.shape_cast %swap3A_231 : vector<1x16xf32> to vector<16xf32>
        %swap3A_233 = vector.shape_cast %get3A_229 : vector<16xf32> to vector<1x16xf32>
        tpu.vector_store %arg11[%swap3A, %swap3A_230], %swap3A_233 {add = true, strides = array<i32>} : memref<32x512xf32, #tpu.memory_space<vmem>>, vector<1x16xf32>,
        %add3A_234 = arith.addi %mul3A_204, %scan3A_225 : i32
        %get3A_235 = arith.index_cast %add3A_234 : i32 to index
        %get3A_236 = arith.constant 16 : index
        %get3A_237 = tpu.vector_load %arg7[%get3A_235, %get3A_236] {strides = array<i32>} : memref<64x512xf32, #tpu.memory_space<vmem>>, vector<1x16xf32>,
        %get3A_238 = vector.shape_cast %get3A_237 : vector<1x16xf32> to vector<16xf32>
        %swap3A_239 = arith.index_cast %scan3A_225 : i32 to index
        %swap3A_240 = arith.constant 16 : index
        %swap3A_241 = tpu.vector_load %arg11[%swap3A_239, %swap3A_240] {strides = array<i32>} : memref<32x512xf32, #tpu.memory_space<vmem>>, vector<1x16xf32>,
        %swap3A_242 = vector.shape_cast %swap3A_241 : vector<1x16xf32> to vector<16xf32>
        %swap3A_243 = vector.shape_cast %get3A_238 : vector<16xf32> to vector<1x16xf32>
        tpu.vector_store %arg11[%swap3A_239, %swap3A_240], %swap3A_243 {add = true, strides = array<i32>} : memref<32x512xf32, #tpu.memory_space<vmem>>, vector<1x16xf32>,
        %add3A_244 = arith.addi %mul3A_204, %scan3A_225 : i32
        %get3A_245 = arith.index_cast %add3A_244 : i32 to index
        %get3A_246 = arith.constant 32 : index
        %get3A_247 = tpu.vector_load %arg7[%get3A_245, %get3A_246] {strides = array<i32>} : memref<64x512xf32, #tpu.memory_space<vmem>>, vector<1x16xf32>,
        %get3A_248 = vector.shape_cast %get3A_247 : vector<1x16xf32> to vector<16xf32>
        %swap3A_249 = arith.index_cast %scan3A_225 : i32 to index
        %swap3A_250 = arith.constant 32 : index
        %swap3A_251 = tpu.vector_load %arg11[%swap3A_249, %swap3A_250] {strides = array<i32>} : memref<32x512xf32, #tpu.memory_space<vmem>>, vector<1x16xf32>,
        %swap3A_252 = vector.shape_cast %swap3A_251 : vector<1x16xf32> to vector<16xf32>
        %swap3A_253 = vector.shape_cast %get3A_248 : vector<16xf32> to vector<1x16xf32>
        tpu.vector_store %arg11[%swap3A_249, %swap3A_250], %swap3A_253 {add = true, strides = array<i32>} : memref<32x512xf32, #tpu.memory_space<vmem>>, vector<1x16xf32>,
        %add3A_254 = arith.addi %mul3A_204, %scan3A_225 : i32
        %get3A_255 = arith.index_cast %add3A_254 : i32 to index
        %get3A_256 = arith.constant 48 : index
        %get3A_257 = tpu.vector_load %arg7[%get3A_255, %get3A_256] {strides = array<i32>} : memref<64x512xf32, #tpu.memory_space<vmem>>, vector<1x16xf32>,
        %get3A_258 = vector.shape_cast %get3A_257 : vector<1x16xf32> to vector<16xf32>
        %swap3A_259 = arith.index_cast %scan3A_225 : i32 to index
        %swap3A_260 = arith.constant 48 : index
        %swap3A_261 = tpu.vector_load %arg11[%swap3A_259, %swap3A_260] {strides = array<i32>} : memref<32x512xf32, #tpu.memory_space<vmem>>, vector<1x16xf32>,
        %swap3A_262 = vector.shape_cast %swap3A_261 : vector<1x16xf32> to vector<16xf32>
        %swap3A_263 = vector.shape_cast %get3A_258 : vector<16xf32> to vector<1x16xf32>
        tpu.vector_store %arg11[%swap3A_259, %swap3A_260], %swap3A_263 {add = true, strides = array<i32>} : memref<32x512xf32, #tpu.memory_space<vmem>>, vector<1x16xf32>,
        %add3A_264 = arith.addi %mul3A_204, %scan3A_225 : i32
        %get3A_265 = arith.index_cast %add3A_264 : i32 to index
        %get3A_266 = arith.constant 64 : index
        %get3A_267 = tpu.vector_load %arg7[%get3A_265, %get3A_266] {strides = array<i32>} : memref<64x512xf32, #tpu.memory_space<vmem>>, vector<1x16xf32>,
        %get3A_268 = vector.shape_cast %get3A_267 : vector<1x16xf32> to vector<16xf32>
        %swap3A_269 = arith.index_cast %scan3A_225 : i32 to index
        %swap3A_270 = arith.constant 64 : index
        %swap3A_271 = tpu.vector_load %arg11[%swap3A_269, %swap3A_270] {strides = array<i32>} : memref<32x512xf32, #tpu.memory_space<vmem>>, vector<1x16xf32>,
        %swap3A_272 = vector.shape_cast %swap3A_271 : vector<1x16xf32> to vector<16xf32>
        %swap3A_273 = vector.shape_cast %get3A_268 : vector<16xf32> to vector<1x16xf32>
        tpu.vector_store %arg11[%swap3A_269, %swap3A_270], %swap3A_273 {add = true, strides = array<i32>} : memref<32x512xf32, #tpu.memory_space<vmem>>, vector<1x16xf32>,
        %add3A_274 = arith.addi %mul3A_204, %scan3A_225 : i32
        %get3A_275 = arith.index_cast %add3A_274 : i32 to index
        %get3A_276 = arith.constant 80 : index
        %get3A_277 = tpu.vector_load %arg7[%get3A_275, %get3A_276] {strides = array<i32>} : memref<64x512xf32, #tpu.memory_space<vmem>>, vector<1x16xf32>,
        %get3A_278 = vector.shape_cast %get3A_277 : vector<1x16xf32> to vector<16xf32>
        %swap3A_279 = arith.index_cast %scan3A_225 : i32 to index
        %swap3A_280 = arith.constant 80 : index
        %swap3A_281 = tpu.vector_load %arg11[%swap3A_279, %swap3A_280] {strides = array<i32>} : memref<32x512xf32, #tpu.memory_space<vmem>>, vector<1x16xf32>,
        %swap3A_282 = vector.shape_cast %swap3A_281 : vector<1x16xf32> to vector<16xf32>
        %swap3A_283 = vector.shape_cast %get3A_278 : vector<16xf32> to vector<1x16xf32>
        tpu.vector_store %arg11[%swap3A_279, %swap3A_280], %swap3A_283 {add = true, strides = array<i32>} : memref<32x512xf32, #tpu.memory_space<vmem>>, vector<1x16xf32>,
        %add3A_284 = arith.addi %mul3A_204, %scan3A_225 : i32
        %get3A_285 = arith.index_cast %add3A_284 : i32 to index
        %get3A_286 = arith.constant 96 : index
        %get3A_287 = tpu.vector_load %arg7[%get3A_285, %get3A_286] {strides = array<i32>} : memref<64x512xf32, #tpu.memory_space<vmem>>, vector<1x16xf32>,
        %get3A_288 = vector.shape_cast %get3A_287 : vector<1x16xf32> to vector<16xf32>
        %swap3A_289 = arith.index_cast %scan3A_225 : i32 to index
        %swap3A_290 = arith.constant 96 : index
        %swap3A_291 = tpu.vector_load %arg11[%swap3A_289, %swap3A_290] {strides = array<i32>} : memref<32x512xf32, #tpu.memory_space<vmem>>, vector<1x16xf32>,
        %swap3A_292 = vector.shape_cast %swap3A_291 : vector<1x16xf32> to vector<16xf32>
        %swap3A_293 = vector.shape_cast %get3A_288 : vector<16xf32> to vector<1x16xf32>
        tpu.vector_store %arg11[%swap3A_289, %swap3A_290], %swap3A_293 {add = true, strides = array<i32>} : memref<32x512xf32, #tpu.memory_space<vmem>>, vector<1x16xf32>,
        %add3A_294 = arith.addi %mul3A_204, %scan3A_225 : i32
        %get3A_295 = arith.index_cast %add3A_294 : i32 to index
        %get3A_296 = arith.constant 112 : index
        %get3A_297 = tpu.vector_load %arg7[%get3A_295, %get3A_296] {strides = array<i32>} : memref<64x512xf32, #tpu.memory_space<vmem>>, vector<1x16xf32>,
        %get3A_298 = vector.shape_cast %get3A_297 : vector<1x16xf32> to vector<16xf32>
        %swap3A_299 = arith.index_cast %scan3A_225 : i32 to index
        %swap3A_300 = arith.constant 112 : index
        %swap3A_301 = tpu.vector_load %arg11[%swap3A_299, %swap3A_300] {strides = array<i32>} : memref<32x512xf32, #tpu.memory_space<vmem>>, vector<1x16xf32>,
        %swap3A_302 = vector.shape_cast %swap3A_301 : vector<1x16xf32> to vector<16xf32>
        %swap3A_303 = vector.shape_cast %get3A_298 : vector<16xf32> to vector<1x16xf32>
        tpu.vector_store %arg11[%swap3A_299, %swap3A_300], %swap3A_303 {add = true, strides = array<i32>} : memref<32x512xf32, #tpu.memory_space<vmem>>, vector<1x16xf32>,
        %add3A_304 = arith.addi %mul3A_204, %scan3A_225 : i32
        %get3A_305 = arith.index_cast %add3A_304 : i32 to index
        %get3A_306 = arith.constant 128 : index
        %get3A_307 = tpu.vector_load %arg7[%get3A_305, %get3A_306] {strides = array<i32>} : memref<64x512xf32, #tpu.memory_space<vmem>>, vector<1x16xf32>,
        %get3A_308 = vector.shape_cast %get3A_307 : vector<1x16xf32> to vector<16xf32>
        %swap3A_309 = arith.index_cast %scan3A_225 : i32 to index
        %swap3A_310 = arith.constant 128 : index
        %swap3A_311 = tpu.vector_load %arg11[%swap3A_309, %swap3A_310] {strides = array<i32>} : memref<32x512xf32, #tpu.memory_space<vmem>>, vector<1x16xf32>,
        %swap3A_312 = vector.shape_cast %swap3A_311 : vector<1x16xf32> to vector<16xf32>
        %swap3A_313 = vector.shape_cast %get3A_308 : vector<16xf32> to vector<1x16xf32>
        tpu.vector_store %arg11[%swap3A_309, %swap3A_310], %swap3A_313 {add = true, strides = array<i32>} : memref<32x512xf32, #tpu.memory_space<vmem>>, vector<1x16xf32>,
        %add3A_314 = arith.addi %mul3A_204, %scan3A_225 : i32
        %get3A_315 = arith.index_cast %add3A_314 : i32 to index
        %get3A_316 = arith.constant 144 : index
        %get3A_317 = tpu.vector_load %arg7[%get3A_315, %get3A_316] {strides = array<i32>} : memref<64x512xf32, #tpu.memory_space<vmem>>, vector<1x16xf32>,
        %get3A_318 = vector.shape_cast %get3A_317 : vector<1x16xf32> to vector<16xf32>
        %swap3A_319 = arith.index_cast %scan3A_225 : i32 to index
        %swap3A_320 = arith.constant 144 : index
        %swap3A_321 = tpu.vector_load %arg11[%swap3A_319, %swap3A_320] {strides = array<i32>} : memref<32x512xf32, #tpu.memory_space<vmem>>, vector<1x16xf32>,
        %swap3A_322 = vector.shape_cast %swap3A_321 : vector<1x16xf32> to vector<16xf32>
        %swap3A_323 = vector.shape_cast %get3A_318 : vector<16xf32> to vector<1x16xf32>
        tpu.vector_store %arg11[%swap3A_319, %swap3A_320], %swap3A_323 {add = true, strides = array<i32>} : memref<32x512xf32, #tpu.memory_space<vmem>>, vector<1x16xf32>,
        %add3A_324 = arith.addi %mul3A_204, %scan3A_225 : i32
        %get3A_325 = arith.index_cast %add3A_324 : i32 to index
        %get3A_326 = arith.constant 160 : index
        %get3A_327 = tpu.vector_load %arg7[%get3A_325, %get3A_326] {strides = array<i32>} : memref<64x512xf32, #tpu.memory_space<vmem>>, vector<1x16xf32>,
        %get3A_328 = vector.shape_cast %get3A_327 : vector<1x16xf32> to vector<16xf32>
        %swap3A_329 = arith.index_cast %scan3A_225 : i32 to index
        %swap3A_330 = arith.constant 160 : index
        %swap3A_331 = tpu.vector_load %arg11[%swap3A_329, %swap3A_330] {strides = array<i32>} : memref<32x512xf32, #tpu.memory_space<vmem>>, vector<1x16xf32>,
        %swap3A_332 = vector.shape_cast %swap3A_331 : vector<1x16xf32> to vector<16xf32>
        %swap3A_333 = vector.shape_cast %get3A_328 : vector<16xf32> to vector<1x16xf32>
        tpu.vector_store %arg11[%swap3A_329, %swap3A_330], %swap3A_333 {add = true, strides = array<i32>} : memref<32x512xf32, #tpu.memory_space<vmem>>, vector<1x16xf32>,
        %add3A_334 = arith.addi %mul3A_204, %scan3A_225 : i32
        %get3A_335 = arith.index_cast %add3A_334 : i32 to index
        %get3A_336 = arith.constant 176 : index
        %get3A_337 = tpu.vector_load %arg7[%get3A_335, %get3A_336] {strides = array<i32>} : memref<64x512xf32, #tpu.memory_space<vmem>>, vector<1x16xf32>,
        %get3A_338 = vector.shape_cast %get3A_337 : vector<1x16xf32> to vector<16xf32>
        %swap3A_339 = arith.index_cast %scan3A_225 : i32 to index
        %swap3A_340 = arith.constant 176 : index
        %swap3A_341 = tpu.vector_load %arg11[%swap3A_339, %swap3A_340] {strides = array<i32>} : memref<32x512xf32, #tpu.memory_space<vmem>>, vector<1x16xf32>,
        %swap3A_342 = vector.shape_cast %swap3A_341 : vector<1x16xf32> to vector<16xf32>
        %swap3A_343 = vector.shape_cast %get3A_338 : vector<16xf32> to vector<1x16xf32>
        tpu.vector_store %arg11[%swap3A_339, %swap3A_340], %swap3A_343 {add = true, strides = array<i32>} : memref<32x512xf32, #tpu.memory_space<vmem>>, vector<1x16xf32>,
        %add3A_344 = arith.addi %mul3A_204, %scan3A_225 : i32
        %get3A_345 = arith.index_cast %add3A_344 : i32 to index
        %get3A_346 = arith.constant 192 : index
        %get3A_347 = tpu.vector_load %arg7[%get3A_345, %get3A_346] {strides = array<i32>} : memref<64x512xf32, #tpu.memory_space<vmem>>, vector<1x16xf32>,
        %get3A_348 = vector.shape_cast %get3A_347 : vector<1x16xf32> to vector<16xf32>
        %swap3A_349 = arith.index_cast %scan3A_225 : i32 to index
        %swap3A_350 = arith.constant 192 : index
        %swap3A_351 = tpu.vector_load %arg11[%swap3A_349, %swap3A_350] {strides = array<i32>} : memref<32x512xf32, #tpu.memory_space<vmem>>, vector<1x16xf32>,
        %swap3A_352 = vector.shape_cast %swap3A_351 : vector<1x16xf32> to vector<16xf32>
        %swap3A_353 = vector.shape_cast %get3A_348 : vector<16xf32> to vector<1x16xf32>
        tpu.vector_store %arg11[%swap3A_349, %swap3A_350], %swap3A_353 {add = true, strides = array<i32>} : memref<32x512xf32, #tpu.memory_space<vmem>>, vector<1x16xf32>,
        %add3A_354 = arith.addi %mul3A_204, %scan3A_225 : i32
        %get3A_355 = arith.index_cast %add3A_354 : i32 to index
        %get3A_356 = arith.constant 208 : index
        %get3A_357 = tpu.vector_load %arg7[%get3A_355, %get3A_356] {strides = array<i32>} : memref<64x512xf32, #tpu.memory_space<vmem>>, vector<1x16xf32>,
        %get3A_358 = vector.shape_cast %get3A_357 : vector<1x16xf32> to vector<16xf32>
        %swap3A_359 = arith.index_cast %scan3A_225 : i32 to index
        %swap3A_360 = arith.constant 208 : index
        %swap3A_361 = tpu.vector_load %arg11[%swap3A_359, %swap3A_360] {strides = array<i32>} : memref<32x512xf32, #tpu.memory_space<vmem>>, vector<1x16xf32>,
        %swap3A_362 = vector.shape_cast %swap3A_361 : vector<1x16xf32> to vector<16xf32>
        %swap3A_363 = vector.shape_cast %get3A_358 : vector<16xf32> to vector<1x16xf32>
        tpu.vector_store %arg11[%swap3A_359, %swap3A_360], %swap3A_363 {add = true, strides = array<i32>} : memref<32x512xf32, #tpu.memory_space<vmem>>, vector<1x16xf32>,
        %add3A_364 = arith.addi %mul3A_204, %scan3A_225 : i32
        %get3A_365 = arith.index_cast %add3A_364 : i32 to index
        %get3A_366 = arith.constant 224 : index
        %get3A_367 = tpu.vector_load %arg7[%get3A_365, %get3A_366] {strides = array<i32>} : memref<64x512xf32, #tpu.memory_space<vmem>>, vector<1x16xf32>,
        %get3A_368 = vector.shape_cast %get3A_367 : vector<1x16xf32> to vector<16xf32>
        %swap3A_369 = arith.index_cast %scan3A_225 : i32 to index
        %swap3A_370 = arith.constant 224 : index
        %swap3A_371 = tpu.vector_load %arg11[%swap3A_369, %swap3A_370] {strides = array<i32>} : memref<32x512xf32, #tpu.memory_space<vmem>>, vector<1x16xf32>,
        %swap3A_372 = vector.shape_cast %swap3A_371 : vector<1x16xf32> to vector<16xf32>
        %swap3A_373 = vector.shape_cast %get3A_368 : vector<16xf32> to vector<1x16xf32>
        tpu.vector_store %arg11[%swap3A_369, %swap3A_370], %swap3A_373 {add = true, strides = array<i32>} : memref<32x512xf32, #tpu.memory_space<vmem>>, vector<1x16xf32>,
        %add3A_374 = arith.addi %mul3A_204, %scan3A_225 : i32
        %get3A_375 = arith.index_cast %add3A_374 : i32 to index
        %get3A_376 = arith.constant 240 : index
        %get3A_377 = tpu.vector_load %arg7[%get3A_375, %get3A_376] {strides = array<i32>} : memref<64x512xf32, #tpu.memory_space<vmem>>, vector<1x16xf32>,
        %get3A_378 = vector.shape_cast %get3A_377 : vector<1x16xf32> to vector<16xf32>
        %swap3A_379 = arith.index_cast %scan3A_225 : i32 to index
        %swap3A_380 = arith.constant 240 : index
        %swap3A_381 = tpu.vector_load %arg11[%swap3A_379, %swap3A_380] {strides = array<i32>} : memref<32x512xf32, #tpu.memory_space<vmem>>, vector<1x16xf32>,
        %swap3A_382 = vector.shape_cast %swap3A_381 : vector<1x16xf32> to vector<16xf32>
        %swap3A_383 = vector.shape_cast %get3A_378 : vector<16xf32> to vector<1x16xf32>
        tpu.vector_store %arg11[%swap3A_379, %swap3A_380], %swap3A_383 {add = true, strides = array<i32>} : memref<32x512xf32, #tpu.memory_space<vmem>>, vector<1x16xf32>,
        %add3A_384 = arith.addi %mul3A_204, %scan3A_225 : i32
        %get3A_385 = arith.index_cast %add3A_384 : i32 to index
        %get3A_386 = arith.constant 256 : index
        %get3A_387 = tpu.vector_load %arg7[%get3A_385, %get3A_386] {strides = array<i32>} : memref<64x512xf32, #tpu.memory_space<vmem>>, vector<1x16xf32>,
        %get3A_388 = vector.shape_cast %get3A_387 : vector<1x16xf32> to vector<16xf32>
        %swap3A_389 = arith.index_cast %scan3A_225 : i32 to index
        %swap3A_390 = arith.constant 256 : index
        %swap3A_391 = tpu.vector_load %arg11[%swap3A_389, %swap3A_390] {strides = array<i32>} : memref<32x512xf32, #tpu.memory_space<vmem>>, vector<1x16xf32>,
        %swap3A_392 = vector.shape_cast %swap3A_391 : vector<1x16xf32> to vector<16xf32>
        %swap3A_393 = vector.shape_cast %get3A_388 : vector<16xf32> to vector<1x16xf32>
        tpu.vector_store %arg11[%swap3A_389, %swap3A_390], %swap3A_393 {add = true, strides = array<i32>} : memref<32x512xf32, #tpu.memory_space<vmem>>, vector<1x16xf32>,
        %add3A_394 = arith.addi %mul3A_204, %scan3A_225 : i32
        %get3A_395 = arith.index_cast %add3A_394 : i32 to index
        %get3A_396 = arith.constant 272 : index
        %get3A_397 = tpu.vector_load %arg7[%get3A_395, %get3A_396] {strides = array<i32>} : memref<64x512xf32, #tpu.memory_space<vmem>>, vector<1x16xf32>,
        %get3A_398 = vector.shape_cast %get3A_397 : vector<1x16xf32> to vector<16xf32>
        %swap3A_399 = arith.index_cast %scan3A_225 : i32 to index
        %swap3A_400 = arith.constant 272 : index
        %swap3A_401 = tpu.vector_load %arg11[%swap3A_399, %swap3A_400] {strides = array<i32>} : memref<32x512xf32, #tpu.memory_space<vmem>>, vector<1x16xf32>,
        %swap3A_402 = vector.shape_cast %swap3A_401 : vector<1x16xf32> to vector<16xf32>
        %swap3A_403 = vector.shape_cast %get3A_398 : vector<16xf32> to vector<1x16xf32>
        tpu.vector_store %arg11[%swap3A_399, %swap3A_400], %swap3A_403 {add = true, strides = array<i32>} : memref<32x512xf32, #tpu.memory_space<vmem>>, vector<1x16xf32>,
        %add3A_404 = arith.addi %mul3A_204, %scan3A_225 : i32
        %get3A_405 = arith.index_cast %add3A_404 : i32 to index
        %get3A_406 = arith.constant 288 : index
        %get3A_407 = tpu.vector_load %arg7[%get3A_405, %get3A_406] {strides = array<i32>} : memref<64x512xf32, #tpu.memory_space<vmem>>, vector<1x16xf32>,
        %get3A_408 = vector.shape_cast %get3A_407 : vector<1x16xf32> to vector<16xf32>
        %swap3A_409 = arith.index_cast %scan3A_225 : i32 to index
        %swap3A_410 = arith.constant 288 : index
        %swap3A_411 = tpu.vector_load %arg11[%swap3A_409, %swap3A_410] {strides = array<i32>} : memref<32x512xf32, #tpu.memory_space<vmem>>, vector<1x16xf32>,
        %swap3A_412 = vector.shape_cast %swap3A_411 : vector<1x16xf32> to vector<16xf32>
        %swap3A_413 = vector.shape_cast %get3A_408 : vector<16xf32> to vector<1x16xf32>
        tpu.vector_store %arg11[%swap3A_409, %swap3A_410], %swap3A_413 {add = true, strides = array<i32>} : memref<32x512xf32, #tpu.memory_space<vmem>>, vector<1x16xf32>,
        %add3A_414 = arith.addi %mul3A_204, %scan3A_225 : i32
        %get3A_415 = arith.index_cast %add3A_414 : i32 to index
        %get3A_416 = arith.constant 304 : index
        %get3A_417 = tpu.vector_load %arg7[%get3A_415, %get3A_416] {strides = array<i32>} : memref<64x512xf32, #tpu.memory_space<vmem>>, vector<1x16xf32>,
        %get3A_418 = vector.shape_cast %get3A_417 : vector<1x16xf32> to vector<16xf32>
        %swap3A_419 = arith.index_cast %scan3A_225 : i32 to index
        %swap3A_420 = arith.constant 304 : index
        %swap3A_421 = tpu.vector_load %arg11[%swap3A_419, %swap3A_420] {strides = array<i32>} : memref<32x512xf32, #tpu.memory_space<vmem>>, vector<1x16xf32>,
        %swap3A_422 = vector.shape_cast %swap3A_421 : vector<1x16xf32> to vector<16xf32>
        %swap3A_423 = vector.shape_cast %get3A_418 : vector<16xf32> to vector<1x16xf32>
        tpu.vector_store %arg11[%swap3A_419, %swap3A_420], %swap3A_423 {add = true, strides = array<i32>} : memref<32x512xf32, #tpu.memory_space<vmem>>, vector<1x16xf32>,
        %add3A_424 = arith.addi %mul3A_204, %scan3A_225 : i32
        %get3A_425 = arith.index_cast %add3A_424 : i32 to index
        %get3A_426 = arith.constant 320 : index
        %get3A_427 = tpu.vector_load %arg7[%get3A_425, %get3A_426] {strides = array<i32>} : memref<64x512xf32, #tpu.memory_space<vmem>>, vector<1x16xf32>,
        %get3A_428 = vector.shape_cast %get3A_427 : vector<1x16xf32> to vector<16xf32>
        %swap3A_429 = arith.index_cast %scan3A_225 : i32 to index
        %swap3A_430 = arith.constant 320 : index
        %swap3A_431 = tpu.vector_load %arg11[%swap3A_429, %swap3A_430] {strides = array<i32>} : memref<32x512xf32, #tpu.memory_space<vmem>>, vector<1x16xf32>,
        %swap3A_432 = vector.shape_cast %swap3A_431 : vector<1x16xf32> to vector<16xf32>
        %swap3A_433 = vector.shape_cast %get3A_428 : vector<16xf32> to vector<1x16xf32>
        tpu.vector_store %arg11[%swap3A_429, %swap3A_430], %swap3A_433 {add = true, strides = array<i32>} : memref<32x512xf32, #tpu.memory_space<vmem>>, vector<1x16xf32>,
        %add3A_434 = arith.addi %mul3A_204, %scan3A_225 : i32
        %get3A_435 = arith.index_cast %add3A_434 : i32 to index
        %get3A_436 = arith.constant 336 : index
        %get3A_437 = tpu.vector_load %arg7[%get3A_435, %get3A_436] {strides = array<i32>} : memref<64x512xf32, #tpu.memory_space<vmem>>, vector<1x16xf32>,
        %get3A_438 = vector.shape_cast %get3A_437 : vector<1x16xf32> to vector<16xf32>
        %swap3A_439 = arith.index_cast %scan3A_225 : i32 to index
        %swap3A_440 = arith.constant 336 : index
        %swap3A_441 = tpu.vector_load %arg11[%swap3A_439, %swap3A_440] {strides = array<i32>} : memref<32x512xf32, #tpu.memory_space<vmem>>, vector<1x16xf32>,
        %swap3A_442 = vector.shape_cast %swap3A_441 : vector<1x16xf32> to vector<16xf32>
        %swap3A_443 = vector.shape_cast %get3A_438 : vector<16xf32> to vector<1x16xf32>
        tpu.vector_store %arg11[%swap3A_439, %swap3A_440], %swap3A_443 {add = true, strides = array<i32>} : memref<32x512xf32, #tpu.memory_space<vmem>>, vector<1x16xf32>,
        %add3A_444 = arith.addi %mul3A_204, %scan3A_225 : i32
        %get3A_445 = arith.index_cast %add3A_444 : i32 to index
        %get3A_446 = arith.constant 352 : index
        %get3A_447 = tpu.vector_load %arg7[%get3A_445, %get3A_446] {strides = array<i32>} : memref<64x512xf32, #tpu.memory_space<vmem>>, vector<1x16xf32>,
        %get3A_448 = vector.shape_cast %get3A_447 : vector<1x16xf32> to vector<16xf32>
        %swap3A_449 = arith.index_cast %scan3A_225 : i32 to index
        %swap3A_450 = arith.constant 352 : index
        %swap3A_451 = tpu.vector_load %arg11[%swap3A_449, %swap3A_450] {strides = array<i32>} : memref<32x512xf32, #tpu.memory_space<vmem>>, vector<1x16xf32>,
        %swap3A_452 = vector.shape_cast %swap3A_451 : vector<1x16xf32> to vector<16xf32>
        %swap3A_453 = vector.shape_cast %get3A_448 : vector<16xf32> to vector<1x16xf32>
        tpu.vector_store %arg11[%swap3A_449, %swap3A_450], %swap3A_453 {add = true, strides = array<i32>} : memref<32x512xf32, #tpu.memory_space<vmem>>, vector<1x16xf32>,
        %add3A_454 = arith.addi %mul3A_204, %scan3A_225 : i32
        %get3A_455 = arith.index_cast %add3A_454 : i32 to index
        %get3A_456 = arith.constant 368 : index
        %get3A_457 = tpu.vector_load %arg7[%get3A_455, %get3A_456] {strides = array<i32>} : memref<64x512xf32, #tpu.memory_space<vmem>>, vector<1x16xf32>,
        %get3A_458 = vector.shape_cast %get3A_457 : vector<1x16xf32> to vector<16xf32>
        %swap3A_459 = arith.index_cast %scan3A_225 : i32 to index
        %swap3A_460 = arith.constant 368 : index
        %swap3A_461 = tpu.vector_load %arg11[%swap3A_459, %swap3A_460] {strides = array<i32>} : memref<32x512xf32, #tpu.memory_space<vmem>>, vector<1x16xf32>,
        %swap3A_462 = vector.shape_cast %swap3A_461 : vector<1x16xf32> to vector<16xf32>
        %swap3A_463 = vector.shape_cast %get3A_458 : vector<16xf32> to vector<1x16xf32>
        tpu.vector_store %arg11[%swap3A_459, %swap3A_460], %swap3A_463 {add = true, strides = array<i32>} : memref<32x512xf32, #tpu.memory_space<vmem>>, vector<1x16xf32>,
        %add3A_464 = arith.addi %mul3A_204, %scan3A_225 : i32
        %get3A_465 = arith.index_cast %add3A_464 : i32 to index
        %get3A_466 = arith.constant 384 : index
        %get3A_467 = tpu.vector_load %arg7[%get3A_465, %get3A_466] {strides = array<i32>} : memref<64x512xf32, #tpu.memory_space<vmem>>, vector<1x16xf32>,
        %get3A_468 = vector.shape_cast %get3A_467 : vector<1x16xf32> to vector<16xf32>
        %swap3A_469 = arith.index_cast %scan3A_225 : i32 to index
        %swap3A_470 = arith.constant 384 : index
        %swap3A_471 = tpu.vector_load %arg11[%swap3A_469, %swap3A_470] {strides = array<i32>} : memref<32x512xf32, #tpu.memory_space<vmem>>, vector<1x16xf32>,
        %swap3A_472 = vector.shape_cast %swap3A_471 : vector<1x16xf32> to vector<16xf32>
        %swap3A_473 = vector.shape_cast %get3A_468 : vector<16xf32> to vector<1x16xf32>
        tpu.vector_store %arg11[%swap3A_469, %swap3A_470], %swap3A_473 {add = true, strides = array<i32>} : memref<32x512xf32, #tpu.memory_space<vmem>>, vector<1x16xf32>,
        %add3A_474 = arith.addi %mul3A_204, %scan3A_225 : i32
        %get3A_475 = arith.index_cast %add3A_474 : i32 to index
        %get3A_476 = arith.constant 400 : index
        %get3A_477 = tpu.vector_load %arg7[%get3A_475, %get3A_476] {strides = array<i32>} : memref<64x512xf32, #tpu.memory_space<vmem>>, vector<1x16xf32>,
        %get3A_478 = vector.shape_cast %get3A_477 : vector<1x16xf32> to vector<16xf32>
        %swap3A_479 = arith.index_cast %scan3A_225 : i32 to index
        %swap3A_480 = arith.constant 400 : index
        %swap3A_481 = tpu.vector_load %arg11[%swap3A_479, %swap3A_480] {strides = array<i32>} : memref<32x512xf32, #tpu.memory_space<vmem>>, vector<1x16xf32>,
        %swap3A_482 = vector.shape_cast %swap3A_481 : vector<1x16xf32> to vector<16xf32>
        %swap3A_483 = vector.shape_cast %get3A_478 : vector<16xf32> to vector<1x16xf32>
        tpu.vector_store %arg11[%swap3A_479, %swap3A_480], %swap3A_483 {add = true, strides = array<i32>} : memref<32x512xf32, #tpu.memory_space<vmem>>, vector<1x16xf32>,
        %add3A_484 = arith.addi %mul3A_204, %scan3A_225 : i32
        %get3A_485 = arith.index_cast %add3A_484 : i32 to index
        %get3A_486 = arith.constant 416 : index
        %get3A_487 = tpu.vector_load %arg7[%get3A_485, %get3A_486] {strides = array<i32>} : memref<64x512xf32, #tpu.memory_space<vmem>>, vector<1x16xf32>,
        %get3A_488 = vector.shape_cast %get3A_487 : vector<1x16xf32> to vector<16xf32>
        %swap3A_489 = arith.index_cast %scan3A_225 : i32 to index
        %swap3A_490 = arith.constant 416 : index
        %swap3A_491 = tpu.vector_load %arg11[%swap3A_489, %swap3A_490] {strides = array<i32>} : memref<32x512xf32, #tpu.memory_space<vmem>>, vector<1x16xf32>,
        %swap3A_492 = vector.shape_cast %swap3A_491 : vector<1x16xf32> to vector<16xf32>
        %swap3A_493 = vector.shape_cast %get3A_488 : vector<16xf32> to vector<1x16xf32>
        tpu.vector_store %arg11[%swap3A_489, %swap3A_490], %swap3A_493 {add = true, strides = array<i32>} : memref<32x512xf32, #tpu.memory_space<vmem>>, vector<1x16xf32>,
        %add3A_494 = arith.addi %mul3A_204, %scan3A_225 : i32
        %get3A_495 = arith.index_cast %add3A_494 : i32 to index
        %get3A_496 = arith.constant 432 : index
        %get3A_497 = tpu.vector_load %arg7[%get3A_495, %get3A_496] {strides = array<i32>} : memref<64x512xf32, #tpu.memory_space<vmem>>, vector<1x16xf32>,
        %get3A_498 = vector.shape_cast %get3A_497 : vector<1x16xf32> to vector<16xf32>
        %swap3A_499 = arith.index_cast %scan3A_225 : i32 to index
        %swap3A_500 = arith.constant 432 : index
        %swap3A_501 = tpu.vector_load %arg11[%swap3A_499, %swap3A_500] {strides = array<i32>} : memref<32x512xf32, #tpu.memory_space<vmem>>, vector<1x16xf32>,
        %swap3A_502 = vector.shape_cast %swap3A_501 : vector<1x16xf32> to vector<16xf32>
        %swap3A_503 = vector.shape_cast %get3A_498 : vector<16xf32> to vector<1x16xf32>
        tpu.vector_store %arg11[%swap3A_499, %swap3A_500], %swap3A_503 {add = true, strides = array<i32>} : memref<32x512xf32, #tpu.memory_space<vmem>>, vector<1x16xf32>,
        %add3A_504 = arith.addi %mul3A_204, %scan3A_225 : i32
        %get3A_505 = arith.index_cast %add3A_504 : i32 to index
        %get3A_506 = arith.constant 448 : index
        %get3A_507 = tpu.vector_load %arg7[%get3A_505, %get3A_506] {strides = array<i32>} : memref<64x512xf32, #tpu.memory_space<vmem>>, vector<1x16xf32>,
        %get3A_508 = vector.shape_cast %get3A_507 : vector<1x16xf32> to vector<16xf32>
        %swap3A_509 = arith.index_cast %scan3A_225 : i32 to index
        %swap3A_510 = arith.constant 448 : index
        %swap3A_511 = tpu.vector_load %arg11[%swap3A_509, %swap3A_510] {strides = array<i32>} : memref<32x512xf32, #tpu.memory_space<vmem>>, vector<1x16xf32>,
        %swap3A_512 = vector.shape_cast %swap3A_511 : vector<1x16xf32> to vector<16xf32>
        %swap3A_513 = vector.shape_cast %get3A_508 : vector<16xf32> to vector<1x16xf32>
        tpu.vector_store %arg11[%swap3A_509, %swap3A_510], %swap3A_513 {add = true, strides = array<i32>} : memref<32x512xf32, #tpu.memory_space<vmem>>, vector<1x16xf32>,
        %add3A_514 = arith.addi %mul3A_204, %scan3A_225 : i32
        %get3A_515 = arith.index_cast %add3A_514 : i32 to index
        %get3A_516 = arith.constant 464 : index
        %get3A_517 = tpu.vector_load %arg7[%get3A_515, %get3A_516] {strides = array<i32>} : memref<64x512xf32, #tpu.memory_space<vmem>>, vector<1x16xf32>,
        %get3A_518 = vector.shape_cast %get3A_517 : vector<1x16xf32> to vector<16xf32>
        %swap3A_519 = arith.index_cast %scan3A_225 : i32 to index
        %swap3A_520 = arith.constant 464 : index
        %swap3A_521 = tpu.vector_load %arg11[%swap3A_519, %swap3A_520] {strides = array<i32>} : memref<32x512xf32, #tpu.memory_space<vmem>>, vector<1x16xf32>,
        %swap3A_522 = vector.shape_cast %swap3A_521 : vector<1x16xf32> to vector<16xf32>
        %swap3A_523 = vector.shape_cast %get3A_518 : vector<16xf32> to vector<1x16xf32>
        tpu.vector_store %arg11[%swap3A_519, %swap3A_520], %swap3A_523 {add = true, strides = array<i32>} : memref<32x512xf32, #tpu.memory_space<vmem>>, vector<1x16xf32>,
        %add3A_524 = arith.addi %mul3A_204, %scan3A_225 : i32
        %get3A_525 = arith.index_cast %add3A_524 : i32 to index
        %get3A_526 = arith.constant 480 : index
        %get3A_527 = tpu.vector_load %arg7[%get3A_525, %get3A_526] {strides = array<i32>} : memref<64x512xf32, #tpu.memory_space<vmem>>, vector<1x16xf32>,
        %get3A_528 = vector.shape_cast %get3A_527 : vector<1x16xf32> to vector<16xf32>
        %swap3A_529 = arith.index_cast %scan3A_225 : i32 to index
        %swap3A_530 = arith.constant 480 : index
        %swap3A_531 = tpu.vector_load %arg11[%swap3A_529, %swap3A_530] {strides = array<i32>} : memref<32x512xf32, #tpu.memory_space<vmem>>, vector<1x16xf32>,
        %swap3A_532 = vector.shape_cast %swap3A_531 : vector<1x16xf32> to vector<16xf32>
        %swap3A_533 = vector.shape_cast %get3A_528 : vector<16xf32> to vector<1x16xf32>
        tpu.vector_store %arg11[%swap3A_529, %swap3A_530], %swap3A_533 {add = true, strides = array<i32>} : memref<32x512xf32, #tpu.memory_space<vmem>>, vector<1x16xf32>,
        %add3A_534 = arith.addi %mul3A_204, %scan3A_225 : i32
        %get3A_535 = arith.index_cast %add3A_534 : i32 to index
        %get3A_536 = arith.constant 496 : index
        %get3A_537 = tpu.vector_load %arg7[%get3A_535, %get3A_536] {strides = array<i32>} : memref<64x512xf32, #tpu.memory_space<vmem>>, vector<1x16xf32>,
        %get3A_538 = vector.shape_cast %get3A_537 : vector<1x16xf32> to vector<16xf32>
        %swap3A_539 = arith.index_cast %scan3A_225 : i32 to index
        %swap3A_540 = arith.constant 496 : index
        %swap3A_541 = tpu.vector_load %arg11[%swap3A_539, %swap3A_540] {strides = array<i32>} : memref<32x512xf32, #tpu.memory_space<vmem>>, vector<1x16xf32>,
        %swap3A_542 = vector.shape_cast %swap3A_541 : vector<1x16xf32> to vector<16xf32>
        %swap3A_543 = vector.shape_cast %get3A_538 : vector<16xf32> to vector<1x16xf32>
        tpu.vector_store %arg11[%swap3A_539, %swap3A_540], %swap3A_543 {add = true, strides = array<i32>} : memref<32x512xf32, #tpu.memory_space<vmem>>, vector<1x16xf32>,
      }
      %scan3A_210 = arith.constant 32 : i32
      %shift_right_arithmetic3A_211 = arith.constant 1 : i32
      %shift_right_arithmetic3A_212 = arith.shrsi %add3A_182, %shift_right_arithmetic3A_211 : i32
      %mul3A_213 = arith.constant 2048 : i32
      %mul3A_214 = arith.muli %shift_right_arithmetic3A_212, %mul3A_213 : i32
      %add3A_215 = arith.addi %mul3A_214, %mul3A_2 : i32
      %and3A_216 = arith.constant 1 : i32
      %and3A_217 = arith.andi %add3A_182, %and3A_216 : i32
      %mul3A_218 = arith.constant 32 : i32
      %mul3A_219 = arith.muli %and3A_217, %mul3A_218 : i32
      %add3A_220 = arith.addi %add3A_215, %mul3A_219 : i32
      %dma_start3A_221 = arith.constant 0 : i32
      %dma_start3A_222 = tpu.memref_slice %arg5[%add3A_220, %dma_start3A_221] : memref<131072x512xf32, #tpu.memory_space<hbm>> -> memref<32x512xf32, #tpu.memory_space<hbm>>
      %dma_start3A_223 = arith.constant 0 : i32
      %dma_start3A_224 = tpu.memref_slice %arg5[%add3A_220, %dma_start3A_223] : memref<131072x512xf32, #tpu.memory_space<hbm>> -> memref<32x512xf32, #tpu.memory_space<hbm>>
      tpu.enqueue_dma source(%arg11 : memref<32x512xf32, #tpu.memory_space<vmem>>) target(%dma_start3A_224 : memref<32x512xf32, #tpu.memory_space<hbm>>) target_semaphore(%arg20 : memref<!tpu.dma_semaphore, #tpu.memory_space<semaphore_mem>>)
    }
    %scan3A_33 = arith.constant 32 : i32
    %dma_wait3A_34 = arith.constant 0 : i32
    %dma_wait3A_35 = arith.constant 0 : i32
    %dma_wait3A_36 = tpu.memref_slice %arg5[%dma_wait3A_34, %dma_wait3A_35] : memref<131072x512xf32, #tpu.memory_space<hbm>> -> memref<32x512xf32, #tpu.memory_space<hbm>>
    %dma_wait3A_37 = arith.constant 0 : i32
    %dma_wait3A_38 = arith.constant 0 : i32
    %dma_wait3A_39 = tpu.memref_slice %arg5[%dma_wait3A_37, %dma_wait3A_38] : memref<131072x512xf32, #tpu.memory_space<hbm>> -> memref<32x512xf32, #tpu.memory_space<hbm>>
    tpu.wait_dma2 semaphore(%arg19 : memref<!tpu.dma_semaphore, #tpu.memory_space<semaphore_mem>>) src(%arg10 : memref<32x512xf32, #tpu.memory_space<vmem>>) dst(%dma_wait3A_39 : memref<32x512xf32, #tpu.memory_space<hbm>>)
    %dma_wait3A_40 = arith.constant 0 : i32
    %dma_wait3A_41 = arith.constant 0 : i32
    %dma_wait3A_42 = tpu.memref_slice %arg5[%dma_wait3A_40, %dma_wait3A_41] : memref<131072x512xf32, #tpu.memory_space<hbm>> -> memref<32x512xf32, #tpu.memory_space<hbm>>
    %dma_wait3A_43 = arith.constant 0 : i32
    %dma_wait3A_44 = arith.constant 0 : i32
    %dma_wait3A_45 = tpu.memref_slice %arg5[%dma_wait3A_43, %dma_wait3A_44] : memref<131072x512xf32, #tpu.memory_space<hbm>> -> memref<32x512xf32, #tpu.memory_space<hbm>>
    tpu.wait_dma2 semaphore(%arg20 : memref<!tpu.dma_semaphore, #tpu.memory_space<semaphore_mem>>) src(%arg11 : memref<32x512xf32, #tpu.memory_space<vmem>>) dst(%dma_wait3A_45 : memref<32x512xf32, #tpu.memory_space<hbm>>)
    return
  }
}

</mosaic_0001>

<sc_bundles>
// kernel: kernel.3.cloned.1.call-start
scs
__scs_entry_jumppad:
0x0: {  	(pc) =	sbr.rel $0x88, $3  }
0x1: {  	(tag) =	ssettag $0x0;
	lr =	simm.s32 $0x1  }
0x2: {  	[smem:$0x3F9E] =	sst lr;
	_ =	strace $0xD0000000  }
0x3: {  	_ = 	snop  }
0x4: {  	_ = 	snop  }
0x5: {  	_ = 	snop  }
0x6: {  	_ = 	snop  }
0x7: {  	_ = 	snop  }
__scs_overlays_trampoline_lowered:
0x8: {  	[smem:$0x3FAD] =	sst s0  }
0x9: {  	[smem:$0x3FAE] =	sst s1  }
0xa: {  	[smem:$0x3FAF] =	sst s2  }
0xb: {  	[smem:$0x3FB0] =	sst s3  }
0xc: {  	[smem:$0x3FB1] =	sst s4  }
0xd: {  	[smem:$0x3FB2] =	sst s5  }
0xe: {  	[smem:$0x3FB3] =	sst s6  }
0xf: {  	[smem:$0x3FB4] =	sst s7  }
0x10: {  	[smem:$0x3FB5] =	sst s8  }
0x11: {  	[smem:$0x3FB6] =	sst s9;
	s0 =	simm.s32 @!p0 $0x0  }
0x12: {  	s1 =	sld [smem:$0x3F9C];
	s0 =	simm.s32 @p0 $0x1  }
0x13: {  	[smem:$0x3FB7] =	sst s0;
	s0 =	simm.s32 @!p1 $0x0  }
0x14: {  	s2 =	sld [smem:$0x3F9B];
	s0 =	simm.s32 @p1 $0x1  }
0x15: {  	[smem:$0x3FB8] =	sst s0;
	s0 =	simm.s32 @!p2 $0x0  }
0x16: {  	s3 =	sld [smem:$0x3FDB];
	s0 =	simm.s32 @p2 $0x1  }
0x17: {  	s4 =	simm.s32 $0x1BF5;
	[smem:$0x3FBA] =	sst s0  }
0x18: {  	s0 =	sld [smem:$0x3F9D];
	_ =	swait.ge [sflag:s4], $0x0  }
0x19: {  	s7 =	sld [smem:$0x3F9E]  }
0x1a: {  	s8 =	sadd.s32 $0xFFFFE003, lr  }
0x1b: {  	s9 =	sadd.s32 $0xFFFFFEF7, lr;
	s5 =	simm.s32 $0xFFFFFFFF;
	p2 =	slt.u32 s8, $0xFFFFF086  }
0x1c: {  	p1 =	slt.u32 s9, $0xF7A;
	s5 =	simm.s32 @!p2 $0x0  }
0x1d: {  	s5 =	simm.s32 @p1 $0x1;
	p0 =	seq.s32 s7, s2  }
0x1e: {  	s7 =	smul.u32 @!p0 $0xF7A, s2;
	p2 =	seq.s32 @!p0 s5, $0x0  }
0x1f: {  	s9 =	smul.u32 $0xF7A, s1;
	s8 =	simm.s32 @!p0 $0x1BF5;
	p2 =	por !p2, p0  }
0x20: {  	[sflag:s8] =	ssyncset.s32 @!p0 $0xFFFFF086;
	s6 =	sadd.s32 @!p0 s3, s7;
	s7 =	simm.s32 @!p0 $0x108  }
0x21: {  	s3 =	sadd.s32 s3, s9;
	s6 =	sadd.s32 @!p0 $0x88, s6;
	s7 =	simm.s32 @p2 $0x1082  }
0x22: {  	[simem:s7], [sflag:s8] =	dma.local @!p0 [hbm:s6], $0xF7A  }
0x23: {  	s9 =	sor.u32 $0xD0000000, s2;
	s6 =	simm.s32 $0x108;
	_ =	swait.ge @!p0 [sflag:s8], $0x0  }
0x24: {  	s3 =	sadd.s32 $0x88, s3;
	s6 =	simm.s32 @!p1 $0x1082;
	[sflag:s4] =	ssyncset.s32 $0xFFFFF086  }
0x25: {  	[simem:s6], [sflag:s4] =	dma.local [hbm:s3], $0xF7A  }
0x26: {  	[smem:$0x3F9E] =	sst s1;
	(tag) =	ssettag s2;
	_ =	strace s9  }
0x27: {  	s1 =	sld [smem:$0x3FAE]  }
0x28: {  	s2 =	sld [smem:$0x3FAF]  }
0x29: {  	s4 =	sld [smem:$0x3FB1]  }
0x2a: {  	p0 =	seq.s32 s5, $0x0;
	s5 =	sld [smem:$0x3FB2]  }
0x2b: {  	s6 =	sld [smem:$0x3FB3]  }
0x2c: {  	s7 =	sld [smem:$0x3FB4]  }
0x2d: {  	s3 =	simm.s32 $0x108;
	s8 =	sld [smem:$0x3FB5]  }
0x2e: {  	s3 =	simm.s32 @!p0 $0x1082;
	s9 =	sld [smem:$0x3FB6]  }
0x2f: {  	lr =	sadd.s32 s0, s3;
	s0 =	sld [smem:$0x3FAD]  }
0x30: {  	s3 =	sld [smem:$0x3FB0]  }
0x31: {  	[smem:$0x3FB9] =	sst s10  }
0x32: {  	s10 =	sld [smem:$0x3FB7];
	_ =	sdelay $0x3  }
0x33: {  	p0 =	seq.s32 s10, $0x1;
	s10 =	sld [smem:$0x3FB9];
	_ =	sdelay $0x3  }
0x34: {  	[smem:$0x3FB9] =	sst s10  }
0x35: {  	s10 =	sld [smem:$0x3FB8];
	_ =	sdelay $0x3  }
0x36: {  	p1 =	seq.s32 s10, $0x1;
	s10 =	sld [smem:$0x3FB9];
	_ =	sdelay $0x3  }
0x37: {  	[smem:$0x3FB9] =	sst s10  }
0x38: {  	s10 =	sld [smem:$0x3FBA]  }
0x39: {  	_ = 	snop;
	(pc) =	sbr.ind lr, $3  }
0x3a: {  	_ = 	snop  }
0x3b: {  	_ = 	snop  }
0x3c: {  	p2 =	seq.s32 s10, $0x1;
	s10 =	sld [smem:$0x3FB9]  }
0x3d: {  	_ =	shalt  }
0x3e: {  	_ =	shalt  }
0x3f: {  	_ =	shalt  }
0x40: {  	_ =	shalt  }
0x41: {  	_ =	shalt  }
0x42: {  	_ =	shalt  }
0x43: {  	_ =	shalt  }
0x44: {  	_ =	shalt  }
0x45: {  	_ =	shalt  }
0x46: {  	_ =	shalt  }
0x47: {  	_ =	shalt  }
0x48: {  	_ =	shalt  }
0x49: {  	_ =	shalt  }
0x4a: {  	_ =	shalt  }
0x4b: {  	_ =	shalt  }
0x4c: {  	_ =	shalt  }
0x4d: {  	_ =	shalt  }
0x4e: {  	_ =	shalt  }
0x4f: {  	_ =	shalt  }
0x50: {  	_ =	shalt  }
0x51: {  	_ =	shalt  }
0x52: {  	_ =	shalt  }
0x53: {  	_ =	shalt  }
0x54: {  	_ =	shalt  }
0x55: {  	_ =	shalt  }
0x56: {  	_ =	shalt  }
0x57: {  	_ =	shalt  }
0x58: {  	_ =	shalt  }
0x59: {  	_ =	shalt  }
0x5a: {  	_ =	shalt  }
0x5b: {  	_ =	shalt  }
0x5c: {  	_ =	shalt  }
0x5d: {  	_ =	shalt  }
0x5e: {  	_ =	shalt  }
0x5f: {  	_ =	shalt  }
0x60: {  	_ =	shalt  }
0x61: {  	_ =	shalt  }
0x62: {  	_ =	shalt  }
0x63: {  	_ =	shalt  }
0x64: {  	_ =	shalt  }
0x65: {  	_ =	shalt  }
0x66: {  	_ =	shalt  }
0x67: {  	_ =	shalt  }
0x68: {  	_ =	shalt  }
0x69: {  	_ =	shalt  }
0x6a: {  	_ =	shalt  }
0x6b: {  	_ =	shalt  }
0x6c: {  	_ =	shalt  }
0x6d: {  	_ =	shalt  }
0x6e: {  	_ =	shalt  }
0x6f: {  	_ =	shalt  }
0x70: {  	_ =	shalt  }
0x71: {  	_ =	shalt  }
0x72: {  	_ =	shalt  }
0x73: {  	_ =	shalt  }
0x74: {  	_ =	shalt  }
0x75: {  	_ =	shalt  }
0x76: {  	_ =	shalt  }
0x77: {  	_ =	shalt  }
0x78: {  	_ =	shalt  }
0x79: {  	_ =	shalt  }
0x7a: {  	_ =	shalt  }
0x7b: {  	_ =	shalt  }
0x7c: {  	_ =	shalt  }
0x7d: {  	_ =	shalt  }
0x7e: {  	_ =	shalt  }
0x7f: {  	_ =	shalt  }
0x80: {  	_ =	shalt  }
0x81: {  	_ =	shalt  }
0x82: {  	_ =	shalt  }
0x83: {  	_ =	shalt  }
0x84: {  	_ =	shalt  }
0x85: {  	_ =	shalt  }
0x86: {  	_ =	shalt  }
0x87: {  	_ =	shalt  }
.Lfunc_end0:
.L_simem_size_0:
called_computation_lowered:
.L_overlay_start_0:
0x88: {  	s2 =	sld [smem:$0x3FD9]  }
0x89: {  	s3 =	sld [smem:$0x3FFE];
	_ =	sdelay $0x1  }
0x8a: {  	s1 =	srdreg.scid  }
0x8b: {  	s0 =	sand.u32 $0x1, s1  }
0x8c: {  	s17 =	sshll.u32 s0, $0xA;
	s2 =	sadd.s32 s3, s2  }
0x8d: {  	s2 =	sadd.s32 s2, s17  }
0x8e: {  	[smem:$0x3FC5] =	sst s2  }
0x8f: {  	_ = 	snop  }
0x90: {  	s2 =	sld [smem:$0x3FC8]  }
0x91: {  	s18 =	sld [smem:$0x3FC7]  }
0x92: {  	s4 =	sld [smem:$0x3FD0];
	(tm) =	ssettm $0x1  }
0x93: {  	s5 =	sld [smem:$0x3FFB];
	_ =	sdelay $0x3  }
0x94: {  	_ =	strace s5  }
0x95: {  	s5 =	sld [smem:$0x3FFC];
	_ =	sdelay $0x3  }
0x96: {  	_ =	strace s5  }
0x97: {  	s5 =	sld [smem:$0x3FFD];
	_ =	sdelay $0x3  }
0x98: {  	_ =	strace s5  }
0x99: {  	_ =	strace $0x8FFFFFFF  }
0x9a: {  	s19 =	sld [smem:$0x3FDB];
	_ =	sdelay $0x1  }
0x9b: {  	s6 =	simm.s32 $_scs_section_size  }
0x9c: {  	s7 =	simm.s32 $_size__tile_overlayer_lowered;
	s8 =	simm.s32 $_tile_overlayer_lowered  }
0x9d: {  	s22 =	simm.s32 $0x1BFF;
	s21 =	sshll.u32 s8, $0x1;
	s5 =	sadd.s32 s6, s19  }
0x9e: {  	s9 =	simm.s32 $0x0;
	s20 =	sshll.u32 s7, $0x1;
	s7 =	sadd.s32 s21, s5  }
0x9f: {  	[timem:s9], [sflag:s22] =	dma.local [hbm:s7], s20  }
0xa0: {  	_ =	swait.ge [sflag:s22], s20  }
0xa1: {  	s6 =	ssub.s32 $0x0, s20;
	[sflag:s22] =	ssyncset.done $0x0  }
0xa2: {  	[sflag:s22] =	ssyncadd.s32 s6;
	_ =	sdelay $0x1  }
0xa3: {  	s23 =	simm.s32 $0x1B8B  }
0xa4: {  	_ =	swait.ge [sflag:s23], $0x1  }
0xa5: {  	[sflag:s23] =	ssyncset.done $0x0  }
0xa6: {  	s25 =	simm.s32 $0x1B8E;
	s24 =	sld [smem:$0x3FFE];
	[sflag:s23] =	ssyncadd.s32 $0xFFFFFFFF  }
0xa7: {  	s26 =	simm.s32 $execute0_lowered;
	[smem:$0x3FD2] =	sst s25  }
0xa8: {  	s7 =	sshll.u32 s26, $0x1;
	_ =	strace $0x80000046;
	[dreg:$0x1] =	wrdreg $0xFFFFFFFF  }
0xa9: {  	s28 =	simm.s32 $_size_execute0_lowered;
	s5 =	sadd.s32 s5, s7;
	[dreg:$0x0] =	wrdreg $0x0  }
0xaa: {  	s7 =	sshll.u32 s28, $0x1;
	[dreg:$0x2] =	wrdreg s5  }
0xab: {  	[dreg:$0x3] =	wrdreg s7  }
0xac: {  	[dreg:$0x4] =	wrdreg $0xC0  }
0xad: {  	_ =	task [dreg:s9], $0x5FFFF  }
0xae: {  	[dreg:$0x1] =	wrdreg $0xFFFFFFFF  }
0xaf: {  	[dreg:$0x0] =	wrdreg $0x60  }
0xb0: {  	[dreg:$0x2] =	wrdreg s24  }
0xb1: {  	[dreg:$0x3] =	wrdreg s2  }
0xb2: {  	[dreg:$0x4] =	wrdreg s18  }
0xb3: {  	[dreg:$0x5] =	wrdreg s4  }
0xb4: {  	[dreg:$0x6] =	wrdreg $0x9  }
0xb5: {  	_ =	task.clear_ibuf [dreg:s9], $0x7FFFF;
	_ =	strace $0x90000046  }
0xb6: {  	s29 =	simm.s32 $0x9;
	_ =	strace $0x80000048  }
0xb7: {  	_ =	swait.ge [sflag:s29], $0x1  }
0xb8: {  	[sflag:s29] =	ssyncadd.s32 $0xFFFFFFFF  }
0xb9: {  	_ =	strace $0x90000048  }
0xba: {  	_ =	sfence  }
0xbb: {  	s30 =	sld [smem:$0x0];
	_ =	sdelay $0x2  }
0xbc: {  	s31 =	sshll.u32 s1, $0xD;
	s1 =	sshrl.u32 s1, $0x2  }
0xbd: {  	s3 =	sand.u32 $0x4000, s31;
	s1 =	sadd.s32 s1, s30  }
0xbe: {  	s0 =	sor.u32 s3, s0;
	s1 =	sshll.u32 s1, $0x11  }
0xbf: {  	s0 =	sor.u32 s1, s0  }
0xc0: {  	s0 =	sadd.s32 $0x8F2B, s0  }
0xc1: {  	[sflag:s0] =	ssyncadd.remote.s32 $0x1  }
0xc2: {  	_ =	sfence.sel $0xFFFF  }
0xc3: {  	[dreg:$0x0] =	wrdreg $0xFFFFFFFF;
	(pc) =	sbr.abs _section_cstart, $3  }
0xc4: {  	[dreg:$0x1] =	wrdreg $0xFFFFFFFF  }
0xc5: {  	_ =	task.clear_ibuf [dreg:s9], $0x2FFFF;
	_ =	strace $0x9FFFFFFF  }
0xc6: {  	(tm) =	ssettm $0x7FFFFFFF  }
0xc7: {  	_ =	shalt  }
tec
execute0_lowered:
.L_overlay_start_1:
0x0: {  	(tag) =	ssettag $0x1  }
0x1: {  	s0 =	rddreg [dreg:$0x0]  }
0x2: {  	s1 =	rddreg [dreg:$0x1]  }
0x3: {  	s2 =	rddreg [dreg:$0x2]  }
0x4: {  	s10 =	rddreg [dreg:$0x3];
	s3 =	srdreg.scid  }
0x5: {  	s4 =	simm.s32 $0x0;
	s5 =	stileid.u32;
	s15 =	simm.s32 $0x9000  }
0x6: {  	s23 =	simm.s32 $0xD000;
	s20 =	simm.s32 $0x9;
	s13 =	simm.s32 $0x11000  }
0x7: {  	s24 =	simm.s32 $0x3;
	s25 =	simm.s32 $0x15000;
	s11 =	simm.s32 $0x18800  }
0x8: {  	s14 =	simm.s32 $0x4;
	s16 =	simm.s32 $0x7;
	s18 =	simm.s32 $0x0  }
0x9: {  	s3 =	sand.u32 $0x1, s3;
	[smem:$0x7FF] =	sst s4;
	s5 =	sshll.u32 s5, $0x7  }
0xa: {  	s9 =	sadd.s32 $0x800, s10;
	s6 =	sshll.u32 s3, $0x6;
	s3 =	ssub.s32 $0x2, s3  }
0xb: {  	_ =	strace $0x80000047;
	s5 =	sor.u32 s6, s5;
	s8 =	sshrl.u32 s3, $0x1  }
0xc: {  	s7 =	sshrl.u32 s5, $0x3;
	s6 =	sshll.u32 s5, $0x6;
	s3 =	ssub.s32 s3, s8  }
0xd: {  	s8 =	sadd.s32 $0x100, s1;
	s0 =	sadd.s32 s7, s0;
	s2 =	sadd.s32 s2, s6  }
0xe: {  	v2 =	vlaneseq.u32;
	s10 =	sadd.s32 s10, s6;
	s31 =	smax.u32 s3, $0x1;
	[dreg:$0x5] =	wrdreg s2  }
0xf: {  	vm0 =	vmmov $0xffff;
	v1 =	vshrl.u32 v2, $0x3;
	s7 =	simm.s32 $0x18000;
	s3 =	simm.s32 $0x5;
	[dreg:$0x6] =	wrdreg s31  }
0x10: {  	v0 =	vand.u32 $0x7, v2;
	v2 =	vor.u32 $0x8, v2;
	v1 =	vmul.u32 $0x8, v1;
	s12 =	sadd.s32 $0x400, s0;
	s2 =	simm.s32 $0x2;
	s0 =	simm.s32 $0x6  }
.LBB2_1:
0x11: {  	[dreg:$0x7] =	wrdreg s18  }
0x12: {  	s17 =	simm.s32 $0x100;
	s18 =	simm.s32 $0x0;
	s19 =	sadd.s32 $0x0, s12  }
.LBB2_2:
0x13: {  	[tilespmem:s18], [sflag:$0x1] =	stream.linear.gather [hbm4b:s19+s4], $0x40, $0x38;
	[tilespmem:$0x19000] =	vst v63  }
0x14: {  	s19 =	smov.u32 s17;
	p0 =	sne.s32 s17, $0x3F00  }
.Ltmp0:
0x15: {  	s17 =	sadd.s32 $0x100, s17;
	(pc) =	sbr.rel @p0 .LBB2_2-.Ltmp0, $2  }
0x16: {  	_ =	sdelay $0x2  }
0x17: {  	s18 =	sshra.s32 s19, $0x2;
	s19 =	sadd.s32 s19, s12  }
0x18: {  	[tilespmem:s18], [sflag:$0x1] =	stream.linear.gather [hbm4b:s19+s4], $0x40, $0x38;
	[tilespmem:$0x19000] =	vst v63  }
0x19: {  	s17 =	simm.s32 $0x0  }
0x1a: {  	s30 =	rddreg [dreg:$0x5];
	s31 =	simm.s32 $0x1000;
	s21 =	simm.s32 $0x1  }
0x1b: {  	[tilespmem:s31], [sflag:$0x9] =	stream.linear.gather [hbm4b:s30+s17], $0x8000, $0x38;
	[tilespmem:$0x19000] =	vst v63  }
0x1c: {  	_ =	swait.ge [sflag:s21], $0x1000  }
0x1d: {  	[sflag:s21] =	ssyncset.done $0x0  }
0x1e: {  	[sflag:s21] =	ssyncadd.s32 $0xFFFFF000  }
0x1f: {  	v3 =	vld [tilespmem:$0x0];
	_ =	sdelay $0x4  }
0x20: {  	v4 =	vshll.u32 v3, $0x2  }
0x21: {  	v3 =	vand.u32 $0x7, v3;
	v4 =	vand.u32 $0xFFFFFFE0, v4  }
0x22: {  	v3 =	vor.u32 v3, v4  }
0x23: {  	v4 =	vperm.xlane v3, v0;
	_ =	sdelay $0x1  }
0x24: {  	v4 =	vadd.s32 v1, v4;
	_ =	sdelay $0x1  }
0x25: {  	v3 =	vperm.xlane v3, v2;
	_ =	sdelay $0x1  }
0x26: {  	v3 =	vadd.s32 v1, v3  }
0x27: {  	[tilespmem:s15], [sflag:$0x2] =	stream.indirect_vreg.gather [hbm4b:s1+s17], $0x80, v4, vm0, $0xb8;
	[tilespmem:$0x19000] =	vst v63  }
0x28: {  	s22 =	simm.s32 $0x9800  }
0x29: {  	[tilespmem:s22], [sflag:$0x2] =	stream.indirect_vreg.gather [hbm4b:s8+s17], $0x80, v4, vm0, $0xb8;
	[tilespmem:$0x19000] =	vst v63  }
0x2a: {  	s26 =	simm.s32 $0xA000  }
0x2b: {  	[tilespmem:s26], [sflag:$0x2] =	stream.indirect_vreg.gather [hbm4b:s1+s17], $0x80, v3, vm0, $0xb8;
	[tilespmem:$0x19000] =	vst v63  }
0x2c: {  	s28 =	simm.s32 $0xA800  }
0x2d: {  	[tilespmem:s28], [sflag:$0x2] =	stream.indirect_vreg.gather [hbm4b:s8+s17], $0x80, v3, vm0, $0xb8;
	[tilespmem:$0x19000] =	vst v63  }
0x2e: {  	v3 =	vld [tilespmem:$0x10];
	_ =	sdelay $0x4  }
0x2f: {  	v61 =	vshll.u32 v3, $0x2  }
0x30: {  	v3 =	vand.u32 $0x7, v3;
	v4 =	vand.u32 $0xFFFFFFE0, v61  }
0x31: {  	v3 =	vor.u32 v3, v4  }
0x32: {  	v4 =	vperm.xlane v3, v0;
	_ =	sdelay $0x1  }
0x33: {  	v4 =	vadd.s32 v1, v4;
	_ =	sdelay $0x1  }
0x34: {  	v3 =	vperm.xlane v3, v2;
	_ =	sdelay $0x1  }
0x35: {  	s29 =	simm.s32 $0xB000;
	v3 =	vadd.s32 v1, v3  }
0x36: {  	[tilespmem:s29], [sflag:$0x2] =	stream.indirect_vreg.gather [hbm4b:s1+s17], $0x80, v4, vm0, $0xb8;
	[tilespmem:$0x19000] =	vst v63  }
0x37: {  	s30 =	simm.s32 $0xB800  }
0x38: {  	[tilespmem:s30], [sflag:$0x2] =	stream.indirect_vreg.gather [hbm4b:s8+s17], $0x80, v4, vm0, $0xb8;
	[tilespmem:$0x19000] =	vst v63  }
0x39: {  	s31 =	simm.s32 $0xC000  }
0x3a: {  	[tilespmem:s31], [sflag:$0x2] =	stream.indirect_vreg.gather [hbm4b:s1+s17], $0x80, v3, vm0, $0xb8;
	[tilespmem:$0x19000] =	vst v63  }
0x3b: {  	s19 =	simm.s32 $0xC800  }
0x3c: {  	[tilespmem:s19], [sflag:$0x2] =	stream.indirect_vreg.gather [hbm4b:s8+s17], $0x80, v3, vm0, $0xb8;
	[tilespmem:$0x19000] =	vst v63  }
0x3d: {  	v3 =	vld [tilespmem:$0x20];
	_ =	sdelay $0x4  }
0x3e: {  	v62 =	vshll.u32 v3, $0x2  }
0x3f: {  	v3 =	vand.u32 $0x7, v3;
	v4 =	vand.u32 $0xFFFFFFE0, v62  }
0x40: {  	v3 =	vor.u32 v3, v4  }
0x41: {  	v4 =	vperm.xlane v3, v0;
	_ =	sdelay $0x1  }
0x42: {  	v4 =	vadd.s32 v1, v4;
	_ =	sdelay $0x1  }
0x43: {  	v3 =	vperm.xlane v3, v2;
	_ =	sdelay $0x1  }
0x44: {  	v3 =	vadd.s32 v1, v3  }
0x45: {  	[tilespmem:s23], [sflag:$0x3] =	stream.indirect_vreg.gather [hbm4b:s1+s17], $0x80, v4, vm0, $0xb8;
	[tilespmem:$0x19000] =	vst v63  }
0x46: {  	s21 =	simm.s32 $0xD800  }
0x47: {  	[tilespmem:s21], [sflag:$0x3] =	stream.indirect_vreg.gather [hbm4b:s8+s17], $0x80, v4, vm0, $0xb8;
	[tilespmem:$0x19000] =	vst v63  }
0x48: {  	s22 =	simm.s32 $0xE000  }
0x49: {  	[tilespmem:s22], [sflag:$0x3] =	stream.indirect_vreg.gather [hbm4b:s1+s17], $0x80, v3, vm0, $0xb8;
	[tilespmem:$0x19000] =	vst v63  }
0x4a: {  	s26 =	simm.s32 $0xE800  }
0x4b: {  	[tilespmem:s26], [sflag:$0x3] =	stream.indirect_vreg.gather [hbm4b:s8+s17], $0x80, v3, vm0, $0xb8;
	[tilespmem:$0x19000] =	vst v63  }
0x4c: {  	v3 =	vld [tilespmem:$0x30];
	_ =	sdelay $0x4  }
0x4d: {  	v63 =	vshll.u32 v3, $0x2  }
0x4e: {  	v3 =	vand.u32 $0x7, v3;
	v4 =	vand.u32 $0xFFFFFFE0, v63  }
0x4f: {  	v3 =	vor.u32 v3, v4  }
0x50: {  	v4 =	vperm.xlane v3, v0;
	_ =	sdelay $0x1  }
0x51: {  	v4 =	vadd.s32 v1, v4;
	_ =	sdelay $0x1  }
0x52: {  	v3 =	vperm.xlane v3, v2;
	_ =	sdelay $0x1  }
0x53: {  	s28 =	simm.s32 $0xF000;
	v3 =	vadd.s32 v1, v3  }
0x54: {  	[tilespmem:s28], [sflag:$0x3] =	stream.indirect_vreg.gather [hbm4b:s1+s17], $0x80, v4, vm0, $0xb8;
	[tilespmem:$0x19000] =	vst v63  }
0x55: {  	s29 =	simm.s32 $0xF800  }
0x56: {  	[tilespmem:s29], [sflag:$0x3] =	stream.indirect_vreg.gather [hbm4b:s8+s17], $0x80, v4, vm0, $0xb8;
	[tilespmem:$0x19000] =	vst v63  }
0x57: {  	s30 =	simm.s32 $0x10000  }
0x58: {  	[tilespmem:s30], [sflag:$0x3] =	stream.indirect_vreg.gather [hbm4b:s1+s17], $0x80, v3, vm0, $0xb8;
	[tilespmem:$0x19000] =	vst v63  }
0x59: {  	s31 =	simm.s32 $0x10800  }
0x5a: {  	[tilespmem:s31], [sflag:$0x3] =	stream.indirect_vreg.gather [hbm4b:s8+s17], $0x80, v3, vm0, $0xb8;
	[tilespmem:$0x19000] =	vst v63  }
0x5b: {  	_ =	swait.ge [sflag:s20], $0x8000  }
0x5c: {  	[sflag:s20] =	ssyncset.done $0x0  }
0x5d: {  	s18 =	simm.s32 $0x0;
	[sflag:s20] =	ssyncadd.s32 $0xFFFF8000  }
.LBB2_4:
0x5e: {  	_ =	swait.ge [sflag:s2], $0x4000  }
0x5f: {  	p0 =	seq.s32 s18, $0x0;
	[sflag:s2] =	ssyncset.done $0x0  }
0x60: {  	s20 =	sshll.u32 s18, $0x2;
	s21 =	simm.s32 @!p0 $0x8;
	[sflag:s2] =	ssyncadd.s32 $0xFFFFC000  }
0x61: {  	s19 =	sor.u32 $0x2, s20;
	_ =	swait.ge @!p0 [sflag:s21], $0x4000  }
0x62: {  	s22 =	sshll.u32 s19, $0x5;
	[sflag:s21] =	ssyncset.done @!p0 $0x0  }
0x63: {  	[sflag:s21] =	ssyncadd.s32 @!p0 $0xFFFFC000;
	s21 =	sand.u32 $0x3FFFFFE0, s22  }
0x64: {  	v3 =	vld [tilespmem:s21+$0x0];
	_ =	sdelay $0x4  }
0x65: {  	v4 =	vshll.u32 v3, $0x2  }
0x66: {  	v3 =	vand.u32 $0x7, v3;
	v4 =	vand.u32 $0xFFFFFFE0, v4  }
0x67: {  	v3 =	vor.u32 v3, v4  }
0x68: {  	v4 =	vperm.xlane v3, v0;
	_ =	sdelay $0x1  }
0x69: {  	v4 =	vadd.s32 v1, v4;
	_ =	sdelay $0x1  }
0x6a: {  	v3 =	vperm.xlane v3, v2;
	_ =	sdelay $0x1  }
0x6b: {  	v3 =	vadd.s32 v1, v3  }
0x6c: {  	[tilespmem:s13], [sflag:$0x4] =	stream.indirect_vreg.gather [hbm4b:s1+s17], $0x80, v4, vm0, $0xb8;
	[tilespmem:$0x19000] =	vst v63  }
0x6d: {  	s30 =	simm.s32 $0x11800  }
0x6e: {  	[tilespmem:s30], [sflag:$0x4] =	stream.indirect_vreg.gather [hbm4b:s8+s17], $0x80, v4, vm0, $0xb8;
	[tilespmem:$0x19000] =	vst v63  }
0x6f: {  	s31 =	simm.s32 $0x12000  }
0x70: {  	[tilespmem:s31], [sflag:$0x4] =	stream.indirect_vreg.gather [hbm4b:s1+s17], $0x80, v3, vm0, $0xb8;
	[tilespmem:$0x19000] =	vst v63  }
0x71: {  	s26 =	simm.s32 $0x12800  }
0x72: {  	[tilespmem:s26], [sflag:$0x4] =	stream.indirect_vreg.gather [hbm4b:s8+s17], $0x80, v3, vm0, $0xb8;
	[tilespmem:$0x19000] =	vst v63  }
0x73: {  	v3 =	vld [tilespmem:s21+$0x10];
	_ =	sdelay $0x4  }
0x74: {  	v4 =	vshll.u32 v3, $0x2  }
0x75: {  	v3 =	vand.u32 $0x7, v3;
	v4 =	vand.u32 $0xFFFFFFE0, v4  }
0x76: {  	v3 =	vor.u32 v3, v4  }
0x77: {  	v4 =	vperm.xlane v3, v0;
	_ =	sdelay $0x1  }
0x78: {  	v4 =	vadd.s32 v1, v4;
	_ =	sdelay $0x1  }
0x79: {  	v3 =	vperm.xlane v3, v2;
	_ =	sdelay $0x1  }
0x7a: {  	s30 =	simm.s32 $0x13000;
	v3 =	vadd.s32 v1, v3  }
0x7b: {  	[tilespmem:s30], [sflag:$0x4] =	stream.indirect_vreg.gather [hbm4b:s1+s17], $0x80, v4, vm0, $0xb8;
	[tilespmem:$0x19000] =	vst v63  }
0x7c: {  	s31 =	simm.s32 $0x13800  }
0x7d: {  	[tilespmem:s31], [sflag:$0x4] =	stream.indirect_vreg.gather [hbm4b:s8+s17], $0x80, v4, vm0, $0xb8;
	[tilespmem:$0x19000] =	vst v63  }
0x7e: {  	s22 =	simm.s32 $0x14000;
	s30 =	sand.u32 $0x3000, s17;
	s31 =	sand.u32 $0x380, s17  }
0x7f: {  	[tilespmem:s22], [sflag:$0x4] =	stream.indirect_vreg.gather [hbm4b:s1+s17], $0x80, v3, vm0, $0xb8;
	[tilespmem:$0x19000] =	vst v63  }
0x80: {  	s26 =	simm.s32 $0x14800;
	s21 =	sor.u32 s31, s30  }
0x81: {  	[tilespmem:s26], [sflag:$0x4] =	stream.indirect_vreg.gather [hbm4b:s8+s17], $0x80, v3, vm0, $0xb8;
	[tilespmem:$0x19000] =	vst v63  }
0x82: {  	v3 =	vld [tilespmem:s21+$0x1C70]  }
0x83: {  	v4 =	vld [tilespmem:s21+$0x1000]  }
0x84: {  	v5 =	vld [tilespmem:s21+$0x1010]  }
0x85: {  	v6 =	vld [tilespmem:s21+$0x1020]  }
0x86: {  	v7 =	vld [tilespmem:s21+$0x1030]  }
0x87: {  	v8 =	vld [tilespmem:s21+$0x1040]  }
0x88: {  	v9 =	vld [tilespmem:s21+$0x1050]  }
0x89: {  	v10 =	vld [tilespmem:s21+$0x1060]  }
0x8a: {  	v11 =	vld [tilespmem:s21+$0x1070]  }
0x8b: {  	v12 =	vld [tilespmem:s21+$0x1400]  }
0x8c: {  	v13 =	vld [tilespmem:s21+$0x1410]  }
0x8d: {  	v14 =	vld [tilespmem:s21+$0x1420]  }
0x8e: {  	v15 =	vld [tilespmem:s21+$0x1430]  }
0x8f: {  	v16 =	vld [tilespmem:s21+$0x1440]  }
0x90: {  	v17 =	vld [tilespmem:s21+$0x1450]  }
0x91: {  	v18 =	vld [tilespmem:s21+$0x1460]  }
0x92: {  	v19 =	vld [tilespmem:s21+$0x1470]  }
0x93: {  	v20 =	vld [tilespmem:s21+$0x1800]  }
0x94: {  	v21 =	vld [tilespmem:s21+$0x1810]  }
0x95: {  	v22 =	vld [tilespmem:s21+$0x1820]  }
0x96: {  	v23 =	vld [tilespmem:s21+$0x1830]  }
0x97: {  	v24 =	vld [tilespmem:s21+$0x1840]  }
0x98: {  	v25 =	vld [tilespmem:s21+$0x1850]  }
0x99: {  	v26 =	vld [tilespmem:s21+$0x1860]  }
0x9a: {  	v27 =	vld [tilespmem:s21+$0x1870]  }
0x9b: {  	v28 =	vld [tilespmem:s21+$0x1C00]  }
0x9c: {  	v29 =	vld [tilespmem:s21+$0x1C10]  }
0x9d: {  	v30 =	vld [tilespmem:s21+$0x1C20]  }
0x9e: {  	v31 =	vld [tilespmem:s21+$0x1C30]  }
0x9f: {  	v32 =	vld [tilespmem:s21+$0x1C40]  }
0xa0: {  	v33 =	vld [tilespmem:s21+$0x1C50]  }
0xa1: {  	[tilespmem:s21+$0x9C70] =	vst.add.f32.msk $0xffff, v3  }
0xa2: {  	v3 =	vld [tilespmem:s21+$0x1C60]  }
0xa3: {  	[tilespmem:s21+$0x9000] =	vst.add.f32.msk $0xffff, v4  }
0xa4: {  	[tilespmem:s21+$0x9010] =	vst.add.f32.msk $0xffff, v5  }
0xa5: {  	[tilespmem:s21+$0x9020] =	vst.add.f32.msk $0xffff, v6  }
0xa6: {  	[tilespmem:s21+$0x9030] =	vst.add.f32.msk $0xffff, v7  }
0xa7: {  	[tilespmem:s21+$0x9040] =	vst.add.f32.msk $0xffff, v8  }
0xa8: {  	[tilespmem:s21+$0x9050] =	vst.add.f32.msk $0xffff, v9  }
0xa9: {  	[tilespmem:s21+$0x9060] =	vst.add.f32.msk $0xffff, v10  }
0xaa: {  	[tilespmem:s21+$0x9070] =	vst.add.f32.msk $0xffff, v11  }
0xab: {  	[tilespmem:s21+$0x9400] =	vst.add.f32.msk $0xffff, v12  }
0xac: {  	[tilespmem:s21+$0x9410] =	vst.add.f32.msk $0xffff, v13  }
0xad: {  	[tilespmem:s21+$0x9420] =	vst.add.f32.msk $0xffff, v14  }
0xae: {  	[tilespmem:s21+$0x9430] =	vst.add.f32.msk $0xffff, v15  }
0xaf: {  	[tilespmem:s21+$0x9440] =	vst.add.f32.msk $0xffff, v16  }
0xb0: {  	[tilespmem:s21+$0x9450] =	vst.add.f32.msk $0xffff, v17  }
0xb1: {  	[tilespmem:s21+$0x9460] =	vst.add.f32.msk $0xffff, v18  }
0xb2: {  	[tilespmem:s21+$0x9470] =	vst.add.f32.msk $0xffff, v19  }
0xb3: {  	[tilespmem:s21+$0x9800] =	vst.add.f32.msk $0xffff, v20  }
0xb4: {  	[tilespmem:s21+$0x9810] =	vst.add.f32.msk $0xffff, v21  }
0xb5: {  	[tilespmem:s21+$0x9820] =	vst.add.f32.msk $0xffff, v22  }
0xb6: {  	[tilespmem:s21+$0x9830] =	vst.add.f32.msk $0xffff, v23  }
0xb7: {  	[tilespmem:s21+$0x9840] =	vst.add.f32.msk $0xffff, v24  }
0xb8: {  	[tilespmem:s21+$0x9850] =	vst.add.f32.msk $0xffff, v25  }
0xb9: {  	[tilespmem:s21+$0x9860] =	vst.add.f32.msk $0xffff, v26  }
0xba: {  	[tilespmem:s21+$0x9870] =	vst.add.f32.msk $0xffff, v27  }
0xbb: {  	[tilespmem:s21+$0x9C00] =	vst.add.f32.msk $0xffff, v28  }
0xbc: {  	[tilespmem:s21+$0x9C10] =	vst.add.f32.msk $0xffff, v29  }
0xbd: {  	[tilespmem:s21+$0x9C20] =	vst.add.f32.msk $0xffff, v30  }
0xbe: {  	[tilespmem:s21+$0x9C30] =	vst.add.f32.msk $0xffff, v31  }
0xbf: {  	s22 =	simm.s32 $0x80;
	s26 =	simm.s32 $0x200;
	[tilespmem:s21+$0x9C40] =	vst.add.f32.msk $0xffff, v32  }
0xc0: {  	s29 =	sand.u32 $0x380, s22;
	s28 =	sand.u32 $0x3000, s26;
	s26 =	simm.s32 $0x400;
	[tilespmem:s21+$0x9C50] =	vst.add.f32.msk $0xffff, v33  }
.LBB2_5:
0xc1: {  	p1 =	sne.s32 s26, $0x3E00;
	[tilespmem:s21+$0x9C60] =	vst.add.f32.msk $0xffff, v3;
	s21 =	sor.u32 s29, s28  }
0xc2: {  	v3 =	vld [tilespmem:s21+$0x1C70]  }
0xc3: {  	v4 =	vld [tilespmem:s21+$0x1000]  }
0xc4: {  	v5 =	vld [tilespmem:s21+$0x1010]  }
0xc5: {  	v6 =	vld [tilespmem:s21+$0x1020]  }
0xc6: {  	v7 =	vld [tilespmem:s21+$0x1030]  }
0xc7: {  	[tilespmem:s21+$0x9C70] =	vst.add.f32.msk $0xffff, v3  }
0xc8: {  	v8 =	vld [tilespmem:s21+$0x1040]  }
0xc9: {  	v9 =	vld [tilespmem:s21+$0x1050]  }
0xca: {  	v10 =	vld [tilespmem:s21+$0x1060]  }
0xcb: {  	v11 =	vld [tilespmem:s21+$0x1070]  }
0xcc: {  	v12 =	vld [tilespmem:s21+$0x1400]  }
0xcd: {  	v13 =	vld [tilespmem:s21+$0x1410]  }
0xce: {  	v14 =	vld [tilespmem:s21+$0x1420]  }
0xcf: {  	v15 =	vld [tilespmem:s21+$0x1430]  }
0xd0: {  	v16 =	vld [tilespmem:s21+$0x1440]  }
0xd1: {  	v17 =	vld [tilespmem:s21+$0x1450]  }
0xd2: {  	v18 =	vld [tilespmem:s21+$0x1460]  }
0xd3: {  	v19 =	vld [tilespmem:s21+$0x1470]  }
0xd4: {  	v20 =	vld [tilespmem:s21+$0x1800]  }
0xd5: {  	v21 =	vld [tilespmem:s21+$0x1810]  }
0xd6: {  	v22 =	vld [tilespmem:s21+$0x1820]  }
0xd7: {  	v23 =	vld [tilespmem:s21+$0x1830]  }
0xd8: {  	v24 =	vld [tilespmem:s21+$0x1840]  }
0xd9: {  	v25 =	vld [tilespmem:s21+$0x1850]  }
0xda: {  	v26 =	vld [tilespmem:s21+$0x1860]  }
0xdb: {  	v27 =	vld [tilespmem:s21+$0x1870]  }
0xdc: {  	v28 =	vld [tilespmem:s21+$0x1C00]  }
0xdd: {  	v29 =	vld [tilespmem:s21+$0x1C10]  }
0xde: {  	v30 =	vld [tilespmem:s21+$0x1C20]  }
0xdf: {  	v31 =	vld [tilespmem:s21+$0x1C30]  }
0xe0: {  	v32 =	vld [tilespmem:s21+$0x1C40]  }
0xe1: {  	v33 =	vld [tilespmem:s21+$0x1C50]  }
0xe2: {  	v3 =	vld [tilespmem:s21+$0x1C60]  }
0xe3: {  	[tilespmem:s21+$0x9000] =	vst.add.f32.msk $0xffff, v4  }
0xe4: {  	[tilespmem:s21+$0x9010] =	vst.add.f32.msk $0xffff, v5  }
0xe5: {  	[tilespmem:s21+$0x9020] =	vst.add.f32.msk $0xffff, v6  }
0xe6: {  	[tilespmem:s21+$0x9030] =	vst.add.f32.msk $0xffff, v7  }
0xe7: {  	[tilespmem:s21+$0x9040] =	vst.add.f32.msk $0xffff, v8  }
0xe8: {  	[tilespmem:s21+$0x9050] =	vst.add.f32.msk $0xffff, v9  }
0xe9: {  	[tilespmem:s21+$0x9060] =	vst.add.f32.msk $0xffff, v10  }
0xea: {  	[tilespmem:s21+$0x9070] =	vst.add.f32.msk $0xffff, v11  }
0xeb: {  	[tilespmem:s21+$0x9400] =	vst.add.f32.msk $0xffff, v12  }
0xec: {  	[tilespmem:s21+$0x9410] =	vst.add.f32.msk $0xffff, v13  }
0xed: {  	[tilespmem:s21+$0x9420] =	vst.add.f32.msk $0xffff, v14  }
0xee: {  	[tilespmem:s21+$0x9430] =	vst.add.f32.msk $0xffff, v15  }
0xef: {  	[tilespmem:s21+$0x9440] =	vst.add.f32.msk $0xffff, v16  }
0xf0: {  	[tilespmem:s21+$0x9450] =	vst.add.f32.msk $0xffff, v17  }
0xf1: {  	[tilespmem:s21+$0x9460] =	vst.add.f32.msk $0xffff, v18  }
0xf2: {  	[tilespmem:s21+$0x9470] =	vst.add.f32.msk $0xffff, v19  }
0xf3: {  	[tilespmem:s21+$0x9800] =	vst.add.f32.msk $0xffff, v20  }
0xf4: {  	[tilespmem:s21+$0x9810] =	vst.add.f32.msk $0xffff, v21  }
0xf5: {  	[tilespmem:s21+$0x9820] =	vst.add.f32.msk $0xffff, v22  }
0xf6: {  	[tilespmem:s21+$0x9830] =	vst.add.f32.msk $0xffff, v23  }
0xf7: {  	[tilespmem:s21+$0x9840] =	vst.add.f32.msk $0xffff, v24  }
0xf8: {  	[tilespmem:s21+$0x9850] =	vst.add.f32.msk $0xffff, v25  }
0xf9: {  	[tilespmem:s21+$0x9860] =	vst.add.f32.msk $0xffff, v26  }
0xfa: {  	[tilespmem:s21+$0x9870] =	vst.add.f32.msk $0xffff, v27  }
0xfb: {  	[tilespmem:s21+$0x9C00] =	vst.add.f32.msk $0xffff, v28  }
.Ltmp1:
0xfc: {  	[tilespmem:s21+$0x9C10] =	vst.add.f32.msk $0xffff, v29;
	(pc) =	sbr.rel @p1 .LBB2_5-.Ltmp1, $4  }
0xfd: {  	[tilespmem:s21+$0x9C20] =	vst.add.f32.msk $0xffff, v30  }
0xfe: {  	[tilespmem:s21+$0x9C30] =	vst.add.f32.msk $0xffff, v31  }
0xff: {  	s22 =	sadd.s32 $0x80, s22;
	[tilespmem:s21+$0x9C40] =	vst.add.f32.msk $0xffff, v32  }
0x100: {  	s28 =	sand.u32 $0x3000, s26;
	s26 =	sadd.s32 $0x200, s26;
	s29 =	sand.u32 $0x380, s22;
	[tilespmem:s21+$0x9C50] =	vst.add.f32.msk $0xffff, v33  }
0x101: {  	s22 =	sor.u32 s29, s28;
	[tilespmem:s21+$0x9C60] =	vst.add.f32.msk $0xffff, v3  }
0x102: {  	v3 =	vld [tilespmem:s22+$0x1C70]  }
0x103: {  	v4 =	vld [tilespmem:s22+$0x1000]  }
0x104: {  	v5 =	vld [tilespmem:s22+$0x1010]  }
0x105: {  	v6 =	vld [tilespmem:s22+$0x1020]  }
0x106: {  	v7 =	vld [tilespmem:s22+$0x1030]  }
0x107: {  	v8 =	vld [tilespmem:s22+$0x1050]  }
0x108: {  	v9 =	vld [tilespmem:s22+$0x1060]  }
0x109: {  	v10 =	vld [tilespmem:s22+$0x1070]  }
0x10a: {  	v11 =	vld [tilespmem:s22+$0x1400]  }
0x10b: {  	v12 =	vld [tilespmem:s22+$0x1410]  }
0x10c: {  	v13 =	vld [tilespmem:s22+$0x1420]  }
0x10d: {  	v14 =	vld [tilespmem:s22+$0x1430]  }
0x10e: {  	v15 =	vld [tilespmem:s22+$0x1440]  }
0x10f: {  	v16 =	vld [tilespmem:s22+$0x1450]  }
0x110: {  	v17 =	vld [tilespmem:s22+$0x1460]  }
0x111: {  	v18 =	vld [tilespmem:s22+$0x1470]  }
0x112: {  	v19 =	vld [tilespmem:s22+$0x1800]  }
0x113: {  	v20 =	vld [tilespmem:s22+$0x1810]  }
0x114: {  	v21 =	vld [tilespmem:s22+$0x1820]  }
0x115: {  	v22 =	vld [tilespmem:s22+$0x1830]  }
0x116: {  	v23 =	vld [tilespmem:s22+$0x1840]  }
0x117: {  	v24 =	vld [tilespmem:s22+$0x1850]  }
0x118: {  	v25 =	vld [tilespmem:s22+$0x1860]  }
0x119: {  	v26 =	vld [tilespmem:s22+$0x1870]  }
0x11a: {  	v27 =	vld [tilespmem:s22+$0x1C00]  }
0x11b: {  	v28 =	vld [tilespmem:s22+$0x1C10]  }
0x11c: {  	v29 =	vld [tilespmem:s22+$0x1C20]  }
0x11d: {  	v30 =	vld [tilespmem:s22+$0x1C30]  }
0x11e: {  	v31 =	vld [tilespmem:s22+$0x1C40]  }
0x11f: {  	v32 =	vld [tilespmem:s22+$0x1C50]  }
0x120: {  	v33 =	vld [tilespmem:s22+$0x1C60]  }
0x121: {  	[tilespmem:s22+$0x9C70] =	vst.add.f32.msk $0xffff, v3  }
0x122: {  	v3 =	vld [tilespmem:s22+$0x1040]  }
0x123: {  	[tilespmem:s22+$0x9000] =	vst.add.f32.msk $0xffff, v4  }
0x124: {  	[tilespmem:s22+$0x9010] =	vst.add.f32.msk $0xffff, v5  }
0x125: {  	[tilespmem:s22+$0x9020] =	vst.add.f32.msk $0xffff, v6  }
0x126: {  	[tilespmem:s22+$0x9030] =	vst.add.f32.msk $0xffff, v7  }
0x127: {  	[tilespmem:s22+$0x9050] =	vst.add.f32.msk $0xffff, v8  }
0x128: {  	[tilespmem:s22+$0x9060] =	vst.add.f32.msk $0xffff, v9  }
0x129: {  	[tilespmem:s22+$0x9070] =	vst.add.f32.msk $0xffff, v10  }
0x12a: {  	[tilespmem:s22+$0x9400] =	vst.add.f32.msk $0xffff, v11  }
0x12b: {  	[tilespmem:s22+$0x9410] =	vst.add.f32.msk $0xffff, v12  }
0x12c: {  	[tilespmem:s22+$0x9420] =	vst.add.f32.msk $0xffff, v13  }
0x12d: {  	[tilespmem:s22+$0x9430] =	vst.add.f32.msk $0xffff, v14  }
0x12e: {  	[tilespmem:s22+$0x9440] =	vst.add.f32.msk $0xffff, v15  }
0x12f: {  	[tilespmem:s22+$0x9450] =	vst.add.f32.msk $0xffff, v16  }
0x130: {  	[tilespmem:s22+$0x9460] =	vst.add.f32.msk $0xffff, v17  }
0x131: {  	[tilespmem:s22+$0x9470] =	vst.add.f32.msk $0xffff, v18  }
0x132: {  	[tilespmem:s22+$0x9800] =	vst.add.f32.msk $0xffff, v19  }
0x133: {  	[tilespmem:s22+$0x9810] =	vst.add.f32.msk $0xffff, v20  }
0x134: {  	[tilespmem:s22+$0x9820] =	vst.add.f32.msk $0xffff, v21  }
0x135: {  	[tilespmem:s22+$0x9830] =	vst.add.f32.msk $0xffff, v22  }
0x136: {  	[tilespmem:s22+$0x9840] =	vst.add.f32.msk $0xffff, v23  }
0x137: {  	[tilespmem:s22+$0x9850] =	vst.add.f32.msk $0xffff, v24  }
0x138: {  	[tilespmem:s22+$0x9860] =	vst.add.f32.msk $0xffff, v25  }
0x139: {  	[tilespmem:s22+$0x9870] =	vst.add.f32.msk $0xffff, v26  }
0x13a: {  	[tilespmem:s22+$0x9C00] =	vst.add.f32.msk $0xffff, v27  }
0x13b: {  	[tilespmem:s22+$0x9C10] =	vst.add.f32.msk $0xffff, v28  }
0x13c: {  	[tilespmem:s22+$0x9C20] =	vst.add.f32.msk $0xffff, v29  }
0x13d: {  	[tilespmem:s22+$0x9C30] =	vst.add.f32.msk $0xffff, v30  }
0x13e: {  	[tilespmem:s22+$0x9C40] =	vst.add.f32.msk $0xffff, v31  }
0x13f: {  	s26 =	sshll.u32 s18, $0x12;
	[tilespmem:s22+$0x9C50] =	vst.add.f32.msk $0xffff, v32  }
0x140: {  	s30 =	rddreg [dreg:$0x3];
	s21 =	sor.u32 s6, s26;
	[tilespmem:s22+$0x9C60] =	vst.add.f32.msk $0xffff, v33  }
0x141: {  	[tilespmem:s22+$0x9040] =	vst.add.f32.msk $0xffff, v3;
	s22 =	sadd.s32 s30, s21  }
0x142: {  	[hbm4b:s22+s4] =	stream.linear.scatter [tilespmem:s15], [sflag:$0x6], $0x4000, $0x38;
	[tilespmem:$0x19000] =	vst v63  }
0x143: {  	_ =	swait.ge [sflag:s24], $0x4000  }
0x144: {  	[sflag:s24] =	ssyncset.done $0x0  }
0x145: {  	s22 =	simm.s32 @!p0 $0x9;
	[sflag:s24] =	ssyncadd.s32 $0xFFFFC000  }
0x146: {  	s20 =	sor.u32 $0x3, s20;
	_ =	swait.ge @!p0 [sflag:s22], $0x4000  }
0x147: {  	s26 =	sshll.u32 s20, $0x5;
	[sflag:s22] =	ssyncset.done @!p0 $0x0  }
0x148: {  	s26 =	sand.u32 $0x3FFFFFE0, s26;
	[sflag:s22] =	ssyncadd.s32 @!p0 $0xFFFFC000  }
0x149: {  	v3 =	vld [tilespmem:s26+$0x0];
	_ =	sdelay $0x4  }
0x14a: {  	v4 =	vshll.u32 v3, $0x2  }
0x14b: {  	v3 =	vand.u32 $0x7, v3;
	v4 =	vand.u32 $0xFFFFFFE0, v4  }
0x14c: {  	v3 =	vor.u32 v3, v4  }
0x14d: {  	v4 =	vperm.xlane v3, v0;
	_ =	sdelay $0x1  }
0x14e: {  	v4 =	vadd.s32 v1, v4;
	_ =	sdelay $0x1  }
0x14f: {  	v3 =	vperm.xlane v3, v2;
	_ =	sdelay $0x1  }
0x150: {  	s22 =	simm.s32 $0x0;
	v3 =	vadd.s32 v1, v3  }
0x151: {  	[tilespmem:s25], [sflag:$0x5] =	stream.indirect_vreg.gather [hbm4b:s1+s22], $0x80, v4, vm0, $0xb8;
	[tilespmem:$0x19000] =	vst v63  }
0x152: {  	s28 =	simm.s32 $0x15800  }
0x153: {  	[tilespmem:s28], [sflag:$0x5] =	stream.indirect_vreg.gather [hbm4b:s8+s22], $0x80, v4, vm0, $0xb8;
	[tilespmem:$0x19000] =	vst v63  }
0x154: {  	s28 =	simm.s32 $0x16000  }
0x155: {  	[tilespmem:s28], [sflag:$0x5] =	stream.indirect_vreg.gather [hbm4b:s1+s22], $0x80, v3, vm0, $0xb8;
	[tilespmem:$0x19000] =	vst v63  }
0x156: {  	s28 =	simm.s32 $0x16800  }
0x157: {  	[tilespmem:s28], [sflag:$0x5] =	stream.indirect_vreg.gather [hbm4b:s8+s22], $0x80, v3, vm0, $0xb8;
	[tilespmem:$0x19000] =	vst v63  }
0x158: {  	v3 =	vld [tilespmem:s26+$0x10];
	_ =	sdelay $0x4  }
0x159: {  	v4 =	vshll.u32 v3, $0x2  }
0x15a: {  	v3 =	vand.u32 $0x7, v3;
	v4 =	vand.u32 $0xFFFFFFE0, v4  }
0x15b: {  	v3 =	vor.u32 v3, v4  }
0x15c: {  	v4 =	vperm.xlane v3, v0;
	_ =	sdelay $0x1  }
0x15d: {  	v4 =	vadd.s32 v1, v4;
	_ =	sdelay $0x1  }
0x15e: {  	v3 =	vperm.xlane v3, v2;
	_ =	sdelay $0x1  }
0x15f: {  	s31 =	simm.s32 $0x17000;
	v3 =	vadd.s32 v1, v3  }
0x160: {  	[tilespmem:s31], [sflag:$0x5] =	stream.indirect_vreg.gather [hbm4b:s1+s22], $0x80, v4, vm0, $0xb8;
	[tilespmem:$0x19000] =	vst v63  }
0x161: {  	s30 =	simm.s32 $0x17800  }
0x162: {  	[tilespmem:s30], [sflag:$0x5] =	stream.indirect_vreg.gather [hbm4b:s8+s22], $0x80, v4, vm0, $0xb8;
	[tilespmem:$0x19000] =	vst v63  }
0x163: {  	s28 =	sand.u32 $0x3000, s22;
	s31 =	sand.u32 $0x380, s22  }
0x164: {  	[tilespmem:s7], [sflag:$0x5] =	stream.indirect_vreg.gather [hbm4b:s1+s22], $0x80, v3, vm0, $0xb8;
	[tilespmem:$0x19000] =	vst v63  }
0x165: {  	s26 =	sor.u32 s31, s28  }
0x166: {  	[tilespmem:s11], [sflag:$0x5] =	stream.indirect_vreg.gather [hbm4b:s8+s22], $0x80, v3, vm0, $0xb8;
	[tilespmem:$0x19000] =	vst v63  }
0x167: {  	v3 =	vld [tilespmem:s26+$0x5870]  }
0x168: {  	v4 =	vld [tilespmem:s26+$0x5860]  }
0x169: {  	v5 =	vld [tilespmem:s26+$0x5840]  }
0x16a: {  	v49 =	vld [tilespmem:s26+$0x5850]  }
0x16b: {  	v50 =	vld [tilespmem:s26+$0x5820]  }
0x16c: {  	v51 =	vld [tilespmem:s26+$0x5800]  }
0x16d: {  	v52 =	vld [tilespmem:s26+$0x5460]  }
0x16e: {  	v53 =	vld [tilespmem:s26+$0x5470]  }
0x16f: {  	v54 =	vld [tilespmem:s26+$0x5450]  }
0x170: {  	v55 =	vld [tilespmem:s26+$0x5420]  }
0x171: {  	v56 =	vld [tilespmem:s26+$0x5410]  }
0x172: {  	v57 =	vld [tilespmem:s26+$0x5050]  }
0x173: {  	v58 =	vld [tilespmem:s26+$0x5010]  }
0x174: {  	v59 =	vld [tilespmem:s26+$0x5060]  }
0x175: {  	v60 =	vld [tilespmem:s26+$0x5000]  }
0x176: {  	v61 =	vld [tilespmem:s26+$0x5030]  }
0x177: {  	v62 =	vld [tilespmem:s26+$0x5070]  }
0x178: {  	v63 =	vld [tilespmem:s26+$0x5040]  }
0x179: {  	[tilespmem:s26+$0xD870] =	vst.add.f32.msk $0xffff, v3  }
0x17a: {  	[tilespmem:s26+$0xD840] =	vst.add.f32.msk $0xffff, v5  }
0x17b: {  	[tilespmem:s26+$0xD860] =	vst.add.f32.msk $0xffff, v4  }
0x17c: {  	v3 =	vld [tilespmem:s26+$0x5440]  }
0x17d: {  	[tilespmem:s26+$0xD850] =	vst.add.f32.msk $0xffff, v49  }
0x17e: {  	v4 =	vld [tilespmem:s26+$0x5830]  }
0x17f: {  	v5 =	vld [tilespmem:s26+$0x5810]  }
0x180: {  	[tilespmem:s26+$0xD820] =	vst.add.f32.msk $0xffff, v50  }
0x181: {  	[tilespmem:s26+$0xD800] =	vst.add.f32.msk $0xffff, v51  }
0x182: {  	[tilespmem:s26+$0xD460] =	vst.add.f32.msk $0xffff, v52  }
0x183: {  	[tilespmem:s26+$0xD470] =	vst.add.f32.msk $0xffff, v53  }
0x184: {  	[tilespmem:s26+$0xD450] =	vst.add.f32.msk $0xffff, v54  }
0x185: {  	[tilespmem:s26+$0xD420] =	vst.add.f32.msk $0xffff, v55  }
0x186: {  	[tilespmem:s26+$0xD410] =	vst.add.f32.msk $0xffff, v56  }
0x187: {  	[tilespmem:s26+$0xD050] =	vst.add.f32.msk $0xffff, v57  }
0x188: {  	[tilespmem:s26+$0xD060] =	vst.add.f32.msk $0xffff, v59  }
0x189: {  	[tilespmem:s26+$0xD030] =	vst.add.f32.msk $0xffff, v61  }
0x18a: {  	[tilespmem:s26+$0xD040] =	vst.add.f32.msk $0xffff, v63  }
0x18b: {  	[tilespmem:s26+$0xD070] =	vst.add.f32.msk $0xffff, v62  }
0x18c: {  	[tilespmem:s26+$0xD440] =	vst.add.f32.msk $0xffff, v3  }
0x18d: {  	[tilespmem:s26+$0xD830] =	vst.add.f32.msk $0xffff, v4  }
0x18e: {  	v3 =	vld [tilespmem:s26+$0x5430]  }
0x18f: {  	[tilespmem:s26+$0xD810] =	vst.add.f32.msk $0xffff, v5  }
0x190: {  	v5 =	vld [tilespmem:s26+$0x5400]  }
0x191: {  	v4 =	vld [tilespmem:s26+$0x5020]  }
0x192: {  	[tilespmem:s26+$0xD010] =	vst.add.f32.msk $0xffff, v58  }
0x193: {  	[tilespmem:s26+$0xD000] =	vst.add.f32.msk $0xffff, v60  }
0x194: {  	[tilespmem:s26+$0xD430] =	vst.add.f32.msk $0xffff, v3  }
0x195: {  	s28 =	sor.u32 s28, s22;
	[tilespmem:s26+$0xD400] =	vst.add.f32.msk $0xffff, v5  }
0x196: {  	s29 =	sor.u32 $0x4C00, s28;
	[tilespmem:s26+$0xD020] =	vst.add.f32.msk $0xffff, v4  }
0x197: {  	s28 =	simm.s32 $0x200;
	v3 =	vld [tilespmem:s29+$0x1000]  }
.LBB2_7:
0x198: {  	_ =	sdelay $0x2  }
0x199: {  	p0 =	sne.s32 s28, $0x3E00  }
0x19a: {  	s22 =	sadd.s32 $0x80, s22;
	s30 =	smov.u32 s28;
	s28 =	sadd.s32 $0x200, s28;
	[tilespmem:s26+$0xDC00] =	vst.add.f32.msk $0xffff, v3  }
0x19b: {  	v3 =	vld [tilespmem:s29+$0x1010];
	_ =	sdelay $0x4  }
0x19c: {  	[tilespmem:s26+$0xDC10] =	vst.add.f32.msk $0xffff, v3  }
0x19d: {  	v3 =	vld [tilespmem:s29+$0x1020];
	_ =	sdelay $0x4  }
0x19e: {  	[tilespmem:s26+$0xDC20] =	vst.add.f32.msk $0xffff, v3  }
0x19f: {  	v3 =	vld [tilespmem:s29+$0x1030];
	_ =	sdelay $0x4  }
0x1a0: {  	[tilespmem:s26+$0xDC30] =	vst.add.f32.msk $0xffff, v3  }
0x1a1: {  	v3 =	vld [tilespmem:s29+$0x1040];
	_ =	sdelay $0x4  }
0x1a2: {  	[tilespmem:s26+$0xDC40] =	vst.add.f32.msk $0xffff, v3  }
0x1a3: {  	v3 =	vld [tilespmem:s29+$0x1050];
	_ =	sdelay $0x4  }
0x1a4: {  	[tilespmem:s26+$0xDC50] =	vst.add.f32.msk $0xffff, v3  }
0x1a5: {  	v3 =	vld [tilespmem:s29+$0x1060];
	_ =	sdelay $0x4  }
0x1a6: {  	[tilespmem:s26+$0xDC60] =	vst.add.f32.msk $0xffff, v3  }
0x1a7: {  	v3 =	vld [tilespmem:s29+$0x1070];
	_ =	sdelay $0x3  }
0x1a8: {  	s30 =	sand.u32 $0x3000, s30;
	s31 =	sand.u32 $0x380, s22  }
0x1a9: {  	s29 =	sor.u32 s30, s22;
	[tilespmem:s26+$0xDC70] =	vst.add.f32.msk $0xffff, v3;
	s26 =	sor.u32 s31, s30  }
0x1aa: {  	v3 =	vld [tilespmem:s26+$0x5870]  }
0x1ab: {  	v4 =	vld [tilespmem:s26+$0x5860]  }
0x1ac: {  	v5 =	vld [tilespmem:s26+$0x5840]  }
0x1ad: {  	v6 =	vld [tilespmem:s26+$0x5850]  }
0x1ae: {  	v7 =	vld [tilespmem:s26+$0x5820]  }
0x1af: {  	v8 =	vld [tilespmem:s26+$0x5800]  }
0x1b0: {  	v9 =	vld [tilespmem:s26+$0x5460]  }
0x1b1: {  	[tilespmem:s26+$0xD870] =	vst.add.f32.msk $0xffff, v3  }
0x1b2: {  	[tilespmem:s26+$0xD840] =	vst.add.f32.msk $0xffff, v5  }
0x1b3: {  	[tilespmem:s26+$0xD860] =	vst.add.f32.msk $0xffff, v4  }
0x1b4: {  	v3 =	vld [tilespmem:s26+$0x5440]  }
0x1b5: {  	[tilespmem:s26+$0xD850] =	vst.add.f32.msk $0xffff, v6  }
0x1b6: {  	v4 =	vld [tilespmem:s26+$0x5830]  }
0x1b7: {  	v5 =	vld [tilespmem:s26+$0x5810]  }
0x1b8: {  	v6 =	vld [tilespmem:s26+$0x5470]  }
0x1b9: {  	[tilespmem:s26+$0xD820] =	vst.add.f32.msk $0xffff, v7  }
0x1ba: {  	[tilespmem:s26+$0xD800] =	vst.add.f32.msk $0xffff, v8  }
0x1bb: {  	[tilespmem:s26+$0xD460] =	vst.add.f32.msk $0xffff, v9  }
0x1bc: {  	v7 =	vld [tilespmem:s26+$0x5450]  }
0x1bd: {  	v8 =	vld [tilespmem:s26+$0x5420]  }
0x1be: {  	[tilespmem:s26+$0xD440] =	vst.add.f32.msk $0xffff, v3  }
0x1bf: {  	[tilespmem:s26+$0xD830] =	vst.add.f32.msk $0xffff, v4  }
0x1c0: {  	v3 =	vld [tilespmem:s26+$0x5430]  }
0x1c1: {  	v4 =	vld [tilespmem:s26+$0x5020]  }
0x1c2: {  	[tilespmem:s26+$0xD810] =	vst.add.f32.msk $0xffff, v5  }
0x1c3: {  	v5 =	vld [tilespmem:s26+$0x5400]  }
0x1c4: {  	[tilespmem:s26+$0xD470] =	vst.add.f32.msk $0xffff, v6  }
0x1c5: {  	v6 =	vld [tilespmem:s26+$0x5410]  }
0x1c6: {  	v9 =	vld [tilespmem:s26+$0x5050]  }
0x1c7: {  	v10 =	vld [tilespmem:s26+$0x5010]  }
0x1c8: {  	v11 =	vld [tilespmem:s26+$0x5060]  }
0x1c9: {  	v12 =	vld [tilespmem:s26+$0x5000]  }
0x1ca: {  	v13 =	vld [tilespmem:s26+$0x5030]  }
0x1cb: {  	[tilespmem:s26+$0xD450] =	vst.add.f32.msk $0xffff, v7  }
0x1cc: {  	[tilespmem:s26+$0xD420] =	vst.add.f32.msk $0xffff, v8  }
0x1cd: {  	v7 =	vld [tilespmem:s26+$0x5070]  }
0x1ce: {  	v8 =	vld [tilespmem:s26+$0x5040]  }
0x1cf: {  	[tilespmem:s26+$0xD430] =	vst.add.f32.msk $0xffff, v3  }
0x1d0: {  	[tilespmem:s26+$0xD400] =	vst.add.f32.msk $0xffff, v5  }
0x1d1: {  	[tilespmem:s26+$0xD410] =	vst.add.f32.msk $0xffff, v6  }
0x1d2: {  	[tilespmem:s26+$0xD050] =	vst.add.f32.msk $0xffff, v9  }
0x1d3: {  	[tilespmem:s26+$0xD060] =	vst.add.f32.msk $0xffff, v11  }
0x1d4: {  	[tilespmem:s26+$0xD030] =	vst.add.f32.msk $0xffff, v13  }
0x1d5: {  	[tilespmem:s26+$0xD040] =	vst.add.f32.msk $0xffff, v8  }
.Ltmp2:
0x1d6: {  	[tilespmem:s26+$0xD070] =	vst.add.f32.msk $0xffff, v7;
	(pc) =	sbr.rel @p0 .LBB2_7-.Ltmp2, $4  }
0x1d7: {  	[tilespmem:s26+$0xD010] =	vst.add.f32.msk $0xffff, v10  }
0x1d8: {  	s29 =	sor.u32 $0x4C00, s29;
	[tilespmem:s26+$0xD000] =	vst.add.f32.msk $0xffff, v12  }
0x1d9: {  	[tilespmem:s26+$0xD020] =	vst.add.f32.msk $0xffff, v4  }
0x1da: {  	v3 =	vld [tilespmem:s29+$0x1000]  }
0x1db: {  	_ =	sdelay $0x3  }
0x1dc: {  	[tilespmem:s26+$0xDC00] =	vst.add.f32.msk $0xffff, v3  }
0x1dd: {  	v3 =	vld [tilespmem:s29+$0x1010];
	_ =	sdelay $0x4  }
0x1de: {  	[tilespmem:s26+$0xDC10] =	vst.add.f32.msk $0xffff, v3  }
0x1df: {  	v3 =	vld [tilespmem:s29+$0x1020];
	_ =	sdelay $0x4  }
0x1e0: {  	[tilespmem:s26+$0xDC20] =	vst.add.f32.msk $0xffff, v3  }
0x1e1: {  	v3 =	vld [tilespmem:s29+$0x1030];
	_ =	sdelay $0x4  }
0x1e2: {  	[tilespmem:s26+$0xDC30] =	vst.add.f32.msk $0xffff, v3  }
0x1e3: {  	v3 =	vld [tilespmem:s29+$0x1040];
	_ =	sdelay $0x4  }
0x1e4: {  	[tilespmem:s26+$0xDC40] =	vst.add.f32.msk $0xffff, v3  }
0x1e5: {  	v3 =	vld [tilespmem:s29+$0x1050];
	_ =	sdelay $0x4  }
0x1e6: {  	[tilespmem:s26+$0xDC50] =	vst.add.f32.msk $0xffff, v3  }
0x1e7: {  	v3 =	vld [tilespmem:s29+$0x1060];
	_ =	sdelay $0x4  }
0x1e8: {  	[tilespmem:s26+$0xDC60] =	vst.add.f32.msk $0xffff, v3  }
0x1e9: {  	v3 =	vld [tilespmem:s29+$0x1070];
	_ =	sdelay $0x4  }
0x1ea: {  	s21 =	sadd.s32 s21, s9;
	[tilespmem:s26+$0xDC70] =	vst.add.f32.msk $0xffff, v3  }
0x1eb: {  	[hbm4b:s21+s4] =	stream.linear.scatter [tilespmem:s23], [sflag:$0x7], $0x4000, $0x38;
	[tilespmem:$0x19000] =	vst v63  }
0x1ec: {  	_ =	swait.ge [sflag:s14], $0x4000  }
0x1ed: {  	[sflag:s14] =	ssyncset.done $0x0  }
0x1ee: {  	[sflag:s14] =	ssyncadd.s32 $0xFFFFC000  }
0x1ef: {  	p0 =	seq.s32 s18, $0x1F;
	_ =	swait.ge [sflag:s0], $0x4000  }
0x1f0: {  	s21 =	sshll.u32 @!p0 s18, $0x7;
	[sflag:s0] =	ssyncset.done $0x0  }
0x1f1: {  	s21 =	sand.u32 @!p0 $0x3FFFFF80, s21;
	[sflag:s0] =	ssyncadd.s32 $0xFFFFC000  }
0x1f2: {  	v3 =	vld @!p0 [tilespmem:s21+$0x80];
	_ =	sdelay $0x4  }
0x1f3: {  	v4 =	vshll.u32 @!p0 v3, $0x2  }
0x1f4: {  	v5 =	vlaneseq.u32 @!p0;
	v3 =	vand.u32 @!p0 $0x7, v3;
	v4 =	vand.u32 @!p0 $0xFFFFFFE0, v4  }
0x1f5: {  	v6 =	vshrl.u32 @!p0 v5, $0x3;
	v3 =	vor.u32 @!p0 v3, v4;
	v4 =	vand.u32 @!p0 $0x7, v5  }
0x1f6: {  	v6 =	vmul.u32 @!p0 $0x8, v6;
	v7 =	vperm.xlane @!p0 v3, v4;
	_ =	sdelay $0x1  }
0x1f7: {  	v7 =	vadd.s32 @!p0 v6, v7  }
0x1f8: {  	v5 =	vor.u32 @!p0 $0x8, v5  }
0x1f9: {  	v3 =	vperm.xlane @!p0 v3, v5;
	_ =	sdelay $0x1  }
0x1fa: {  	vm1 =	vmmov @!p0 $0xffff;
	s22 =	simm.s32 @!p0 $0x0;
	s26 =	simm.s32 @!p0 $0x9000;
	v3 =	vadd.s32 @!p0 v6, v3  }
0x1fb: {  	[tilespmem:s26], [sflag:$0x2] =	stream.indirect_vreg.gather @!p0 [hbm4b:s1+s22], $0x80, v7, vm1, $0xb8;
	[tilespmem:$0x19000] =	vst v63  }
0x1fc: {  	s26 =	simm.s32 @!p0 $0x9800  }
0x1fd: {  	[tilespmem:s26], [sflag:$0x2] =	stream.indirect_vreg.gather @!p0 [hbm4b:s8+s22], $0x80, v7, vm1, $0xb8;
	[tilespmem:$0x19000] =	vst v63  }
0x1fe: {  	s26 =	simm.s32 @!p0 $0xA000  }
0x1ff: {  	[tilespmem:s26], [sflag:$0x2] =	stream.indirect_vreg.gather @!p0 [hbm4b:s1+s22], $0x80, v3, vm1, $0xb8;
	[tilespmem:$0x19000] =	vst v63  }
0x200: {  	s26 =	simm.s32 @!p0 $0xA800  }
0x201: {  	[tilespmem:s26], [sflag:$0x2] =	stream.indirect_vreg.gather @!p0 [hbm4b:s8+s22], $0x80, v3, vm1, $0xb8;
	[tilespmem:$0x19000] =	vst v63  }
0x202: {  	v3 =	vld @!p0 [tilespmem:s21+$0x90];
	_ =	sdelay $0x4  }
0x203: {  	v7 =	vshll.u32 @!p0 v3, $0x2  }
0x204: {  	v3 =	vand.u32 @!p0 $0x7, v3;
	v7 =	vand.u32 @!p0 $0xFFFFFFE0, v7  }
0x205: {  	v3 =	vor.u32 @!p0 v3, v7  }
0x206: {  	v4 =	vperm.xlane @!p0 v3, v4;
	_ =	sdelay $0x1  }
0x207: {  	v4 =	vadd.s32 @!p0 v6, v4;
	_ =	sdelay $0x1  }
0x208: {  	v3 =	vperm.xlane @!p0 v3, v5;
	_ =	sdelay $0x1  }
0x209: {  	s26 =	simm.s32 @!p0 $0xB000;
	v3 =	vadd.s32 @!p0 v6, v3  }
0x20a: {  	[tilespmem:s26], [sflag:$0x2] =	stream.indirect_vreg.gather @!p0 [hbm4b:s1+s22], $0x80, v4, vm1, $0xb8;
	[tilespmem:$0x19000] =	vst v63  }
0x20b: {  	s26 =	simm.s32 @!p0 $0xB800  }
0x20c: {  	[tilespmem:s26], [sflag:$0x2] =	stream.indirect_vreg.gather @!p0 [hbm4b:s8+s22], $0x80, v4, vm1, $0xb8;
	[tilespmem:$0x19000] =	vst v63  }
0x20d: {  	s26 =	simm.s32 @!p0 $0xC000  }
0x20e: {  	[tilespmem:s26], [sflag:$0x2] =	stream.indirect_vreg.gather @!p0 [hbm4b:s1+s22], $0x80, v3, vm1, $0xb8;
	[tilespmem:$0x19000] =	vst v63  }
0x20f: {  	s26 =	simm.s32 @!p0 $0xC800  }
0x210: {  	[tilespmem:s26], [sflag:$0x2] =	stream.indirect_vreg.gather @!p0 [hbm4b:s8+s22], $0x80, v3, vm1, $0xb8;
	[tilespmem:$0x19000] =	vst v63  }
0x211: {  	s26 =	simm.s32 $0x0  }
0x212: {  	s31 =	sand.u32 $0x3000, s26;
	s22 =	sand.u32 $0x380, s26  }
0x213: {  	s22 =	sor.u32 s22, s31  }
0x214: {  	v3 =	vld [tilespmem:s22+$0x1C70]  }
0x215: {  	v4 =	vld [tilespmem:s22+$0x1000]  }
0x216: {  	v5 =	vld [tilespmem:s22+$0x1010]  }
0x217: {  	v62 =	vld [tilespmem:s22+$0x1020]  }
0x218: {  	v63 =	vld [tilespmem:s22+$0x1030]  }
0x219: {  	v8 =	vld [tilespmem:s22+$0x1040]  }
0x21a: {  	v9 =	vld [tilespmem:s22+$0x1050]  }
0x21b: {  	v10 =	vld [tilespmem:s22+$0x1060]  }
0x21c: {  	v11 =	vld [tilespmem:s22+$0x1070]  }
0x21d: {  	v12 =	vld [tilespmem:s22+$0x1400]  }
0x21e: {  	v13 =	vld [tilespmem:s22+$0x1410]  }
0x21f: {  	v14 =	vld [tilespmem:s22+$0x1420]  }
0x220: {  	v15 =	vld [tilespmem:s22+$0x1430]  }
0x221: {  	v16 =	vld [tilespmem:s22+$0x1440]  }
0x222: {  	v17 =	vld [tilespmem:s22+$0x1450]  }
0x223: {  	v18 =	vld [tilespmem:s22+$0x1460]  }
0x224: {  	v19 =	vld [tilespmem:s22+$0x1470]  }
0x225: {  	v20 =	vld [tilespmem:s22+$0x1800]  }
0x226: {  	v21 =	vld [tilespmem:s22+$0x1810]  }
0x227: {  	v22 =	vld [tilespmem:s22+$0x1820]  }
0x228: {  	v23 =	vld [tilespmem:s22+$0x1830]  }
0x229: {  	v24 =	vld [tilespmem:s22+$0x1840]  }
0x22a: {  	v25 =	vld [tilespmem:s22+$0x1850]  }
0x22b: {  	v26 =	vld [tilespmem:s22+$0x1860]  }
0x22c: {  	v27 =	vld [tilespmem:s22+$0x1870]  }
0x22d: {  	v28 =	vld [tilespmem:s22+$0x1C00]  }
0x22e: {  	v29 =	vld [tilespmem:s22+$0x1C10]  }
0x22f: {  	v30 =	vld [tilespmem:s22+$0x1C20]  }
0x230: {  	v31 =	vld [tilespmem:s22+$0x1C30]  }
0x231: {  	v32 =	vld [tilespmem:s22+$0x1C40]  }
0x232: {  	v33 =	vld [tilespmem:s22+$0x1C50]  }
0x233: {  	[tilespmem:s22+$0x11C70] =	vst.add.f32.msk $0xffff, v3  }
0x234: {  	v3 =	vld [tilespmem:s22+$0x1C60]  }
0x235: {  	[tilespmem:s22+$0x11000] =	vst.add.f32.msk $0xffff, v4  }
0x236: {  	[tilespmem:s22+$0x11010] =	vst.add.f32.msk $0xffff, v5  }
0x237: {  	[tilespmem:s22+$0x11020] =	vst.add.f32.msk $0xffff, v62  }
0x238: {  	[tilespmem:s22+$0x11030] =	vst.add.f32.msk $0xffff, v63  }
0x239: {  	[tilespmem:s22+$0x11040] =	vst.add.f32.msk $0xffff, v8  }
0x23a: {  	[tilespmem:s22+$0x11050] =	vst.add.f32.msk $0xffff, v9  }
0x23b: {  	[tilespmem:s22+$0x11060] =	vst.add.f32.msk $0xffff, v10  }
0x23c: {  	[tilespmem:s22+$0x11070] =	vst.add.f32.msk $0xffff, v11  }
0x23d: {  	[tilespmem:s22+$0x11400] =	vst.add.f32.msk $0xffff, v12  }
0x23e: {  	[tilespmem:s22+$0x11410] =	vst.add.f32.msk $0xffff, v13  }
0x23f: {  	[tilespmem:s22+$0x11420] =	vst.add.f32.msk $0xffff, v14  }
0x240: {  	[tilespmem:s22+$0x11430] =	vst.add.f32.msk $0xffff, v15  }
0x241: {  	[tilespmem:s22+$0x11440] =	vst.add.f32.msk $0xffff, v16  }
0x242: {  	[tilespmem:s22+$0x11450] =	vst.add.f32.msk $0xffff, v17  }
0x243: {  	[tilespmem:s22+$0x11460] =	vst.add.f32.msk $0xffff, v18  }
0x244: {  	[tilespmem:s22+$0x11470] =	vst.add.f32.msk $0xffff, v19  }
0x245: {  	[tilespmem:s22+$0x11800] =	vst.add.f32.msk $0xffff, v20  }
0x246: {  	[tilespmem:s22+$0x11810] =	vst.add.f32.msk $0xffff, v21  }
0x247: {  	[tilespmem:s22+$0x11820] =	vst.add.f32.msk $0xffff, v22  }
0x248: {  	[tilespmem:s22+$0x11830] =	vst.add.f32.msk $0xffff, v23  }
0x249: {  	[tilespmem:s22+$0x11840] =	vst.add.f32.msk $0xffff, v24  }
0x24a: {  	[tilespmem:s22+$0x11850] =	vst.add.f32.msk $0xffff, v25  }
0x24b: {  	[tilespmem:s22+$0x11860] =	vst.add.f32.msk $0xffff, v26  }
0x24c: {  	[tilespmem:s22+$0x11870] =	vst.add.f32.msk $0xffff, v27  }
0x24d: {  	[tilespmem:s22+$0x11C00] =	vst.add.f32.msk $0xffff, v28  }
0x24e: {  	[tilespmem:s22+$0x11C10] =	vst.add.f32.msk $0xffff, v29  }
0x24f: {  	[tilespmem:s22+$0x11C20] =	vst.add.f32.msk $0xffff, v30  }
0x250: {  	[tilespmem:s22+$0x11C30] =	vst.add.f32.msk $0xffff, v31  }
0x251: {  	s28 =	simm.s32 $0x200;
	s26 =	simm.s32 $0x80;
	[tilespmem:s22+$0x11C40] =	vst.add.f32.msk $0xffff, v32  }
0x252: {  	s29 =	sand.u32 $0x3000, s28;
	s28 =	simm.s32 $0x400;
	s30 =	sand.u32 $0x380, s26;
	[tilespmem:s22+$0x11C50] =	vst.add.f32.msk $0xffff, v33  }
.LBB2_9:
0x253: {  	p1 =	sne.s32 s28, $0x3E00;
	[tilespmem:s22+$0x11C60] =	vst.add.f32.msk $0xffff, v3;
	s22 =	sor.u32 s30, s29  }
0x254: {  	v3 =	vld [tilespmem:s22+$0x1C70]  }
0x255: {  	v4 =	vld [tilespmem:s22+$0x1000]  }
0x256: {  	v5 =	vld [tilespmem:s22+$0x1010]  }
0x257: {  	v6 =	vld [tilespmem:s22+$0x1020]  }
0x258: {  	v7 =	vld [tilespmem:s22+$0x1030]  }
0x259: {  	[tilespmem:s22+$0x11C70] =	vst.add.f32.msk $0xffff, v3  }
0x25a: {  	v8 =	vld [tilespmem:s22+$0x1040]  }
0x25b: {  	v9 =	vld [tilespmem:s22+$0x1050]  }
0x25c: {  	v10 =	vld [tilespmem:s22+$0x1060]  }
0x25d: {  	v11 =	vld [tilespmem:s22+$0x1070]  }
0x25e: {  	v12 =	vld [tilespmem:s22+$0x1400]  }
0x25f: {  	v13 =	vld [tilespmem:s22+$0x1410]  }
0x260: {  	v14 =	vld [tilespmem:s22+$0x1420]  }
0x261: {  	v15 =	vld [tilespmem:s22+$0x1430]  }
0x262: {  	v16 =	vld [tilespmem:s22+$0x1440]  }
0x263: {  	v17 =	vld [tilespmem:s22+$0x1450]  }
0x264: {  	v18 =	vld [tilespmem:s22+$0x1460]  }
0x265: {  	v19 =	vld [tilespmem:s22+$0x1470]  }
0x266: {  	v20 =	vld [tilespmem:s22+$0x1800]  }
0x267: {  	v21 =	vld [tilespmem:s22+$0x1810]  }
0x268: {  	v22 =	vld [tilespmem:s22+$0x1820]  }
0x269: {  	v23 =	vld [tilespmem:s22+$0x1830]  }
0x26a: {  	v24 =	vld [tilespmem:s22+$0x1840]  }
0x26b: {  	v25 =	vld [tilespmem:s22+$0x1850]  }
0x26c: {  	v26 =	vld [tilespmem:s22+$0x1860]  }
0x26d: {  	v27 =	vld [tilespmem:s22+$0x1870]  }
0x26e: {  	v28 =	vld [tilespmem:s22+$0x1C00]  }
0x26f: {  	v29 =	vld [tilespmem:s22+$0x1C10]  }
0x270: {  	v30 =	vld [tilespmem:s22+$0x1C20]  }
0x271: {  	v31 =	vld [tilespmem:s22+$0x1C30]  }
0x272: {  	v32 =	vld [tilespmem:s22+$0x1C40]  }
0x273: {  	v33 =	vld [tilespmem:s22+$0x1C50]  }
0x274: {  	v3 =	vld [tilespmem:s22+$0x1C60]  }
0x275: {  	[tilespmem:s22+$0x11000] =	vst.add.f32.msk $0xffff, v4  }
0x276: {  	[tilespmem:s22+$0x11010] =	vst.add.f32.msk $0xffff, v5  }
0x277: {  	[tilespmem:s22+$0x11020] =	vst.add.f32.msk $0xffff, v6  }
0x278: {  	[tilespmem:s22+$0x11030] =	vst.add.f32.msk $0xffff, v7  }
0x279: {  	[tilespmem:s22+$0x11040] =	vst.add.f32.msk $0xffff, v8  }
0x27a: {  	[tilespmem:s22+$0x11050] =	vst.add.f32.msk $0xffff, v9  }
0x27b: {  	[tilespmem:s22+$0x11060] =	vst.add.f32.msk $0xffff, v10  }
0x27c: {  	[tilespmem:s22+$0x11070] =	vst.add.f32.msk $0xffff, v11  }
0x27d: {  	[tilespmem:s22+$0x11400] =	vst.add.f32.msk $0xffff, v12  }
0x27e: {  	[tilespmem:s22+$0x11410] =	vst.add.f32.msk $0xffff, v13  }
0x27f: {  	[tilespmem:s22+$0x11420] =	vst.add.f32.msk $0xffff, v14  }
0x280: {  	[tilespmem:s22+$0x11430] =	vst.add.f32.msk $0xffff, v15  }
0x281: {  	[tilespmem:s22+$0x11440] =	vst.add.f32.msk $0xffff, v16  }
0x282: {  	[tilespmem:s22+$0x11450] =	vst.add.f32.msk $0xffff, v17  }
0x283: {  	[tilespmem:s22+$0x11460] =	vst.add.f32.msk $0xffff, v18  }
0x284: {  	[tilespmem:s22+$0x11470] =	vst.add.f32.msk $0xffff, v19  }
0x285: {  	[tilespmem:s22+$0x11800] =	vst.add.f32.msk $0xffff, v20  }
0x286: {  	[tilespmem:s22+$0x11810] =	vst.add.f32.msk $0xffff, v21  }
0x287: {  	[tilespmem:s22+$0x11820] =	vst.add.f32.msk $0xffff, v22  }
0x288: {  	[tilespmem:s22+$0x11830] =	vst.add.f32.msk $0xffff, v23  }
0x289: {  	[tilespmem:s22+$0x11840] =	vst.add.f32.msk $0xffff, v24  }
0x28a: {  	[tilespmem:s22+$0x11850] =	vst.add.f32.msk $0xffff, v25  }
0x28b: {  	[tilespmem:s22+$0x11860] =	vst.add.f32.msk $0xffff, v26  }
0x28c: {  	[tilespmem:s22+$0x11870] =	vst.add.f32.msk $0xffff, v27  }
0x28d: {  	[tilespmem:s22+$0x11C00] =	vst.add.f32.msk $0xffff, v28  }
.Ltmp3:
0x28e: {  	[tilespmem:s22+$0x11C10] =	vst.add.f32.msk $0xffff, v29;
	(pc) =	sbr.rel @p1 .LBB2_9-.Ltmp3, $4  }
0x28f: {  	[tilespmem:s22+$0x11C20] =	vst.add.f32.msk $0xffff, v30  }
0x290: {  	[tilespmem:s22+$0x11C30] =	vst.add.f32.msk $0xffff, v31  }
0x291: {  	s26 =	sadd.s32 $0x80, s26;
	[tilespmem:s22+$0x11C40] =	vst.add.f32.msk $0xffff, v32  }
0x292: {  	s29 =	sand.u32 $0x3000, s28;
	s28 =	sadd.s32 $0x200, s28;
	s30 =	sand.u32 $0x380, s26;
	[tilespmem:s22+$0x11C50] =	vst.add.f32.msk $0xffff, v33  }
0x293: {  	s26 =	sor.u32 s30, s29;
	[tilespmem:s22+$0x11C60] =	vst.add.f32.msk $0xffff, v3  }
0x294: {  	v3 =	vld [tilespmem:s26+$0x1C70]  }
0x295: {  	v4 =	vld [tilespmem:s26+$0x1000]  }
0x296: {  	v5 =	vld [tilespmem:s26+$0x1010]  }
0x297: {  	v6 =	vld [tilespmem:s26+$0x1020]  }
0x298: {  	v7 =	vld [tilespmem:s26+$0x1030]  }
0x299: {  	v8 =	vld [tilespmem:s26+$0x1050]  }
0x29a: {  	v9 =	vld [tilespmem:s26+$0x1060]  }
0x29b: {  	v10 =	vld [tilespmem:s26+$0x1070]  }
0x29c: {  	v11 =	vld [tilespmem:s26+$0x1400]  }
0x29d: {  	v12 =	vld [tilespmem:s26+$0x1410]  }
0x29e: {  	v13 =	vld [tilespmem:s26+$0x1420]  }
0x29f: {  	v14 =	vld [tilespmem:s26+$0x1430]  }
0x2a0: {  	v15 =	vld [tilespmem:s26+$0x1440]  }
0x2a1: {  	v16 =	vld [tilespmem:s26+$0x1450]  }
0x2a2: {  	v17 =	vld [tilespmem:s26+$0x1460]  }
0x2a3: {  	v18 =	vld [tilespmem:s26+$0x1470]  }
0x2a4: {  	v19 =	vld [tilespmem:s26+$0x1800]  }
0x2a5: {  	v20 =	vld [tilespmem:s26+$0x1810]  }
0x2a6: {  	v21 =	vld [tilespmem:s26+$0x1820]  }
0x2a7: {  	v22 =	vld [tilespmem:s26+$0x1830]  }
0x2a8: {  	v23 =	vld [tilespmem:s26+$0x1840]  }
0x2a9: {  	v24 =	vld [tilespmem:s26+$0x1850]  }
0x2aa: {  	v25 =	vld [tilespmem:s26+$0x1860]  }
0x2ab: {  	v26 =	vld [tilespmem:s26+$0x1870]  }
0x2ac: {  	v27 =	vld [tilespmem:s26+$0x1C00]  }
0x2ad: {  	v28 =	vld [tilespmem:s26+$0x1C10]  }
0x2ae: {  	v29 =	vld [tilespmem:s26+$0x1C20]  }
0x2af: {  	v30 =	vld [tilespmem:s26+$0x1C30]  }
0x2b0: {  	v31 =	vld [tilespmem:s26+$0x1C40]  }
0x2b1: {  	v32 =	vld [tilespmem:s26+$0x1C50]  }
0x2b2: {  	v33 =	vld [tilespmem:s26+$0x1C60]  }
0x2b3: {  	[tilespmem:s26+$0x11C70] =	vst.add.f32.msk $0xffff, v3  }
0x2b4: {  	v3 =	vld [tilespmem:s26+$0x1040]  }
0x2b5: {  	[tilespmem:s26+$0x11000] =	vst.add.f32.msk $0xffff, v4  }
0x2b6: {  	[tilespmem:s26+$0x11010] =	vst.add.f32.msk $0xffff, v5  }
0x2b7: {  	[tilespmem:s26+$0x11020] =	vst.add.f32.msk $0xffff, v6  }
0x2b8: {  	[tilespmem:s26+$0x11030] =	vst.add.f32.msk $0xffff, v7  }
0x2b9: {  	[tilespmem:s26+$0x11050] =	vst.add.f32.msk $0xffff, v8  }
0x2ba: {  	[tilespmem:s26+$0x11060] =	vst.add.f32.msk $0xffff, v9  }
0x2bb: {  	[tilespmem:s26+$0x11070] =	vst.add.f32.msk $0xffff, v10  }
0x2bc: {  	[tilespmem:s26+$0x11400] =	vst.add.f32.msk $0xffff, v11  }
0x2bd: {  	[tilespmem:s26+$0x11410] =	vst.add.f32.msk $0xffff, v12  }
0x2be: {  	[tilespmem:s26+$0x11420] =	vst.add.f32.msk $0xffff, v13  }
0x2bf: {  	[tilespmem:s26+$0x11430] =	vst.add.f32.msk $0xffff, v14  }
0x2c0: {  	[tilespmem:s26+$0x11440] =	vst.add.f32.msk $0xffff, v15  }
0x2c1: {  	[tilespmem:s26+$0x11450] =	vst.add.f32.msk $0xffff, v16  }
0x2c2: {  	[tilespmem:s26+$0x11460] =	vst.add.f32.msk $0xffff, v17  }
0x2c3: {  	[tilespmem:s26+$0x11470] =	vst.add.f32.msk $0xffff, v18  }
0x2c4: {  	[tilespmem:s26+$0x11800] =	vst.add.f32.msk $0xffff, v19  }
0x2c5: {  	[tilespmem:s26+$0x11810] =	vst.add.f32.msk $0xffff, v20  }
0x2c6: {  	[tilespmem:s26+$0x11820] =	vst.add.f32.msk $0xffff, v21  }
0x2c7: {  	[tilespmem:s26+$0x11830] =	vst.add.f32.msk $0xffff, v22  }
0x2c8: {  	[tilespmem:s26+$0x11840] =	vst.add.f32.msk $0xffff, v23  }
0x2c9: {  	[tilespmem:s26+$0x11850] =	vst.add.f32.msk $0xffff, v24  }
0x2ca: {  	[tilespmem:s26+$0x11860] =	vst.add.f32.msk $0xffff, v25  }
0x2cb: {  	[tilespmem:s26+$0x11870] =	vst.add.f32.msk $0xffff, v26  }
0x2cc: {  	[tilespmem:s26+$0x11C00] =	vst.add.f32.msk $0xffff, v27  }
0x2cd: {  	[tilespmem:s26+$0x11C10] =	vst.add.f32.msk $0xffff, v28  }
0x2ce: {  	[tilespmem:s26+$0x11C20] =	vst.add.f32.msk $0xffff, v29  }
0x2cf: {  	[tilespmem:s26+$0x11C30] =	vst.add.f32.msk $0xffff, v30  }
0x2d0: {  	[tilespmem:s26+$0x11C40] =	vst.add.f32.msk $0xffff, v31  }
0x2d1: {  	[tilespmem:s26+$0x11C50] =	vst.add.f32.msk $0xffff, v32  }
0x2d2: {  	s19 =	sshll.u32 s19, $0x10;
	[tilespmem:s26+$0x11C60] =	vst.add.f32.msk $0xffff, v33  }
0x2d3: {  	s19 =	sadd.s32 s19, s10;
	[tilespmem:s26+$0x11040] =	vst.add.f32.msk $0xffff, v3  }
0x2d4: {  	[hbm4b:s19+s4] =	stream.linear.scatter [tilespmem:s13], [sflag:$0x8], $0x4000, $0x38;
	[tilespmem:$0x19000] =	vst v63  }
0x2d5: {  	_ =	swait.ge [sflag:s3], $0x4000  }
0x2d6: {  	[sflag:s3] =	ssyncset.done $0x0  }
0x2d7: {  	[sflag:s3] =	ssyncadd.s32 $0xFFFFC000  }
0x2d8: {  	_ =	swait.ge [sflag:s16], $0x4000  }
0x2d9: {  	[sflag:s16] =	ssyncset.done $0x0  }
0x2da: {  	[sflag:s16] =	ssyncadd.s32 $0xFFFFC000  }
0x2db: {  	v3 =	vld @!p0 [tilespmem:s21+$0xA0];
	_ =	sdelay $0x4  }
0x2dc: {  	v4 =	vshll.u32 @!p0 v3, $0x2  }
0x2dd: {  	v5 =	vlaneseq.u32 @!p0;
	v3 =	vand.u32 @!p0 $0x7, v3;
	v4 =	vand.u32 @!p0 $0xFFFFFFE0, v4  }
0x2de: {  	v6 =	vshrl.u32 @!p0 v5, $0x3;
	v3 =	vor.u32 @!p0 v3, v4;
	v4 =	vand.u32 @!p0 $0x7, v5  }
0x2df: {  	v6 =	vmul.u32 @!p0 $0x8, v6;
	v7 =	vperm.xlane @!p0 v3, v4;
	_ =	sdelay $0x1  }
0x2e0: {  	v7 =	vadd.s32 @!p0 v6, v7  }
0x2e1: {  	v5 =	vor.u32 @!p0 $0x8, v5  }
0x2e2: {  	v3 =	vperm.xlane @!p0 v3, v5;
	_ =	sdelay $0x1  }
0x2e3: {  	s22 =	simm.s32 @!p0 $0xD000;
	s19 =	simm.s32 @!p0 $0x0;
	v3 =	vadd.s32 @!p0 v6, v3  }
0x2e4: {  	[tilespmem:s22], [sflag:$0x3] =	stream.indirect_vreg.gather @!p0 [hbm4b:s1+s19], $0x80, v7, vm1, $0xb8;
	[tilespmem:$0x19000] =	vst v63  }
0x2e5: {  	s22 =	simm.s32 @!p0 $0xD800  }
0x2e6: {  	[tilespmem:s22], [sflag:$0x3] =	stream.indirect_vreg.gather @!p0 [hbm4b:s8+s19], $0x80, v7, vm1, $0xb8;
	[tilespmem:$0x19000] =	vst v63  }
0x2e7: {  	s22 =	simm.s32 @!p0 $0xE000  }
0x2e8: {  	[tilespmem:s22], [sflag:$0x3] =	stream.indirect_vreg.gather @!p0 [hbm4b:s1+s19], $0x80, v3, vm1, $0xb8;
	[tilespmem:$0x19000] =	vst v63  }
0x2e9: {  	s22 =	simm.s32 @!p0 $0xE800  }
0x2ea: {  	[tilespmem:s22], [sflag:$0x3] =	stream.indirect_vreg.gather @!p0 [hbm4b:s8+s19], $0x80, v3, vm1, $0xb8;
	[tilespmem:$0x19000] =	vst v63  }
0x2eb: {  	v3 =	vld @!p0 [tilespmem:s21+$0xB0];
	_ =	sdelay $0x4  }
0x2ec: {  	v7 =	vshll.u32 @!p0 v3, $0x2  }
0x2ed: {  	v3 =	vand.u32 @!p0 $0x7, v3;
	v7 =	vand.u32 @!p0 $0xFFFFFFE0, v7  }
0x2ee: {  	v3 =	vor.u32 @!p0 v3, v7  }
0x2ef: {  	v4 =	vperm.xlane @!p0 v3, v4;
	_ =	sdelay $0x1  }
0x2f0: {  	v4 =	vadd.s32 @!p0 v6, v4;
	_ =	sdelay $0x1  }
0x2f1: {  	v3 =	vperm.xlane @!p0 v3, v5;
	_ =	sdelay $0x1  }
0x2f2: {  	s21 =	simm.s32 @!p0 $0xF000;
	v3 =	vadd.s32 @!p0 v6, v3  }
0x2f3: {  	[tilespmem:s21], [sflag:$0x3] =	stream.indirect_vreg.gather @!p0 [hbm4b:s1+s19], $0x80, v4, vm1, $0xb8;
	[tilespmem:$0x19000] =	vst v63  }
0x2f4: {  	s21 =	simm.s32 @!p0 $0xF800  }
0x2f5: {  	[tilespmem:s21], [sflag:$0x3] =	stream.indirect_vreg.gather @!p0 [hbm4b:s8+s19], $0x80, v4, vm1, $0xb8;
	[tilespmem:$0x19000] =	vst v63  }
0x2f6: {  	s21 =	simm.s32 @!p0 $0x10000  }
0x2f7: {  	[tilespmem:s21], [sflag:$0x3] =	stream.indirect_vreg.gather @!p0 [hbm4b:s1+s19], $0x80, v3, vm1, $0xb8;
	[tilespmem:$0x19000] =	vst v63  }
0x2f8: {  	s21 =	simm.s32 @!p0 $0x10800  }
0x2f9: {  	[tilespmem:s21], [sflag:$0x3] =	stream.indirect_vreg.gather @!p0 [hbm4b:s8+s19], $0x80, v3, vm1, $0xb8;
	[tilespmem:$0x19000] =	vst v63  }
0x2fa: {  	s21 =	simm.s32 $0x0  }
0x2fb: {  	s30 =	sand.u32 $0x3000, s21;
	s31 =	sand.u32 $0x380, s21  }
0x2fc: {  	s19 =	sor.u32 s31, s30  }
0x2fd: {  	v3 =	vld [tilespmem:s19+$0x5870]  }
0x2fe: {  	v4 =	vld [tilespmem:s19+$0x5860]  }
0x2ff: {  	v5 =	vld [tilespmem:s19+$0x5840]  }
0x300: {  	v49 =	vld [tilespmem:s19+$0x5850]  }
0x301: {  	v50 =	vld [tilespmem:s19+$0x5820]  }
0x302: {  	v51 =	vld [tilespmem:s19+$0x5800]  }
0x303: {  	v52 =	vld [tilespmem:s19+$0x5460]  }
0x304: {  	v53 =	vld [tilespmem:s19+$0x5470]  }
0x305: {  	v54 =	vld [tilespmem:s19+$0x5450]  }
0x306: {  	v55 =	vld [tilespmem:s19+$0x5420]  }
0x307: {  	v56 =	vld [tilespmem:s19+$0x5410]  }
0x308: {  	v57 =	vld [tilespmem:s19+$0x5050]  }
0x309: {  	v58 =	vld [tilespmem:s19+$0x5010]  }
0x30a: {  	v59 =	vld [tilespmem:s19+$0x5060]  }
0x30b: {  	v60 =	vld [tilespmem:s19+$0x5000]  }
0x30c: {  	v61 =	vld [tilespmem:s19+$0x5030]  }
0x30d: {  	v62 =	vld [tilespmem:s19+$0x5070]  }
0x30e: {  	v63 =	vld [tilespmem:s19+$0x5040]  }
0x30f: {  	[tilespmem:s19+$0x15870] =	vst.add.f32.msk $0xffff, v3  }
0x310: {  	[tilespmem:s19+$0x15840] =	vst.add.f32.msk $0xffff, v5  }
0x311: {  	[tilespmem:s19+$0x15860] =	vst.add.f32.msk $0xffff, v4  }
0x312: {  	v3 =	vld [tilespmem:s19+$0x5440]  }
0x313: {  	[tilespmem:s19+$0x15850] =	vst.add.f32.msk $0xffff, v49  }
0x314: {  	v4 =	vld [tilespmem:s19+$0x5830]  }
0x315: {  	v5 =	vld [tilespmem:s19+$0x5810]  }
0x316: {  	[tilespmem:s19+$0x15820] =	vst.add.f32.msk $0xffff, v50  }
0x317: {  	[tilespmem:s19+$0x15800] =	vst.add.f32.msk $0xffff, v51  }
0x318: {  	[tilespmem:s19+$0x15460] =	vst.add.f32.msk $0xffff, v52  }
0x319: {  	[tilespmem:s19+$0x15470] =	vst.add.f32.msk $0xffff, v53  }
0x31a: {  	[tilespmem:s19+$0x15450] =	vst.add.f32.msk $0xffff, v54  }
0x31b: {  	[tilespmem:s19+$0x15420] =	vst.add.f32.msk $0xffff, v55  }
0x31c: {  	[tilespmem:s19+$0x15410] =	vst.add.f32.msk $0xffff, v56  }
0x31d: {  	[tilespmem:s19+$0x15050] =	vst.add.f32.msk $0xffff, v57  }
0x31e: {  	[tilespmem:s19+$0x15060] =	vst.add.f32.msk $0xffff, v59  }
0x31f: {  	[tilespmem:s19+$0x15030] =	vst.add.f32.msk $0xffff, v61  }
0x320: {  	[tilespmem:s19+$0x15040] =	vst.add.f32.msk $0xffff, v63  }
0x321: {  	[tilespmem:s19+$0x15070] =	vst.add.f32.msk $0xffff, v62  }
0x322: {  	[tilespmem:s19+$0x15440] =	vst.add.f32.msk $0xffff, v3  }
0x323: {  	[tilespmem:s19+$0x15830] =	vst.add.f32.msk $0xffff, v4  }
0x324: {  	v3 =	vld [tilespmem:s19+$0x5430]  }
0x325: {  	[tilespmem:s19+$0x15810] =	vst.add.f32.msk $0xffff, v5  }
0x326: {  	v5 =	vld [tilespmem:s19+$0x5400]  }
0x327: {  	v4 =	vld [tilespmem:s19+$0x5020]  }
0x328: {  	[tilespmem:s19+$0x15010] =	vst.add.f32.msk $0xffff, v58  }
0x329: {  	[tilespmem:s19+$0x15000] =	vst.add.f32.msk $0xffff, v60  }
0x32a: {  	[tilespmem:s19+$0x15430] =	vst.add.f32.msk $0xffff, v3  }
0x32b: {  	s22 =	sor.u32 s30, s21;
	[tilespmem:s19+$0x15400] =	vst.add.f32.msk $0xffff, v5  }
0x32c: {  	s26 =	sor.u32 $0x4C00, s22;
	[tilespmem:s19+$0x15020] =	vst.add.f32.msk $0xffff, v4  }
0x32d: {  	s22 =	simm.s32 $0x200;
	v3 =	vld [tilespmem:s26+$0x1000]  }
.LBB2_11:
0x32e: {  	_ =	sdelay $0x2  }
0x32f: {  	p0 =	sne.s32 s22, $0x3E00  }
0x330: {  	s21 =	sadd.s32 $0x80, s21;
	s28 =	smov.u32 s22;
	s22 =	sadd.s32 $0x200, s22;
	[tilespmem:s19+$0x15C00] =	vst.add.f32.msk $0xffff, v3  }
0x331: {  	v3 =	vld [tilespmem:s26+$0x1010];
	_ =	sdelay $0x4  }
0x332: {  	[tilespmem:s19+$0x15C10] =	vst.add.f32.msk $0xffff, v3  }
0x333: {  	v3 =	vld [tilespmem:s26+$0x1020];
	_ =	sdelay $0x4  }
0x334: {  	[tilespmem:s19+$0x15C20] =	vst.add.f32.msk $0xffff, v3  }
0x335: {  	v3 =	vld [tilespmem:s26+$0x1030];
	_ =	sdelay $0x4  }
0x336: {  	[tilespmem:s19+$0x15C30] =	vst.add.f32.msk $0xffff, v3  }
0x337: {  	v3 =	vld [tilespmem:s26+$0x1040];
	_ =	sdelay $0x4  }
0x338: {  	[tilespmem:s19+$0x15C40] =	vst.add.f32.msk $0xffff, v3  }
0x339: {  	v3 =	vld [tilespmem:s26+$0x1050];
	_ =	sdelay $0x4  }
0x33a: {  	[tilespmem:s19+$0x15C50] =	vst.add.f32.msk $0xffff, v3  }
0x33b: {  	v3 =	vld [tilespmem:s26+$0x1060];
	_ =	sdelay $0x4  }
0x33c: {  	[tilespmem:s19+$0x15C60] =	vst.add.f32.msk $0xffff, v3  }
0x33d: {  	v3 =	vld [tilespmem:s26+$0x1070];
	_ =	sdelay $0x3  }
0x33e: {  	s28 =	sand.u32 $0x3000, s28;
	s29 =	sand.u32 $0x380, s21  }
0x33f: {  	s26 =	sor.u32 s28, s21;
	[tilespmem:s19+$0x15C70] =	vst.add.f32.msk $0xffff, v3;
	s19 =	sor.u32 s29, s28  }
0x340: {  	v3 =	vld [tilespmem:s19+$0x5870]  }
0x341: {  	v4 =	vld [tilespmem:s19+$0x5860]  }
0x342: {  	v5 =	vld [tilespmem:s19+$0x5840]  }
0x343: {  	v6 =	vld [tilespmem:s19+$0x5850]  }
0x344: {  	v7 =	vld [tilespmem:s19+$0x5820]  }
0x345: {  	v8 =	vld [tilespmem:s19+$0x5800]  }
0x346: {  	v9 =	vld [tilespmem:s19+$0x5460]  }
0x347: {  	[tilespmem:s19+$0x15870] =	vst.add.f32.msk $0xffff, v3  }
0x348: {  	[tilespmem:s19+$0x15840] =	vst.add.f32.msk $0xffff, v5  }
0x349: {  	[tilespmem:s19+$0x15860] =	vst.add.f32.msk $0xffff, v4  }
0x34a: {  	v3 =	vld [tilespmem:s19+$0x5440]  }
0x34b: {  	[tilespmem:s19+$0x15850] =	vst.add.f32.msk $0xffff, v6  }
0x34c: {  	v4 =	vld [tilespmem:s19+$0x5830]  }
0x34d: {  	v5 =	vld [tilespmem:s19+$0x5810]  }
0x34e: {  	v6 =	vld [tilespmem:s19+$0x5470]  }
0x34f: {  	[tilespmem:s19+$0x15820] =	vst.add.f32.msk $0xffff, v7  }
0x350: {  	[tilespmem:s19+$0x15800] =	vst.add.f32.msk $0xffff, v8  }
0x351: {  	[tilespmem:s19+$0x15460] =	vst.add.f32.msk $0xffff, v9  }
0x352: {  	v7 =	vld [tilespmem:s19+$0x5450]  }
0x353: {  	v8 =	vld [tilespmem:s19+$0x5420]  }
0x354: {  	[tilespmem:s19+$0x15440] =	vst.add.f32.msk $0xffff, v3  }
0x355: {  	[tilespmem:s19+$0x15830] =	vst.add.f32.msk $0xffff, v4  }
0x356: {  	v3 =	vld [tilespmem:s19+$0x5430]  }
0x357: {  	v4 =	vld [tilespmem:s19+$0x5020]  }
0x358: {  	[tilespmem:s19+$0x15810] =	vst.add.f32.msk $0xffff, v5  }
0x359: {  	v5 =	vld [tilespmem:s19+$0x5400]  }
0x35a: {  	[tilespmem:s19+$0x15470] =	vst.add.f32.msk $0xffff, v6  }
0x35b: {  	v6 =	vld [tilespmem:s19+$0x5410]  }
0x35c: {  	v9 =	vld [tilespmem:s19+$0x5050]  }
0x35d: {  	v10 =	vld [tilespmem:s19+$0x5010]  }
0x35e: {  	v11 =	vld [tilespmem:s19+$0x5060]  }
0x35f: {  	v12 =	vld [tilespmem:s19+$0x5000]  }
0x360: {  	v13 =	vld [tilespmem:s19+$0x5030]  }
0x361: {  	[tilespmem:s19+$0x15450] =	vst.add.f32.msk $0xffff, v7  }
0x362: {  	[tilespmem:s19+$0x15420] =	vst.add.f32.msk $0xffff, v8  }
0x363: {  	v7 =	vld [tilespmem:s19+$0x5070]  }
0x364: {  	v8 =	vld [tilespmem:s19+$0x5040]  }
0x365: {  	[tilespmem:s19+$0x15430] =	vst.add.f32.msk $0xffff, v3  }
0x366: {  	[tilespmem:s19+$0x15400] =	vst.add.f32.msk $0xffff, v5  }
0x367: {  	[tilespmem:s19+$0x15410] =	vst.add.f32.msk $0xffff, v6  }
0x368: {  	[tilespmem:s19+$0x15050] =	vst.add.f32.msk $0xffff, v9  }
0x369: {  	[tilespmem:s19+$0x15060] =	vst.add.f32.msk $0xffff, v11  }
0x36a: {  	[tilespmem:s19+$0x15030] =	vst.add.f32.msk $0xffff, v13  }
0x36b: {  	[tilespmem:s19+$0x15040] =	vst.add.f32.msk $0xffff, v8  }
.Ltmp4:
0x36c: {  	[tilespmem:s19+$0x15070] =	vst.add.f32.msk $0xffff, v7;
	(pc) =	sbr.rel @p0 .LBB2_11-.Ltmp4, $4  }
0x36d: {  	[tilespmem:s19+$0x15010] =	vst.add.f32.msk $0xffff, v10  }
0x36e: {  	s26 =	sor.u32 $0x4C00, s26;
	[tilespmem:s19+$0x15000] =	vst.add.f32.msk $0xffff, v12  }
0x36f: {  	[tilespmem:s19+$0x15020] =	vst.add.f32.msk $0xffff, v4  }
0x370: {  	v3 =	vld [tilespmem:s26+$0x1000]  }
0x371: {  	_ =	sdelay $0x3  }
0x372: {  	[tilespmem:s19+$0x15C00] =	vst.add.f32.msk $0xffff, v3  }
0x373: {  	v3 =	vld [tilespmem:s26+$0x1010];
	_ =	sdelay $0x4  }
0x374: {  	[tilespmem:s19+$0x15C10] =	vst.add.f32.msk $0xffff, v3  }
0x375: {  	v3 =	vld [tilespmem:s26+$0x1020];
	_ =	sdelay $0x4  }
0x376: {  	[tilespmem:s19+$0x15C20] =	vst.add.f32.msk $0xffff, v3  }
0x377: {  	v3 =	vld [tilespmem:s26+$0x1030];
	_ =	sdelay $0x4  }
0x378: {  	[tilespmem:s19+$0x15C30] =	vst.add.f32.msk $0xffff, v3  }
0x379: {  	v3 =	vld [tilespmem:s26+$0x1040];
	_ =	sdelay $0x4  }
0x37a: {  	[tilespmem:s19+$0x15C40] =	vst.add.f32.msk $0xffff, v3  }
0x37b: {  	v3 =	vld [tilespmem:s26+$0x1050];
	_ =	sdelay $0x4  }
0x37c: {  	[tilespmem:s19+$0x15C50] =	vst.add.f32.msk $0xffff, v3  }
0x37d: {  	v3 =	vld [tilespmem:s26+$0x1060];
	_ =	sdelay $0x4  }
0x37e: {  	[tilespmem:s19+$0x15C60] =	vst.add.f32.msk $0xffff, v3  }
0x37f: {  	s18 =	sadd.s32 $0x1, s18;
	v3 =	vld [tilespmem:s26+$0x1070]  }
0x380: {  	s20 =	sshll.u32 s20, $0xA;
	p0 =	sne.s32 s18, $0x20  }
.Ltmp5:
0x381: {  	s20 =	sand.u32 $0x1F800, s20;
	(pc) =	sbr.rel @p0 .LBB2_4-.Ltmp5, $4  }
0x382: {  	s20 =	sor.u32 s5, s20  }
0x383: {  	s20 =	sshll.u32 s20, $0x6  }
0x384: {  	s31 =	sadd.s32 s20, s9;
	[tilespmem:s19+$0x15C70] =	vst.add.f32.msk $0xffff, v3  }
0x385: {  	[hbm4b:s31+s4] =	stream.linear.scatter [tilespmem:s25], [sflag:$0x9], $0x4000, $0x38;
	[tilespmem:$0x19000] =	vst v63  }
0x386: {  	s17 =	simm.s32 $0x8  }
0x387: {  	_ =	swait.ge [sflag:s17], $0x4000  }
0x388: {  	[sflag:s17] =	ssyncset.done $0x0  }
0x389: {  	s20 =	simm.s32 $0x9;
	[sflag:s17] =	ssyncadd.s32 $0xFFFFC000  }
0x38a: {  	_ =	swait.ge [sflag:s20], $0x4000  }
0x38b: {  	s18 =	rddreg [dreg:$0x7]  }
0x38c: {  	s31 =	rddreg [dreg:$0x6];
	s18 =	sadd.s32 $0x1, s18  }
0x38d: {  	p0 =	sne.s32 s18, s31  }
.Ltmp6:
0x38e: {  	_ = 	snop;
	(pc) =	sbr.rel @p0 .LBB2_1-.Ltmp6, $3  }
0x38f: {  	_ =	sdelay $0x1  }
0x390: {  	[sflag:s20] =	ssyncset.done $0x0  }
0x391: {  	[sflag:s20] =	ssyncadd.s32 $0xFFFFC000  }
0x392: {  	_ =	sfence.sel $0x180000  }
0x393: {  	[bflag:$0x0] =	sbarrier.arrive $0xFFFF  }
0x394: {  	_ =	strace $0x90000047  }
0x395: {  	s0 =	stileid.u32;
	[bflag:$0x2] =	sbarrier.arrive $0xFFFF  }
0x396: {  	p0 =	sne.s32 s0, $0x0;
	s0 =	rddreg [dreg:$0x4]  }
0x397: {  	s0 =	sadd.s32 @!p0 $0x100000, s0  }
0x398: {  	[sflag:s0] =	ssyncadd.tile.s32 @!p0 $0x1;
	_ =	shalt  }
.Lfunc_end2:
_tile_overlayer_lowered:
.L_overlay_start_2:
0x399: {  	(tag) =	ssettag $0x2  }
0x39a: {  	s0 =	rddreg [dreg:$0x0];
	s2 =	stileid.u32  }
0x39b: {  	s1 =	rddreg [dreg:$0x1];
	p0 =	sne.s32 s2, $0x0  }
0x39c: {  	s3 =	rddreg [dreg:$0x2];
	[bflag:$0x3] =	sbarrier.arrive $0xFFFF;
	s2 =	simm.s32 @!p0 $0x1C0A  }
0x39d: {  	[timem:s3], [sflag:s2] =	dma.local @!p0 [hbm:s0], s1  }
0x39e: {  	s0 =	simm.s32 @!p0 $0xA  }
0x39f: {  	_ =	swait.ge @!p0 [sflag:s0], s1  }
0x3a0: {  	s1 =	ssub.s32 @!p0 $0x0, s1;
	[sflag:s0] =	ssyncset.done @!p0 $0x0  }
0x3a1: {  	[sflag:s0] =	ssyncadd.s32 @!p0 s1  }
0x3a2: {  	[bflag:$0x3] =	sbarrier.arrive $0xFFFF  }
0x3a3: {  	_ =	shalt  }

</sc_bundles>
